<compile_context>
chip_gen: v7x
topology: tpu7x:2x2x1
jax: 0.10.2.dev20260603
libtpu: 0.0.44.dev20260713+nightly
codegen_flags: <defaults>
</compile_context>

<pallas_src>
import functools

import jax
import jax.numpy as jnp
from jax import lax
from jax.experimental import pallas as pl
from jax.experimental.pallas import tpu as pltpu
from jax.experimental.pallas import tpu_sc as plsc

N = 10000
NP = 10240
D = 256
CH = 128
NSUB = 16
ROWS = NP // NSUB
BR = 1024


def _sc_degrees(idx_flat, ones16, zeros16):
    E = idx_flat.shape[0] // 8
    NCHUNK = E // CH
    mesh = plsc.VectorSubcoreMesh(core_axis_name="c", subcore_axis_name="s")

    @functools.partial(
        pl.kernel,
        out_type=jax.ShapeDtypeStruct((8, NP, 16), jnp.float32),
        mesh=mesh,
        scratch_types=[
            pltpu.VMEM_SHARED((NP, 16), jnp.float32),
            pltpu.VMEM_SHARED((NP, 16), jnp.float32),
            pltpu.VMEM_SHARED((NP, 16), jnp.float32),
            pltpu.VMEM_SHARED((NP, 16), jnp.float32),
            pltpu.VMEM((CH, 16), jnp.float32),
            pltpu.VMEM((ROWS, 16), jnp.float32),
            pltpu.VMEM((CH,), jnp.int32),
        ],
        compiler_params=pltpu.CompilerParams(use_tc_tiling_on_sc=False),
    )
    def k(idx_hbm, ones_hbm, zeros_hbm, out_hbm, h0, h1, h2, h3,
          ones_v, z_v, idx_v):
        c = lax.axis_index("c")
        s = lax.axis_index("s")
        hists = [h0, h1, h2, h3]
        pltpu.sync_copy(ones_hbm, ones_v)
        pltpu.sync_copy(zeros_hbm, z_v)
        for j in range(4):
            pltpu.sync_copy(z_v, hists[j].at[pl.ds(s * ROWS, ROWS)])
        plsc.subcore_barrier()
        lo = (s * NCHUNK) // NSUB
        hi = ((s + 1) * NCHUNK) // NSUB
        for j in range(4):
            job = c * 4 + j

            def body(ch, _, _h=hists[j], _job=job):
                pltpu.sync_copy(
                    idx_hbm.at[pl.ds(_job * E + ch * CH, CH)], idx_v)
                pltpu.sync_copy(ones_v, _h.at[idx_v], add=True)
                return 0

            lax.fori_loop(lo, hi, body, 0)
        plsc.subcore_barrier()
        for j in range(4):
            job = c * 4 + j
            pltpu.sync_copy(hists[j].at[pl.ds(s * ROWS, ROWS)], z_v)
            pltpu.sync_copy(z_v, out_hbm.at[job, pl.ds(s * ROWS, ROWS)])

    return k(idx_flat, ones16, zeros16)


def _sc_aggregate(xc, src_flat, dst_flat, zrows):
    E = src_flat.shape[0] // 4
    NCHUNK = E // CH
    mesh = plsc.VectorSubcoreMesh(core_axis_name="c", subcore_axis_name="s")

    @functools.partial(
        pl.kernel,
        out_type=jax.ShapeDtypeStruct((4, 2, NP, 128), jnp.float32),
        mesh=mesh,
        scratch_types=[
            pltpu.VMEM_SHARED((NP, 128), jnp.float32),
            pltpu.VMEM((CH, 128), jnp.float32),
            pltpu.VMEM((CH, 128), jnp.float32),
            pltpu.VMEM((CH,), jnp.int32),
            pltpu.VMEM((CH,), jnp.int32),
            pltpu.SemaphoreType.DMA,
        ],
    )
    def k(xc_hbm, src_hbm, dst_hbm, z_hbm, out_hbm,
          acc, rows_v, zbuf, sidx, didx, sem):
        c = lax.axis_index("c")
        s = lax.axis_index("s")
        pltpu.sync_copy(z_hbm, zbuf)
        lo = (s * NCHUNK) // NSUB
        hi = ((s + 1) * NCHUNK) // NSUB
        nz = ROWS // CH
        for r in range(4):
            def zero(kk, _):
                pltpu.sync_copy(zbuf, acc.at[pl.ds(s * ROWS + kk * CH, CH)])
                return 0

            lax.fori_loop(0, nz, zero, 0)
            plsc.subcore_barrier()

            def body(ch, _, _r=r):
                pltpu.sync_copy(
                    src_hbm.at[pl.ds(_r * E + ch * CH, CH)], sidx)
                pltpu.sync_copy(
                    dst_hbm.at[pl.ds(_r * E + ch * CH, CH)], didx)
                pltpu.async_copy(xc_hbm.at[_r, c].at[sidx], rows_v,
                                 sem).wait()
                pltpu.sync_copy(rows_v, acc.at[didx], add=True)
                return 0

            lax.fori_loop(lo, hi, body, 0)
            plsc.subcore_barrier()

            def rdout(kk, _, _r=r):
                base = s * ROWS + kk * CH
                pltpu.sync_copy(acc.at[pl.ds(base, CH)], rows_v)
                pltpu.sync_copy(rows_v, out_hbm.at[_r, c, pl.ds(base, CH)])
                return 0

            lax.fori_loop(0, nz, rdout, 0)

    return k(xc, src_flat, dst_flat, zrows)


def _tc_scale(xs, degT):
    NB = NP // BR

    def body(xs_ref, deg_ref, out_ref):
        xd = xs_ref[0]
        xdis = xs_ref[1]
        deg = deg_ref[...]
        for r in range(4):
            d = deg[:, r:r + 1]
            cj = jnp.where(d > 0.0, lax.rsqrt(d), 0.0)
            scaled = (xd if r < 2 else xdis) * cj
            out_ref[r, 0] = scaled[:, :128]
            out_ref[r, 1] = scaled[:, 128:]

    return pl.pallas_call(
        body,
        grid=(NB,),
        in_specs=[
            pl.BlockSpec((2, BR, D), lambda b: (0, b, 0)),
            pl.BlockSpec((BR, 8), lambda b: (b, 0)),
        ],
        out_specs=pl.BlockSpec((4, 2, BR, 128), lambda b: (0, 0, b, 0)),
        out_shape=jax.ShapeDtypeStruct((4, 2, NP, 128), jnp.float32),
    )(xs, degT)


def _tc_final(s, degT, Wst, ufc_w, ifc_w, ufc_b2, ifc_b2):
    NB = NP // BR

    def body(s_ref, deg_ref, W_ref, uw_ref, iw_ref, ub_ref, ib_ref,
             drug_ref, dis_ref):
        deg = deg_ref[...]
        accs = []
        for rs in ((0, 1), (2, 3)):
            acc = jnp.zeros((BR, D), jnp.float32)
            for r in rs:
                dd = deg[:, 4 + r:5 + r]
                inv = jnp.where(dd > 0.0, 1.0 / dd, 1.0)
                for h in range(2):
                    sb = s_ref[r, h] * inv
                    acc = acc + jnp.dot(sb, W_ref[r, h * 128:(h + 1) * 128, :],
                                        preferred_element_type=jnp.float32)
            accs.append(acc)
        dis_ref[...] = jnp.dot(accs[0], iw_ref[...],
                               preferred_element_type=jnp.float32) + ib_ref[...]
        drug_ref[...] = jnp.dot(accs[1], uw_ref[...],
                                preferred_element_type=jnp.float32) + ub_ref[...]

    return pl.pallas_call(
        body,
        grid=(NB,),
        in_specs=[
            pl.BlockSpec((4, 2, BR, 128), lambda b: (0, 0, b, 0)),
            pl.BlockSpec((BR, 8), lambda b: (b, 0)),
            pl.BlockSpec((4, D, D), lambda b: (0, 0, 0)),
            pl.BlockSpec((D, D), lambda b: (0, 0)),
            pl.BlockSpec((D, D), lambda b: (0, 0)),
            pl.BlockSpec((1, D), lambda b: (0, 0)),
            pl.BlockSpec((1, D), lambda b: (0, 0)),
        ],
        out_specs=[
            pl.BlockSpec((BR, D), lambda b: (b, 0)),
            pl.BlockSpec((BR, D), lambda b: (b, 0)),
        ],
        out_shape=[
            jax.ShapeDtypeStruct((NP, D), jnp.float32),
            jax.ShapeDtypeStruct((NP, D), jnp.float32),
        ],
    )(s, degT, Wst, ufc_w, ifc_w, ufc_b2, ifc_b2)


def kernel(x_drug, x_disease, ei_1, ei_0, ei_rev1, ei_rev0,
           W_1, W_0, W_rev1, W_rev0, ufc_w, ufc_b, ifc_w, ifc_b):
    E = ei_1.shape[1]
    src_flat = jnp.concatenate(
        [ei_1[0], ei_0[0], ei_rev1[0], ei_rev0[0]])
    dst_flat = jnp.concatenate(
        [ei_1[1], ei_0[1], ei_rev1[1], ei_rev0[1]])
    idx_flat = jnp.concatenate([src_flat, dst_flat])

    hist = _sc_degrees(idx_flat,
                       jnp.ones((CH, 16), jnp.float32),
                       jnp.zeros((ROWS, 16), jnp.float32))
    degT = jnp.transpose(hist[:, :, 0])

    pad = ((0, NP - N), (0, 0))
    xs = jnp.stack([jnp.pad(x_drug, pad), jnp.pad(x_disease, pad)])
    xc = _tc_scale(xs, degT)

    s = _sc_aggregate(xc, src_flat, dst_flat,
                      jnp.zeros((CH, 128), jnp.float32))

    Wst = jnp.stack([W_1, W_0, W_rev1, W_rev0])
    drug, disease = _tc_final(s, degT, Wst, ufc_w, ifc_w,
                              ufc_b.reshape(1, D), ifc_b.reshape(1, D))
    return (drug[:N], disease[:N])

# --- scband reference (transcript-rebuilt; emitter-appended) ---
"""Pipeline reference for scband-tcnlayer-48687749268222 (READ-ONLY COPY).

The authoritative reference and input builder live on the scoring server;
editing this copy changes nothing except your own understanding.
"""

import jax, jax.numpy as jnp
import numpy as np

N_DRUG = 10000
N_DIS = 10000
E = 160000
D = 256
M = 256
O = 256


def setup_inputs(seed: int = 0) -> dict:
    key = jax.random.key(seed)
    ks = jax.random.split(key, 14)
    x_drug = jax.random.normal(ks[0], (N_DRUG, D), dtype=jnp.float32)
    x_disease = jax.random.normal(ks[1], (N_DIS, D), dtype=jnp.float32)
    ei_1 = jax.random.randint(ks[2], (2, E), 0, N_DRUG, dtype=jnp.int32)
    ei_0 = jax.random.randint(ks[3], (2, E), 0, N_DRUG, dtype=jnp.int32)
    ei_rev1 = jax.random.randint(ks[4], (2, E), 0, N_DIS, dtype=jnp.int32)
    ei_rev0 = jax.random.randint(ks[5], (2, E), 0, N_DIS, dtype=jnp.int32)
    s1 = (6.0 / (D + M)) ** 0.5
    s2 = (6.0 / (M + O)) ** 0.5
    W_1 = jax.random.uniform(ks[6], (D, M), jnp.float32, -s1, s1)
    W_0 = jax.random.uniform(ks[7], (D, M), jnp.float32, -s1, s1)
    W_rev1 = jax.random.uniform(ks[8], (D, M), jnp.float32, -s1, s1)
    W_rev0 = jax.random.uniform(ks[9], (D, M), jnp.float32, -s1, s1)
    ufc_w = jax.random.uniform(ks[10], (M, O), jnp.float32, -s2, s2)
    ufc_b = jnp.zeros((O,), jnp.float32)
    ifc_w = jax.random.uniform(ks[11], (M, O), jnp.float32, -s2, s2)
    ifc_b = jnp.zeros((O,), jnp.float32)
    return {
        "x_drug": x_drug, "x_disease": x_disease,
        "ei_1": ei_1, "ei_0": ei_0, "ei_rev1": ei_rev1, "ei_rev0": ei_rev0,
        "W_1": W_1, "W_0": W_0, "W_rev1": W_rev1, "W_rev0": W_rev0,
        "ufc_w": ufc_w, "ufc_b": ufc_b, "ifc_w": ifc_w, "ifc_b": ifc_b,
    }


def _tcn_conv(x_src, edge_index, W, n_src, n_dst):
    src = edge_index[0]
    dst = edge_index[1]
    deg_src = jnp.bincount(src, length=n_src).astype(jnp.float32)
    cj = jnp.where(deg_src == 0.0, 0.0, deg_src ** -0.5)[:, None]
    h = jnp.dot(x_src * cj, W)
    msg = jnp.take(h, src, axis=0)
    s = jax.ops.segment_sum(msg, dst, num_segments=n_dst)
    deg_dst = jnp.bincount(dst, length=n_dst).astype(jnp.float32)
    cnt = jnp.where(deg_dst == 0.0, 1.0, deg_dst)[:, None]
    return s / cnt


def reference(x_drug, x_disease, ei_1, ei_0, ei_rev1, ei_rev0,
              W_1, W_0, W_rev1, W_rev0, ufc_w, ufc_b, ifc_w, ifc_b):
    # HeteroConv with aggr='sum' across relations, each TCNConv uses 'mean' edge aggregation
    out_dis = _tcn_conv(x_drug, ei_1, W_1, N_DRUG, N_DIS) \
            + _tcn_conv(x_drug, ei_0, W_0, N_DRUG, N_DIS)
    out_drug = _tcn_conv(x_disease, ei_rev1, W_rev1, N_DIS, N_DRUG) \
             + _tcn_conv(x_disease, ei_rev0, W_rev0, N_DIS, N_DRUG)
    # agg_act=None -> identity, dropout=0 -> identity
    drug = jnp.dot(out_drug, ufc_w) + ufc_b
    disease = jnp.dot(out_dis, ifc_w) + ifc_b
    return (drug, disease)

if __name__ == "__main__":
    import jax
    _d = setup_inputs()
    print(jax.jit(kernel)(*tuple(_d.values())))

</pallas_src>

<mosaic_0001>
#map = affine_map<(d0, d1) -> (0)>
#map1 = affine_map<(d0, d1) -> (0, 0)>
#map2 = affine_map<(d0, d1) -> (0, 0, 0)>
module attributes {stable_mosaic.version = 14 : i64} {
  func.func @k(%arg0: i32, %arg1: i32, %arg2: memref<1280000xi32, #tpu.memory_space<hbm>>, %arg3: memref<128x16xf32, #tpu.memory_space<hbm>>, %arg4: memref<640x16xf32, #tpu.memory_space<hbm>>, %arg5: memref<8x10240x16xf32, #tpu.memory_space<hbm>>, %arg6: memref<10240x16xf32, #tpu.memory_space<vmem_shared>>, %arg7: memref<10240x16xf32, #tpu.memory_space<vmem_shared>>, %arg8: memref<10240x16xf32, #tpu.memory_space<vmem_shared>>, %arg9: memref<10240x16xf32, #tpu.memory_space<vmem_shared>>, %arg10: memref<128x16xf32, #tpu.memory_space<vmem>>, %arg11: memref<640x16xf32, #tpu.memory_space<vmem>>, %arg12: memref<128xi32, #tpu.memory_space<vmem>>) attributes {dimension_semantics = [#tpu.dimension_semantics<core_parallel>, #tpu.dimension_semantics<subcore_parallel>], iteration_bounds = array<i64: 2, 16>, scalar_prefetch = 0 : i64, scratch_operands = 7 : i64, tpu.core_type = #tpu.core_type<sc_vector_subcore>, window_params = [{transform_indices = #map}, {transform_indices = #map1}, {transform_indices = #map1}, {transform_indices = #map2}]} {
    "tpu.region"() ({
      %run_scoped3A = tpu.sem_alloc : memref<!tpu.dma_semaphore, #tpu.memory_space<semaphore_mem>>
      tpu.enqueue_dma source(%arg3 : memref<128x16xf32, #tpu.memory_space<hbm>>) target(%arg10 : memref<128x16xf32, #tpu.memory_space<vmem>>) target_semaphore(%run_scoped3A : memref<!tpu.dma_semaphore, #tpu.memory_space<semaphore_mem>>)
      tpu.wait_dma2 semaphore(%run_scoped3A : memref<!tpu.dma_semaphore, #tpu.memory_space<semaphore_mem>>) src(%arg3 : memref<128x16xf32, #tpu.memory_space<hbm>>) dst(%arg10 : memref<128x16xf32, #tpu.memory_space<vmem>>)
      tpu.yield
    }) : () -> ()
    "tpu.region"() ({
      %run_scoped3A = tpu.sem_alloc : memref<!tpu.dma_semaphore, #tpu.memory_space<semaphore_mem>>
      tpu.enqueue_dma source(%arg4 : memref<640x16xf32, #tpu.memory_space<hbm>>) target(%arg11 : memref<640x16xf32, #tpu.memory_space<vmem>>) target_semaphore(%run_scoped3A : memref<!tpu.dma_semaphore, #tpu.memory_space<semaphore_mem>>)
      tpu.wait_dma2 semaphore(%run_scoped3A : memref<!tpu.dma_semaphore, #tpu.memory_space<semaphore_mem>>) src(%arg4 : memref<640x16xf32, #tpu.memory_space<hbm>>) dst(%arg11 : memref<640x16xf32, #tpu.memory_space<vmem>>)
      tpu.yield
    }) : () -> ()
    %mul3A = arith.constant 640 : i32
    %mul3A_0 = arith.muli %arg1, %mul3A : i32
    "tpu.region"() ({
      %run_scoped3A = tpu.sem_alloc : memref<!tpu.dma_semaphore, #tpu.memory_space<semaphore_mem>>
      %dma_start3A = arith.constant 0 : i32
      %dma_start3A_144 = tpu.memref_slice %arg6[%mul3A_0, %dma_start3A] : memref<10240x16xf32, #tpu.memory_space<vmem_shared>> -> memref<640x16xf32, #tpu.memory_space<vmem_shared>>
      %dma_start3A_145 = arith.constant 0 : i32
      %dma_start3A_146 = tpu.memref_slice %arg6[%mul3A_0, %dma_start3A_145] : memref<10240x16xf32, #tpu.memory_space<vmem_shared>> -> memref<640x16xf32, #tpu.memory_space<vmem_shared>>
      tpu.enqueue_dma source(%arg11 : memref<640x16xf32, #tpu.memory_space<vmem>>) target(%dma_start3A_146 : memref<640x16xf32, #tpu.memory_space<vmem_shared>>) target_semaphore(%run_scoped3A : memref<!tpu.dma_semaphore, #tpu.memory_space<semaphore_mem>>)
      %dma_wait3A = arith.constant 0 : i32
      %dma_wait3A_147 = tpu.memref_slice %arg6[%mul3A_0, %dma_wait3A] : memref<10240x16xf32, #tpu.memory_space<vmem_shared>> -> memref<640x16xf32, #tpu.memory_space<vmem_shared>>
      %dma_wait3A_148 = arith.constant 0 : i32
      %dma_wait3A_149 = tpu.memref_slice %arg6[%mul3A_0, %dma_wait3A_148] : memref<10240x16xf32, #tpu.memory_space<vmem_shared>> -> memref<640x16xf32, #tpu.memory_space<vmem_shared>>
      tpu.wait_dma2 semaphore(%run_scoped3A : memref<!tpu.dma_semaphore, #tpu.memory_space<semaphore_mem>>) src(%arg11 : memref<640x16xf32, #tpu.memory_space<vmem>>) dst(%dma_wait3A_149 : memref<640x16xf32, #tpu.memory_space<vmem_shared>>)
      tpu.yield
    }) : () -> ()
    %mul3A_1 = arith.constant 640 : i32
    %mul3A_2 = arith.muli %arg1, %mul3A_1 : i32
    "tpu.region"() ({
      %run_scoped3A = tpu.sem_alloc : memref<!tpu.dma_semaphore, #tpu.memory_space<semaphore_mem>>
      %dma_start3A = arith.constant 0 : i32
      %dma_start3A_144 = tpu.memref_slice %arg7[%mul3A_2, %dma_start3A] : memref<10240x16xf32, #tpu.memory_space<vmem_shared>> -> memref<640x16xf32, #tpu.memory_space<vmem_shared>>
      %dma_start3A_145 = arith.constant 0 : i32
      %dma_start3A_146 = tpu.memref_slice %arg7[%mul3A_2, %dma_start3A_145] : memref<10240x16xf32, #tpu.memory_space<vmem_shared>> -> memref<640x16xf32, #tpu.memory_space<vmem_shared>>
      tpu.enqueue_dma source(%arg11 : memref<640x16xf32, #tpu.memory_space<vmem>>) target(%dma_start3A_146 : memref<640x16xf32, #tpu.memory_space<vmem_shared>>) target_semaphore(%run_scoped3A : memref<!tpu.dma_semaphore, #tpu.memory_space<semaphore_mem>>)
      %dma_wait3A = arith.constant 0 : i32
      %dma_wait3A_147 = tpu.memref_slice %arg7[%mul3A_2, %dma_wait3A] : memref<10240x16xf32, #tpu.memory_space<vmem_shared>> -> memref<640x16xf32, #tpu.memory_space<vmem_shared>>
      %dma_wait3A_148 = arith.constant 0 : i32
      %dma_wait3A_149 = tpu.memref_slice %arg7[%mul3A_2, %dma_wait3A_148] : memref<10240x16xf32, #tpu.memory_space<vmem_shared>> -> memref<640x16xf32, #tpu.memory_space<vmem_shared>>
      tpu.wait_dma2 semaphore(%run_scoped3A : memref<!tpu.dma_semaphore, #tpu.memory_space<semaphore_mem>>) src(%arg11 : memref<640x16xf32, #tpu.memory_space<vmem>>) dst(%dma_wait3A_149 : memref<640x16xf32, #tpu.memory_space<vmem_shared>>)
      tpu.yield
    }) : () -> ()
    %mul3A_3 = arith.constant 640 : i32
    %mul3A_4 = arith.muli %arg1, %mul3A_3 : i32
    "tpu.region"() ({
      %run_scoped3A = tpu.sem_alloc : memref<!tpu.dma_semaphore, #tpu.memory_space<semaphore_mem>>
      %dma_start3A = arith.constant 0 : i32
      %dma_start3A_144 = tpu.memref_slice %arg8[%mul3A_4, %dma_start3A] : memref<10240x16xf32, #tpu.memory_space<vmem_shared>> -> memref<640x16xf32, #tpu.memory_space<vmem_shared>>
      %dma_start3A_145 = arith.constant 0 : i32
      %dma_start3A_146 = tpu.memref_slice %arg8[%mul3A_4, %dma_start3A_145] : memref<10240x16xf32, #tpu.memory_space<vmem_shared>> -> memref<640x16xf32, #tpu.memory_space<vmem_shared>>
      tpu.enqueue_dma source(%arg11 : memref<640x16xf32, #tpu.memory_space<vmem>>) target(%dma_start3A_146 : memref<640x16xf32, #tpu.memory_space<vmem_shared>>) target_semaphore(%run_scoped3A : memref<!tpu.dma_semaphore, #tpu.memory_space<semaphore_mem>>)
      %dma_wait3A = arith.constant 0 : i32
      %dma_wait3A_147 = tpu.memref_slice %arg8[%mul3A_4, %dma_wait3A] : memref<10240x16xf32, #tpu.memory_space<vmem_shared>> -> memref<640x16xf32, #tpu.memory_space<vmem_shared>>
      %dma_wait3A_148 = arith.constant 0 : i32
      %dma_wait3A_149 = tpu.memref_slice %arg8[%mul3A_4, %dma_wait3A_148] : memref<10240x16xf32, #tpu.memory_space<vmem_shared>> -> memref<640x16xf32, #tpu.memory_space<vmem_shared>>
      tpu.wait_dma2 semaphore(%run_scoped3A : memref<!tpu.dma_semaphore, #tpu.memory_space<semaphore_mem>>) src(%arg11 : memref<640x16xf32, #tpu.memory_space<vmem>>) dst(%dma_wait3A_149 : memref<640x16xf32, #tpu.memory_space<vmem_shared>>)
      tpu.yield
    }) : () -> ()
    %mul3A_5 = arith.constant 640 : i32
    %mul3A_6 = arith.muli %arg1, %mul3A_5 : i32
    "tpu.region"() ({
      %run_scoped3A = tpu.sem_alloc : memref<!tpu.dma_semaphore, #tpu.memory_space<semaphore_mem>>
      %dma_start3A = arith.constant 0 : i32
      %dma_start3A_144 = tpu.memref_slice %arg9[%mul3A_6, %dma_start3A] : memref<10240x16xf32, #tpu.memory_space<vmem_shared>> -> memref<640x16xf32, #tpu.memory_space<vmem_shared>>
      %dma_start3A_145 = arith.constant 0 : i32
      %dma_start3A_146 = tpu.memref_slice %arg9[%mul3A_6, %dma_start3A_145] : memref<10240x16xf32, #tpu.memory_space<vmem_shared>> -> memref<640x16xf32, #tpu.memory_space<vmem_shared>>
      tpu.enqueue_dma source(%arg11 : memref<640x16xf32, #tpu.memory_space<vmem>>) target(%dma_start3A_146 : memref<640x16xf32, #tpu.memory_space<vmem_shared>>) target_semaphore(%run_scoped3A : memref<!tpu.dma_semaphore, #tpu.memory_space<semaphore_mem>>)
      %dma_wait3A = arith.constant 0 : i32
      %dma_wait3A_147 = tpu.memref_slice %arg9[%mul3A_6, %dma_wait3A] : memref<10240x16xf32, #tpu.memory_space<vmem_shared>> -> memref<640x16xf32, #tpu.memory_space<vmem_shared>>
      %dma_wait3A_148 = arith.constant 0 : i32
      %dma_wait3A_149 = tpu.memref_slice %arg9[%mul3A_6, %dma_wait3A_148] : memref<10240x16xf32, #tpu.memory_space<vmem_shared>> -> memref<640x16xf32, #tpu.memory_space<vmem_shared>>
      tpu.wait_dma2 semaphore(%run_scoped3A : memref<!tpu.dma_semaphore, #tpu.memory_space<semaphore_mem>>) src(%arg11 : memref<640x16xf32, #tpu.memory_space<vmem>>) dst(%dma_wait3A_149 : memref<640x16xf32, #tpu.memory_space<vmem_shared>>)
      tpu.yield
    }) : () -> ()
    %barrier3A = arith.constant 0 : index
    tpu.barrier barrier_id(%barrier3A)
    %mul3A_7 = arith.constant 1250 : i32
    %mul3A_8 = arith.muli %arg1, %mul3A_7 : i32
    %jit3A = arith.constant 16 : i32
    %div3A = arith.divsi %mul3A_8, %jit3A : i32
    %sign3A = arith.constant 0 : i32
    %sign3A_9 = arith.cmpi sgt, %mul3A_8, %sign3A : i32
    %sign3A_10 = arith.extui %sign3A_9 : i1 to i32
    %sign3A_11 = arith.constant 0 : i32
    %sign3A_12 = arith.cmpi slt, %mul3A_8, %sign3A_11 : i32
    %sign3A_13 = arith.extui %sign3A_12 : i1 to i32
    %sign3A_14 = arith.subi %sign3A_10, %sign3A_13 : i32
    %sign3A_15 = arith.constant 0 : i32
    %sign3A_16 = arith.cmpi sgt, %jit3A, %sign3A_15 : i32
    %sign3A_17 = arith.extui %sign3A_16 : i1 to i32
    %sign3A_18 = arith.constant 0 : i32
    %sign3A_19 = arith.cmpi slt, %jit3A, %sign3A_18 : i32
    %sign3A_20 = arith.extui %sign3A_19 : i1 to i32
    %sign3A_21 = arith.subi %sign3A_17, %sign3A_20 : i32
    %ne3A = arith.cmpi ne, %sign3A_14, %sign3A_21 : i32
    %rem3A = arith.remsi %mul3A_8, %jit3A : i32
    %ne3A_22 = arith.constant 0 : i32
    %ne3A_23 = arith.cmpi ne, %rem3A, %ne3A_22 : i32
    %and3A = arith.andi %ne3A, %ne3A_23 : i1
    %sub3A = arith.constant 1 : i32
    %sub3A_24 = arith.subi %div3A, %sub3A : i32
    %select_n3A = arith.select %and3A, %sub3A_24, %div3A : i32
    %add3A = arith.constant 1 : i32
    %add3A_25 = arith.addi %arg1, %add3A : i32
    %mul3A_26 = arith.constant 1250 : i32
    %mul3A_27 = arith.muli %add3A_25, %mul3A_26 : i32
    %jit3A_28 = arith.constant 16 : i32
    %div3A_29 = arith.divsi %mul3A_27, %jit3A_28 : i32
    %sign3A_30 = arith.constant 0 : i32
    %sign3A_31 = arith.cmpi sgt, %mul3A_27, %sign3A_30 : i32
    %sign3A_32 = arith.extui %sign3A_31 : i1 to i32
    %sign3A_33 = arith.constant 0 : i32
    %sign3A_34 = arith.cmpi slt, %mul3A_27, %sign3A_33 : i32
    %sign3A_35 = arith.extui %sign3A_34 : i1 to i32
    %sign3A_36 = arith.subi %sign3A_32, %sign3A_35 : i32
    %sign3A_37 = arith.constant 0 : i32
    %sign3A_38 = arith.cmpi sgt, %jit3A_28, %sign3A_37 : i32
    %sign3A_39 = arith.extui %sign3A_38 : i1 to i32
    %sign3A_40 = arith.constant 0 : i32
    %sign3A_41 = arith.cmpi slt, %jit3A_28, %sign3A_40 : i32
    %sign3A_42 = arith.extui %sign3A_41 : i1 to i32
    %sign3A_43 = arith.subi %sign3A_39, %sign3A_42 : i32
    %ne3A_44 = arith.cmpi ne, %sign3A_36, %sign3A_43 : i32
    %rem3A_45 = arith.remsi %mul3A_27, %jit3A_28 : i32
    %ne3A_46 = arith.constant 0 : i32
    %ne3A_47 = arith.cmpi ne, %rem3A_45, %ne3A_46 : i32
    %and3A_48 = arith.andi %ne3A_44, %ne3A_47 : i1
    %sub3A_49 = arith.constant 1 : i32
    %sub3A_50 = arith.subi %div3A_29, %sub3A_49 : i32
    %select_n3A_51 = arith.select %and3A_48, %sub3A_50, %div3A_29 : i32
    %mul3A_52 = arith.constant 4 : i32
    %mul3A_53 = arith.muli %arg0, %mul3A_52 : i32
    %add3A_54 = arith.constant 0 : i32
    %add3A_55 = arith.addi %mul3A_53, %add3A_54 : i32
    %while3A = arith.constant 0 : i32
    %while3A_56 = arith.subi %select_n3A_51, %select_n3A : i32
    %while3A_57 = arith.addi %select_n3A, %while3A_56 : i32
    %while3A_58 = arith.constant 1 : i32
    %while3A_59 = arith.divsi %while3A_56, %while3A_58 : i32
    %while3A_60 = arith.muli %while3A_59, %while3A_58 : i32
    %while3A_61 = arith.addi %select_n3A, %while3A_60 : i32
    %while3A_62 = arith.constant 1 : i32
    %while3A_63 = scf.for %while3A_144 = %select_n3A to %while3A_61 step %while3A_62 iter_args(%while3A_145 = %while3A) -> (i32)  : i32 {
      %mul3A_146 = arith.constant 160000 : i32
      %mul3A_147 = arith.muli %add3A_55, %mul3A_146 : i32
      %mul3A_148 = arith.constant 128 : i32
      %mul3A_149 = arith.muli %while3A_144, %mul3A_148 : i32
      %add3A_150 = arith.addi %mul3A_147, %mul3A_149 : i32
      "tpu.region"() ({
        %run_scoped3A = tpu.sem_alloc : memref<!tpu.dma_semaphore, #tpu.memory_space<semaphore_mem>>
        %dma_start3A = tpu.memref_slice %arg2[%add3A_150] : memref<1280000xi32, #tpu.memory_space<hbm>> -> memref<128xi32, #tpu.memory_space<hbm>>
        %dma_start3A_152 = tpu.memref_slice %arg2[%add3A_150] : memref<1280000xi32, #tpu.memory_space<hbm>> -> memref<128xi32, #tpu.memory_space<hbm>>
        tpu.enqueue_dma source(%dma_start3A_152 : memref<128xi32, #tpu.memory_space<hbm>>) target(%arg12 : memref<128xi32, #tpu.memory_space<vmem>>) target_semaphore(%run_scoped3A : memref<!tpu.dma_semaphore, #tpu.memory_space<semaphore_mem>>)
        %dma_wait3A = tpu.memref_slice %arg2[%add3A_150] : memref<1280000xi32, #tpu.memory_space<hbm>> -> memref<128xi32, #tpu.memory_space<hbm>>
        %dma_wait3A_153 = tpu.memref_slice %arg2[%add3A_150] : memref<1280000xi32, #tpu.memory_space<hbm>> -> memref<128xi32, #tpu.memory_space<hbm>>
        tpu.wait_dma2 semaphore(%run_scoped3A : memref<!tpu.dma_semaphore, #tpu.memory_space<semaphore_mem>>) src(%dma_wait3A_153 : memref<128xi32, #tpu.memory_space<hbm>>) dst(%arg12 : memref<128xi32, #tpu.memory_space<vmem>>)
        tpu.yield
      }) : () -> ()
      "tpu.region"() ({
        %run_scoped3A = tpu.sem_alloc : memref<!tpu.dma_semaphore, #tpu.memory_space<semaphore_mem>>
        %dma_start3A = arith.constant 0 : i32
        %dma_start3A_152 = arith.constant 0 : i32
        %dma_start3A_153 = tpu.memref_slice %arg6[%dma_start3A, %dma_start3A_152] : memref<10240x16xf32, #tpu.memory_space<vmem_shared>> -> memref<10240x16xf32, #tpu.memory_space<vmem_shared>>
        tpu.enqueue_indirect_dma source(%arg10 : memref<128x16xf32, #tpu.memory_space<vmem>>) target(%dma_start3A_153 : memref<10240x16xf32, #tpu.memory_space<vmem_shared>>) offsets(%arg12 : memref<128xi32, #tpu.memory_space<vmem>>) semaphore(%run_scoped3A : memref<!tpu.dma_semaphore, #tpu.memory_space<semaphore_mem>>) {add = true}
        %dma_wait3A = arith.constant 0 : i32
        %dma_wait3A_154 = arith.constant 0 : i32
        %dma_wait3A_155 = tpu.memref_slice %arg6[%dma_wait3A, %dma_wait3A_154] : memref<10240x16xf32, #tpu.memory_space<vmem_shared>> -> memref<10240x16xf32, #tpu.memory_space<vmem_shared>>
        tpu.wait_indirect_dma semaphore(%run_scoped3A : memref<!tpu.dma_semaphore, #tpu.memory_space<semaphore_mem>>) src(%arg10 : memref<128x16xf32, #tpu.memory_space<vmem>>) dst(%dma_wait3A_155 : memref<10240x16xf32, #tpu.memory_space<vmem_shared>>)
        tpu.yield
      }) : () -> ()
      %while3A_151 = arith.constant 0 : i32
      scf.yield %while3A_151 : i32
    }
    %while3A_64 = arith.constant 1 : i32
    %while3A_65 = scf.for %while3A_144 = %while3A_61 to %while3A_57 step %while3A_64 iter_args(%while3A_145 = %while3A_63) -> (i32)  : i32 {
      %mul3A_146 = arith.constant 160000 : i32
      %mul3A_147 = arith.muli %add3A_55, %mul3A_146 : i32
      %mul3A_148 = arith.constant 128 : i32
      %mul3A_149 = arith.muli %while3A_144, %mul3A_148 : i32
      %add3A_150 = arith.addi %mul3A_147, %mul3A_149 : i32
      "tpu.region"() ({
        %run_scoped3A = tpu.sem_alloc : memref<!tpu.dma_semaphore, #tpu.memory_space<semaphore_mem>>
        %dma_start3A = tpu.memref_slice %arg2[%add3A_150] : memref<1280000xi32, #tpu.memory_space<hbm>> -> memref<128xi32, #tpu.memory_space<hbm>>
        %dma_start3A_152 = tpu.memref_slice %arg2[%add3A_150] : memref<1280000xi32, #tpu.memory_space<hbm>> -> memref<128xi32, #tpu.memory_space<hbm>>
        tpu.enqueue_dma source(%dma_start3A_152 : memref<128xi32, #tpu.memory_space<hbm>>) target(%arg12 : memref<128xi32, #tpu.memory_space<vmem>>) target_semaphore(%run_scoped3A : memref<!tpu.dma_semaphore, #tpu.memory_space<semaphore_mem>>)
        %dma_wait3A = tpu.memref_slice %arg2[%add3A_150] : memref<1280000xi32, #tpu.memory_space<hbm>> -> memref<128xi32, #tpu.memory_space<hbm>>
        %dma_wait3A_153 = tpu.memref_slice %arg2[%add3A_150] : memref<1280000xi32, #tpu.memory_space<hbm>> -> memref<128xi32, #tpu.memory_space<hbm>>
        tpu.wait_dma2 semaphore(%run_scoped3A : memref<!tpu.dma_semaphore, #tpu.memory_space<semaphore_mem>>) src(%dma_wait3A_153 : memref<128xi32, #tpu.memory_space<hbm>>) dst(%arg12 : memref<128xi32, #tpu.memory_space<vmem>>)
        tpu.yield
      }) : () -> ()
      "tpu.region"() ({
        %run_scoped3A = tpu.sem_alloc : memref<!tpu.dma_semaphore, #tpu.memory_space<semaphore_mem>>
        %dma_start3A = arith.constant 0 : i32
        %dma_start3A_152 = arith.constant 0 : i32
        %dma_start3A_153 = tpu.memref_slice %arg6[%dma_start3A, %dma_start3A_152] : memref<10240x16xf32, #tpu.memory_space<vmem_shared>> -> memref<10240x16xf32, #tpu.memory_space<vmem_shared>>
        tpu.enqueue_indirect_dma source(%arg10 : memref<128x16xf32, #tpu.memory_space<vmem>>) target(%dma_start3A_153 : memref<10240x16xf32, #tpu.memory_space<vmem_shared>>) offsets(%arg12 : memref<128xi32, #tpu.memory_space<vmem>>) semaphore(%run_scoped3A : memref<!tpu.dma_semaphore, #tpu.memory_space<semaphore_mem>>) {add = true}
        %dma_wait3A = arith.constant 0 : i32
        %dma_wait3A_154 = arith.constant 0 : i32
        %dma_wait3A_155 = tpu.memref_slice %arg6[%dma_wait3A, %dma_wait3A_154] : memref<10240x16xf32, #tpu.memory_space<vmem_shared>> -> memref<10240x16xf32, #tpu.memory_space<vmem_shared>>
        tpu.wait_indirect_dma semaphore(%run_scoped3A : memref<!tpu.dma_semaphore, #tpu.memory_space<semaphore_mem>>) src(%arg10 : memref<128x16xf32, #tpu.memory_space<vmem>>) dst(%dma_wait3A_155 : memref<10240x16xf32, #tpu.memory_space<vmem_shared>>)
        tpu.yield
      }) : () -> ()
      %while3A_151 = arith.constant 0 : i32
      scf.yield %while3A_151 : i32
    }
    %mul3A_66 = arith.constant 4 : i32
    %mul3A_67 = arith.muli %arg0, %mul3A_66 : i32
    %add3A_68 = arith.constant 1 : i32
    %add3A_69 = arith.addi %mul3A_67, %add3A_68 : i32
    %while3A_70 = arith.constant 0 : i32
    %while3A_71 = arith.subi %select_n3A_51, %select_n3A : i32
    %while3A_72 = arith.addi %select_n3A, %while3A_71 : i32
    %while3A_73 = arith.constant 1 : i32
    %while3A_74 = arith.divsi %while3A_71, %while3A_73 : i32
    %while3A_75 = arith.muli %while3A_74, %while3A_73 : i32
    %while3A_76 = arith.addi %select_n3A, %while3A_75 : i32
    %while3A_77 = arith.constant 1 : i32
    %while3A_78 = scf.for %while3A_144 = %select_n3A to %while3A_76 step %while3A_77 iter_args(%while3A_145 = %while3A_70) -> (i32)  : i32 {
      %mul3A_146 = arith.constant 160000 : i32
      %mul3A_147 = arith.muli %add3A_69, %mul3A_146 : i32
      %mul3A_148 = arith.constant 128 : i32
      %mul3A_149 = arith.muli %while3A_144, %mul3A_148 : i32
      %add3A_150 = arith.addi %mul3A_147, %mul3A_149 : i32
      "tpu.region"() ({
        %run_scoped3A = tpu.sem_alloc : memref<!tpu.dma_semaphore, #tpu.memory_space<semaphore_mem>>
        %dma_start3A = tpu.memref_slice %arg2[%add3A_150] : memref<1280000xi32, #tpu.memory_space<hbm>> -> memref<128xi32, #tpu.memory_space<hbm>>
        %dma_start3A_152 = tpu.memref_slice %arg2[%add3A_150] : memref<1280000xi32, #tpu.memory_space<hbm>> -> memref<128xi32, #tpu.memory_space<hbm>>
        tpu.enqueue_dma source(%dma_start3A_152 : memref<128xi32, #tpu.memory_space<hbm>>) target(%arg12 : memref<128xi32, #tpu.memory_space<vmem>>) target_semaphore(%run_scoped3A : memref<!tpu.dma_semaphore, #tpu.memory_space<semaphore_mem>>)
        %dma_wait3A = tpu.memref_slice %arg2[%add3A_150] : memref<1280000xi32, #tpu.memory_space<hbm>> -> memref<128xi32, #tpu.memory_space<hbm>>
        %dma_wait3A_153 = tpu.memref_slice %arg2[%add3A_150] : memref<1280000xi32, #tpu.memory_space<hbm>> -> memref<128xi32, #tpu.memory_space<hbm>>
        tpu.wait_dma2 semaphore(%run_scoped3A : memref<!tpu.dma_semaphore, #tpu.memory_space<semaphore_mem>>) src(%dma_wait3A_153 : memref<128xi32, #tpu.memory_space<hbm>>) dst(%arg12 : memref<128xi32, #tpu.memory_space<vmem>>)
        tpu.yield
      }) : () -> ()
      "tpu.region"() ({
        %run_scoped3A = tpu.sem_alloc : memref<!tpu.dma_semaphore, #tpu.memory_space<semaphore_mem>>
        %dma_start3A = arith.constant 0 : i32
        %dma_start3A_152 = arith.constant 0 : i32
        %dma_start3A_153 = tpu.memref_slice %arg7[%dma_start3A, %dma_start3A_152] : memref<10240x16xf32, #tpu.memory_space<vmem_shared>> -> memref<10240x16xf32, #tpu.memory_space<vmem_shared>>
        tpu.enqueue_indirect_dma source(%arg10 : memref<128x16xf32, #tpu.memory_space<vmem>>) target(%dma_start3A_153 : memref<10240x16xf32, #tpu.memory_space<vmem_shared>>) offsets(%arg12 : memref<128xi32, #tpu.memory_space<vmem>>) semaphore(%run_scoped3A : memref<!tpu.dma_semaphore, #tpu.memory_space<semaphore_mem>>) {add = true}
        %dma_wait3A = arith.constant 0 : i32
        %dma_wait3A_154 = arith.constant 0 : i32
        %dma_wait3A_155 = tpu.memref_slice %arg7[%dma_wait3A, %dma_wait3A_154] : memref<10240x16xf32, #tpu.memory_space<vmem_shared>> -> memref<10240x16xf32, #tpu.memory_space<vmem_shared>>
        tpu.wait_indirect_dma semaphore(%run_scoped3A : memref<!tpu.dma_semaphore, #tpu.memory_space<semaphore_mem>>) src(%arg10 : memref<128x16xf32, #tpu.memory_space<vmem>>) dst(%dma_wait3A_155 : memref<10240x16xf32, #tpu.memory_space<vmem_shared>>)
        tpu.yield
      }) : () -> ()
      %while3A_151 = arith.constant 0 : i32
      scf.yield %while3A_151 : i32
    }
    %while3A_79 = arith.constant 1 : i32
    %while3A_80 = scf.for %while3A_144 = %while3A_76 to %while3A_72 step %while3A_79 iter_args(%while3A_145 = %while3A_78) -> (i32)  : i32 {
      %mul3A_146 = arith.constant 160000 : i32
      %mul3A_147 = arith.muli %add3A_69, %mul3A_146 : i32
      %mul3A_148 = arith.constant 128 : i32
      %mul3A_149 = arith.muli %while3A_144, %mul3A_148 : i32
      %add3A_150 = arith.addi %mul3A_147, %mul3A_149 : i32
      "tpu.region"() ({
        %run_scoped3A = tpu.sem_alloc : memref<!tpu.dma_semaphore, #tpu.memory_space<semaphore_mem>>
        %dma_start3A = tpu.memref_slice %arg2[%add3A_150] : memref<1280000xi32, #tpu.memory_space<hbm>> -> memref<128xi32, #tpu.memory_space<hbm>>
        %dma_start3A_152 = tpu.memref_slice %arg2[%add3A_150] : memref<1280000xi32, #tpu.memory_space<hbm>> -> memref<128xi32, #tpu.memory_space<hbm>>
        tpu.enqueue_dma source(%dma_start3A_152 : memref<128xi32, #tpu.memory_space<hbm>>) target(%arg12 : memref<128xi32, #tpu.memory_space<vmem>>) target_semaphore(%run_scoped3A : memref<!tpu.dma_semaphore, #tpu.memory_space<semaphore_mem>>)
        %dma_wait3A = tpu.memref_slice %arg2[%add3A_150] : memref<1280000xi32, #tpu.memory_space<hbm>> -> memref<128xi32, #tpu.memory_space<hbm>>
        %dma_wait3A_153 = tpu.memref_slice %arg2[%add3A_150] : memref<1280000xi32, #tpu.memory_space<hbm>> -> memref<128xi32, #tpu.memory_space<hbm>>
        tpu.wait_dma2 semaphore(%run_scoped3A : memref<!tpu.dma_semaphore, #tpu.memory_space<semaphore_mem>>) src(%dma_wait3A_153 : memref<128xi32, #tpu.memory_space<hbm>>) dst(%arg12 : memref<128xi32, #tpu.memory_space<vmem>>)
        tpu.yield
      }) : () -> ()
      "tpu.region"() ({
        %run_scoped3A = tpu.sem_alloc : memref<!tpu.dma_semaphore, #tpu.memory_space<semaphore_mem>>
        %dma_start3A = arith.constant 0 : i32
        %dma_start3A_152 = arith.constant 0 : i32
        %dma_start3A_153 = tpu.memref_slice %arg7[%dma_start3A, %dma_start3A_152] : memref<10240x16xf32, #tpu.memory_space<vmem_shared>> -> memref<10240x16xf32, #tpu.memory_space<vmem_shared>>
        tpu.enqueue_indirect_dma source(%arg10 : memref<128x16xf32, #tpu.memory_space<vmem>>) target(%dma_start3A_153 : memref<10240x16xf32, #tpu.memory_space<vmem_shared>>) offsets(%arg12 : memref<128xi32, #tpu.memory_space<vmem>>) semaphore(%run_scoped3A : memref<!tpu.dma_semaphore, #tpu.memory_space<semaphore_mem>>) {add = true}
        %dma_wait3A = arith.constant 0 : i32
        %dma_wait3A_154 = arith.constant 0 : i32
        %dma_wait3A_155 = tpu.memref_slice %arg7[%dma_wait3A, %dma_wait3A_154] : memref<10240x16xf32, #tpu.memory_space<vmem_shared>> -> memref<10240x16xf32, #tpu.memory_space<vmem_shared>>
        tpu.wait_indirect_dma semaphore(%run_scoped3A : memref<!tpu.dma_semaphore, #tpu.memory_space<semaphore_mem>>) src(%arg10 : memref<128x16xf32, #tpu.memory_space<vmem>>) dst(%dma_wait3A_155 : memref<10240x16xf32, #tpu.memory_space<vmem_shared>>)
        tpu.yield
      }) : () -> ()
      %while3A_151 = arith.constant 0 : i32
      scf.yield %while3A_151 : i32
    }
    %mul3A_81 = arith.constant 4 : i32
    %mul3A_82 = arith.muli %arg0, %mul3A_81 : i32
    %add3A_83 = arith.constant 2 : i32
    %add3A_84 = arith.addi %mul3A_82, %add3A_83 : i32
    %while3A_85 = arith.constant 0 : i32
    %while3A_86 = arith.subi %select_n3A_51, %select_n3A : i32
    %while3A_87 = arith.addi %select_n3A, %while3A_86 : i32
    %while3A_88 = arith.constant 1 : i32
    %while3A_89 = arith.divsi %while3A_86, %while3A_88 : i32
    %while3A_90 = arith.muli %while3A_89, %while3A_88 : i32
    %while3A_91 = arith.addi %select_n3A, %while3A_90 : i32
    %while3A_92 = arith.constant 1 : i32
    %while3A_93 = scf.for %while3A_144 = %select_n3A to %while3A_91 step %while3A_92 iter_args(%while3A_145 = %while3A_85) -> (i32)  : i32 {
      %mul3A_146 = arith.constant 160000 : i32
      %mul3A_147 = arith.muli %add3A_84, %mul3A_146 : i32
      %mul3A_148 = arith.constant 128 : i32
      %mul3A_149 = arith.muli %while3A_144, %mul3A_148 : i32
      %add3A_150 = arith.addi %mul3A_147, %mul3A_149 : i32
      "tpu.region"() ({
        %run_scoped3A = tpu.sem_alloc : memref<!tpu.dma_semaphore, #tpu.memory_space<semaphore_mem>>
        %dma_start3A = tpu.memref_slice %arg2[%add3A_150] : memref<1280000xi32, #tpu.memory_space<hbm>> -> memref<128xi32, #tpu.memory_space<hbm>>
        %dma_start3A_152 = tpu.memref_slice %arg2[%add3A_150] : memref<1280000xi32, #tpu.memory_space<hbm>> -> memref<128xi32, #tpu.memory_space<hbm>>
        tpu.enqueue_dma source(%dma_start3A_152 : memref<128xi32, #tpu.memory_space<hbm>>) target(%arg12 : memref<128xi32, #tpu.memory_space<vmem>>) target_semaphore(%run_scoped3A : memref<!tpu.dma_semaphore, #tpu.memory_space<semaphore_mem>>)
        %dma_wait3A = tpu.memref_slice %arg2[%add3A_150] : memref<1280000xi32, #tpu.memory_space<hbm>> -> memref<128xi32, #tpu.memory_space<hbm>>
        %dma_wait3A_153 = tpu.memref_slice %arg2[%add3A_150] : memref<1280000xi32, #tpu.memory_space<hbm>> -> memref<128xi32, #tpu.memory_space<hbm>>
        tpu.wait_dma2 semaphore(%run_scoped3A : memref<!tpu.dma_semaphore, #tpu.memory_space<semaphore_mem>>) src(%dma_wait3A_153 : memref<128xi32, #tpu.memory_space<hbm>>) dst(%arg12 : memref<128xi32, #tpu.memory_space<vmem>>)
        tpu.yield
      }) : () -> ()
      "tpu.region"() ({
        %run_scoped3A = tpu.sem_alloc : memref<!tpu.dma_semaphore, #tpu.memory_space<semaphore_mem>>
        %dma_start3A = arith.constant 0 : i32
        %dma_start3A_152 = arith.constant 0 : i32
        %dma_start3A_153 = tpu.memref_slice %arg8[%dma_start3A, %dma_start3A_152] : memref<10240x16xf32, #tpu.memory_space<vmem_shared>> -> memref<10240x16xf32, #tpu.memory_space<vmem_shared>>
        tpu.enqueue_indirect_dma source(%arg10 : memref<128x16xf32, #tpu.memory_space<vmem>>) target(%dma_start3A_153 : memref<10240x16xf32, #tpu.memory_space<vmem_shared>>) offsets(%arg12 : memref<128xi32, #tpu.memory_space<vmem>>) semaphore(%run_scoped3A : memref<!tpu.dma_semaphore, #tpu.memory_space<semaphore_mem>>) {add = true}
        %dma_wait3A = arith.constant 0 : i32
        %dma_wait3A_154 = arith.constant 0 : i32
        %dma_wait3A_155 = tpu.memref_slice %arg8[%dma_wait3A, %dma_wait3A_154] : memref<10240x16xf32, #tpu.memory_space<vmem_shared>> -> memref<10240x16xf32, #tpu.memory_space<vmem_shared>>
        tpu.wait_indirect_dma semaphore(%run_scoped3A : memref<!tpu.dma_semaphore, #tpu.memory_space<semaphore_mem>>) src(%arg10 : memref<128x16xf32, #tpu.memory_space<vmem>>) dst(%dma_wait3A_155 : memref<10240x16xf32, #tpu.memory_space<vmem_shared>>)
        tpu.yield
      }) : () -> ()
      %while3A_151 = arith.constant 0 : i32
      scf.yield %while3A_151 : i32
    }
    %while3A_94 = arith.constant 1 : i32
    %while3A_95 = scf.for %while3A_144 = %while3A_91 to %while3A_87 step %while3A_94 iter_args(%while3A_145 = %while3A_93) -> (i32)  : i32 {
      %mul3A_146 = arith.constant 160000 : i32
      %mul3A_147 = arith.muli %add3A_84, %mul3A_146 : i32
      %mul3A_148 = arith.constant 128 : i32
      %mul3A_149 = arith.muli %while3A_144, %mul3A_148 : i32
      %add3A_150 = arith.addi %mul3A_147, %mul3A_149 : i32
      "tpu.region"() ({
        %run_scoped3A = tpu.sem_alloc : memref<!tpu.dma_semaphore, #tpu.memory_space<semaphore_mem>>
        %dma_start3A = tpu.memref_slice %arg2[%add3A_150] : memref<1280000xi32, #tpu.memory_space<hbm>> -> memref<128xi32, #tpu.memory_space<hbm>>
        %dma_start3A_152 = tpu.memref_slice %arg2[%add3A_150] : memref<1280000xi32, #tpu.memory_space<hbm>> -> memref<128xi32, #tpu.memory_space<hbm>>
        tpu.enqueue_dma source(%dma_start3A_152 : memref<128xi32, #tpu.memory_space<hbm>>) target(%arg12 : memref<128xi32, #tpu.memory_space<vmem>>) target_semaphore(%run_scoped3A : memref<!tpu.dma_semaphore, #tpu.memory_space<semaphore_mem>>)
        %dma_wait3A = tpu.memref_slice %arg2[%add3A_150] : memref<1280000xi32, #tpu.memory_space<hbm>> -> memref<128xi32, #tpu.memory_space<hbm>>
        %dma_wait3A_153 = tpu.memref_slice %arg2[%add3A_150] : memref<1280000xi32, #tpu.memory_space<hbm>> -> memref<128xi32, #tpu.memory_space<hbm>>
        tpu.wait_dma2 semaphore(%run_scoped3A : memref<!tpu.dma_semaphore, #tpu.memory_space<semaphore_mem>>) src(%dma_wait3A_153 : memref<128xi32, #tpu.memory_space<hbm>>) dst(%arg12 : memref<128xi32, #tpu.memory_space<vmem>>)
        tpu.yield
      }) : () -> ()
      "tpu.region"() ({
        %run_scoped3A = tpu.sem_alloc : memref<!tpu.dma_semaphore, #tpu.memory_space<semaphore_mem>>
        %dma_start3A = arith.constant 0 : i32
        %dma_start3A_152 = arith.constant 0 : i32
        %dma_start3A_153 = tpu.memref_slice %arg8[%dma_start3A, %dma_start3A_152] : memref<10240x16xf32, #tpu.memory_space<vmem_shared>> -> memref<10240x16xf32, #tpu.memory_space<vmem_shared>>
        tpu.enqueue_indirect_dma source(%arg10 : memref<128x16xf32, #tpu.memory_space<vmem>>) target(%dma_start3A_153 : memref<10240x16xf32, #tpu.memory_space<vmem_shared>>) offsets(%arg12 : memref<128xi32, #tpu.memory_space<vmem>>) semaphore(%run_scoped3A : memref<!tpu.dma_semaphore, #tpu.memory_space<semaphore_mem>>) {add = true}
        %dma_wait3A = arith.constant 0 : i32
        %dma_wait3A_154 = arith.constant 0 : i32
        %dma_wait3A_155 = tpu.memref_slice %arg8[%dma_wait3A, %dma_wait3A_154] : memref<10240x16xf32, #tpu.memory_space<vmem_shared>> -> memref<10240x16xf32, #tpu.memory_space<vmem_shared>>
        tpu.wait_indirect_dma semaphore(%run_scoped3A : memref<!tpu.dma_semaphore, #tpu.memory_space<semaphore_mem>>) src(%arg10 : memref<128x16xf32, #tpu.memory_space<vmem>>) dst(%dma_wait3A_155 : memref<10240x16xf32, #tpu.memory_space<vmem_shared>>)
        tpu.yield
      }) : () -> ()
      %while3A_151 = arith.constant 0 : i32
      scf.yield %while3A_151 : i32
    }
    %mul3A_96 = arith.constant 4 : i32
    %mul3A_97 = arith.muli %arg0, %mul3A_96 : i32
    %add3A_98 = arith.constant 3 : i32
    %add3A_99 = arith.addi %mul3A_97, %add3A_98 : i32
    %while3A_100 = arith.constant 0 : i32
    %while3A_101 = arith.subi %select_n3A_51, %select_n3A : i32
    %while3A_102 = arith.addi %select_n3A, %while3A_101 : i32
    %while3A_103 = arith.constant 1 : i32
    %while3A_104 = arith.divsi %while3A_101, %while3A_103 : i32
    %while3A_105 = arith.muli %while3A_104, %while3A_103 : i32
    %while3A_106 = arith.addi %select_n3A, %while3A_105 : i32
    %while3A_107 = arith.constant 1 : i32
    %while3A_108 = scf.for %while3A_144 = %select_n3A to %while3A_106 step %while3A_107 iter_args(%while3A_145 = %while3A_100) -> (i32)  : i32 {
      %mul3A_146 = arith.constant 160000 : i32
      %mul3A_147 = arith.muli %add3A_99, %mul3A_146 : i32
      %mul3A_148 = arith.constant 128 : i32
      %mul3A_149 = arith.muli %while3A_144, %mul3A_148 : i32
      %add3A_150 = arith.addi %mul3A_147, %mul3A_149 : i32
      "tpu.region"() ({
        %run_scoped3A = tpu.sem_alloc : memref<!tpu.dma_semaphore, #tpu.memory_space<semaphore_mem>>
        %dma_start3A = tpu.memref_slice %arg2[%add3A_150] : memref<1280000xi32, #tpu.memory_space<hbm>> -> memref<128xi32, #tpu.memory_space<hbm>>
        %dma_start3A_152 = tpu.memref_slice %arg2[%add3A_150] : memref<1280000xi32, #tpu.memory_space<hbm>> -> memref<128xi32, #tpu.memory_space<hbm>>
        tpu.enqueue_dma source(%dma_start3A_152 : memref<128xi32, #tpu.memory_space<hbm>>) target(%arg12 : memref<128xi32, #tpu.memory_space<vmem>>) target_semaphore(%run_scoped3A : memref<!tpu.dma_semaphore, #tpu.memory_space<semaphore_mem>>)
        %dma_wait3A = tpu.memref_slice %arg2[%add3A_150] : memref<1280000xi32, #tpu.memory_space<hbm>> -> memref<128xi32, #tpu.memory_space<hbm>>
        %dma_wait3A_153 = tpu.memref_slice %arg2[%add3A_150] : memref<1280000xi32, #tpu.memory_space<hbm>> -> memref<128xi32, #tpu.memory_space<hbm>>
        tpu.wait_dma2 semaphore(%run_scoped3A : memref<!tpu.dma_semaphore, #tpu.memory_space<semaphore_mem>>) src(%dma_wait3A_153 : memref<128xi32, #tpu.memory_space<hbm>>) dst(%arg12 : memref<128xi32, #tpu.memory_space<vmem>>)
        tpu.yield
      }) : () -> ()
      "tpu.region"() ({
        %run_scoped3A = tpu.sem_alloc : memref<!tpu.dma_semaphore, #tpu.memory_space<semaphore_mem>>
        %dma_start3A = arith.constant 0 : i32
        %dma_start3A_152 = arith.constant 0 : i32
        %dma_start3A_153 = tpu.memref_slice %arg9[%dma_start3A, %dma_start3A_152] : memref<10240x16xf32, #tpu.memory_space<vmem_shared>> -> memref<10240x16xf32, #tpu.memory_space<vmem_shared>>
        tpu.enqueue_indirect_dma source(%arg10 : memref<128x16xf32, #tpu.memory_space<vmem>>) target(%dma_start3A_153 : memref<10240x16xf32, #tpu.memory_space<vmem_shared>>) offsets(%arg12 : memref<128xi32, #tpu.memory_space<vmem>>) semaphore(%run_scoped3A : memref<!tpu.dma_semaphore, #tpu.memory_space<semaphore_mem>>) {add = true}
        %dma_wait3A = arith.constant 0 : i32
        %dma_wait3A_154 = arith.constant 0 : i32
        %dma_wait3A_155 = tpu.memref_slice %arg9[%dma_wait3A, %dma_wait3A_154] : memref<10240x16xf32, #tpu.memory_space<vmem_shared>> -> memref<10240x16xf32, #tpu.memory_space<vmem_shared>>
        tpu.wait_indirect_dma semaphore(%run_scoped3A : memref<!tpu.dma_semaphore, #tpu.memory_space<semaphore_mem>>) src(%arg10 : memref<128x16xf32, #tpu.memory_space<vmem>>) dst(%dma_wait3A_155 : memref<10240x16xf32, #tpu.memory_space<vmem_shared>>)
        tpu.yield
      }) : () -> ()
      %while3A_151 = arith.constant 0 : i32
      scf.yield %while3A_151 : i32
    }
    %while3A_109 = arith.constant 1 : i32
    %while3A_110 = scf.for %while3A_144 = %while3A_106 to %while3A_102 step %while3A_109 iter_args(%while3A_145 = %while3A_108) -> (i32)  : i32 {
      %mul3A_146 = arith.constant 160000 : i32
      %mul3A_147 = arith.muli %add3A_99, %mul3A_146 : i32
      %mul3A_148 = arith.constant 128 : i32
      %mul3A_149 = arith.muli %while3A_144, %mul3A_148 : i32
      %add3A_150 = arith.addi %mul3A_147, %mul3A_149 : i32
      "tpu.region"() ({
        %run_scoped3A = tpu.sem_alloc : memref<!tpu.dma_semaphore, #tpu.memory_space<semaphore_mem>>
        %dma_start3A = tpu.memref_slice %arg2[%add3A_150] : memref<1280000xi32, #tpu.memory_space<hbm>> -> memref<128xi32, #tpu.memory_space<hbm>>
        %dma_start3A_152 = tpu.memref_slice %arg2[%add3A_150] : memref<1280000xi32, #tpu.memory_space<hbm>> -> memref<128xi32, #tpu.memory_space<hbm>>
        tpu.enqueue_dma source(%dma_start3A_152 : memref<128xi32, #tpu.memory_space<hbm>>) target(%arg12 : memref<128xi32, #tpu.memory_space<vmem>>) target_semaphore(%run_scoped3A : memref<!tpu.dma_semaphore, #tpu.memory_space<semaphore_mem>>)
        %dma_wait3A = tpu.memref_slice %arg2[%add3A_150] : memref<1280000xi32, #tpu.memory_space<hbm>> -> memref<128xi32, #tpu.memory_space<hbm>>
        %dma_wait3A_153 = tpu.memref_slice %arg2[%add3A_150] : memref<1280000xi32, #tpu.memory_space<hbm>> -> memref<128xi32, #tpu.memory_space<hbm>>
        tpu.wait_dma2 semaphore(%run_scoped3A : memref<!tpu.dma_semaphore, #tpu.memory_space<semaphore_mem>>) src(%dma_wait3A_153 : memref<128xi32, #tpu.memory_space<hbm>>) dst(%arg12 : memref<128xi32, #tpu.memory_space<vmem>>)
        tpu.yield
      }) : () -> ()
      "tpu.region"() ({
        %run_scoped3A = tpu.sem_alloc : memref<!tpu.dma_semaphore, #tpu.memory_space<semaphore_mem>>
        %dma_start3A = arith.constant 0 : i32
        %dma_start3A_152 = arith.constant 0 : i32
        %dma_start3A_153 = tpu.memref_slice %arg9[%dma_start3A, %dma_start3A_152] : memref<10240x16xf32, #tpu.memory_space<vmem_shared>> -> memref<10240x16xf32, #tpu.memory_space<vmem_shared>>
        tpu.enqueue_indirect_dma source(%arg10 : memref<128x16xf32, #tpu.memory_space<vmem>>) target(%dma_start3A_153 : memref<10240x16xf32, #tpu.memory_space<vmem_shared>>) offsets(%arg12 : memref<128xi32, #tpu.memory_space<vmem>>) semaphore(%run_scoped3A : memref<!tpu.dma_semaphore, #tpu.memory_space<semaphore_mem>>) {add = true}
        %dma_wait3A = arith.constant 0 : i32
        %dma_wait3A_154 = arith.constant 0 : i32
        %dma_wait3A_155 = tpu.memref_slice %arg9[%dma_wait3A, %dma_wait3A_154] : memref<10240x16xf32, #tpu.memory_space<vmem_shared>> -> memref<10240x16xf32, #tpu.memory_space<vmem_shared>>
        tpu.wait_indirect_dma semaphore(%run_scoped3A : memref<!tpu.dma_semaphore, #tpu.memory_space<semaphore_mem>>) src(%arg10 : memref<128x16xf32, #tpu.memory_space<vmem>>) dst(%dma_wait3A_155 : memref<10240x16xf32, #tpu.memory_space<vmem_shared>>)
        tpu.yield
      }) : () -> ()
      %while3A_151 = arith.constant 0 : i32
      scf.yield %while3A_151 : i32
    }
    %barrier3A_111 = arith.constant 0 : index
    tpu.barrier barrier_id(%barrier3A_111)
    %mul3A_112 = arith.constant 4 : i32
    %mul3A_113 = arith.muli %arg0, %mul3A_112 : i32
    %add3A_114 = arith.constant 0 : i32
    %add3A_115 = arith.addi %mul3A_113, %add3A_114 : i32
    %mul3A_116 = arith.constant 640 : i32
    %mul3A_117 = arith.muli %arg1, %mul3A_116 : i32
    "tpu.region"() ({
      %run_scoped3A = tpu.sem_alloc : memref<!tpu.dma_semaphore, #tpu.memory_space<semaphore_mem>>
      %dma_start3A = arith.constant 0 : i32
      %dma_start3A_144 = tpu.memref_slice %arg6[%mul3A_117, %dma_start3A] : memref<10240x16xf32, #tpu.memory_space<vmem_shared>> -> memref<640x16xf32, #tpu.memory_space<vmem_shared>>
      %dma_start3A_145 = arith.constant 0 : i32
      %dma_start3A_146 = tpu.memref_slice %arg6[%mul3A_117, %dma_start3A_145] : memref<10240x16xf32, #tpu.memory_space<vmem_shared>> -> memref<640x16xf32, #tpu.memory_space<vmem_shared>>
      tpu.enqueue_dma source(%dma_start3A_146 : memref<640x16xf32, #tpu.memory_space<vmem_shared>>) target(%arg11 : memref<640x16xf32, #tpu.memory_space<vmem>>) target_semaphore(%run_scoped3A : memref<!tpu.dma_semaphore, #tpu.memory_space<semaphore_mem>>)
      %dma_wait3A = arith.constant 0 : i32
      %dma_wait3A_147 = tpu.memref_slice %arg6[%mul3A_117, %dma_wait3A] : memref<10240x16xf32, #tpu.memory_space<vmem_shared>> -> memref<640x16xf32, #tpu.memory_space<vmem_shared>>
      %dma_wait3A_148 = arith.constant 0 : i32
      %dma_wait3A_149 = tpu.memref_slice %arg6[%mul3A_117, %dma_wait3A_148] : memref<10240x16xf32, #tpu.memory_space<vmem_shared>> -> memref<640x16xf32, #tpu.memory_space<vmem_shared>>
      tpu.wait_dma2 semaphore(%run_scoped3A : memref<!tpu.dma_semaphore, #tpu.memory_space<semaphore_mem>>) src(%dma_wait3A_149 : memref<640x16xf32, #tpu.memory_space<vmem_shared>>) dst(%arg11 : memref<640x16xf32, #tpu.memory_space<vmem>>)
      tpu.yield
    }) : () -> ()
    %mul3A_118 = arith.constant 640 : i32
    %mul3A_119 = arith.muli %arg1, %mul3A_118 : i32
    "tpu.region"() ({
      %run_scoped3A = tpu.sem_alloc : memref<!tpu.dma_semaphore, #tpu.memory_space<semaphore_mem>>
      %dma_start3A = arith.constant 0 : i32
      %dma_start3A_144 = tpu.memref_slice %arg5[%add3A_115, %mul3A_119, %dma_start3A] : memref<8x10240x16xf32, #tpu.memory_space<hbm>> -> memref<1x640x16xf32, #tpu.memory_space<hbm>>
      %dma_start3A_145 = tpu.memref_squeeze %dma_start3A_144 : memref<1x640x16xf32, #tpu.memory_space<hbm>> -> memref<640x16xf32, #tpu.memory_space<hbm>>
      %dma_start3A_146 = arith.constant 0 : i32
      %dma_start3A_147 = tpu.memref_slice %arg5[%add3A_115, %mul3A_119, %dma_start3A_146] : memref<8x10240x16xf32, #tpu.memory_space<hbm>> -> memref<1x640x16xf32, #tpu.memory_space<hbm>>
      %dma_start3A_148 = tpu.memref_squeeze %dma_start3A_147 : memref<1x640x16xf32, #tpu.memory_space<hbm>> -> memref<640x16xf32, #tpu.memory_space<hbm>>
      tpu.enqueue_dma source(%arg11 : memref<640x16xf32, #tpu.memory_space<vmem>>) target(%dma_start3A_148 : memref<640x16xf32, #tpu.memory_space<hbm>>) target_semaphore(%run_scoped3A : memref<!tpu.dma_semaphore, #tpu.memory_space<semaphore_mem>>)
      %dma_wait3A = arith.constant 0 : i32
      %dma_wait3A_149 = tpu.memref_slice %arg5[%add3A_115, %mul3A_119, %dma_wait3A] : memref<8x10240x16xf32, #tpu.memory_space<hbm>> -> memref<1x640x16xf32, #tpu.memory_space<hbm>>
      %dma_wait3A_150 = tpu.memref_squeeze %dma_wait3A_149 : memref<1x640x16xf32, #tpu.memory_space<hbm>> -> memref<640x16xf32, #tpu.memory_space<hbm>>
      %dma_wait3A_151 = arith.constant 0 : i32
      %dma_wait3A_152 = tpu.memref_slice %arg5[%add3A_115, %mul3A_119, %dma_wait3A_151] : memref<8x10240x16xf32, #tpu.memory_space<hbm>> -> memref<1x640x16xf32, #tpu.memory_space<hbm>>
      %dma_wait3A_153 = tpu.memref_squeeze %dma_wait3A_152 : memref<1x640x16xf32, #tpu.memory_space<hbm>> -> memref<640x16xf32, #tpu.memory_space<hbm>>
      tpu.wait_dma2 semaphore(%run_scoped3A : memref<!tpu.dma_semaphore, #tpu.memory_space<semaphore_mem>>) src(%arg11 : memref<640x16xf32, #tpu.memory_space<vmem>>) dst(%dma_wait3A_153 : memref<640x16xf32, #tpu.memory_space<hbm>>)
      tpu.yield
    }) : () -> ()
    %mul3A_120 = arith.constant 4 : i32
    %mul3A_121 = arith.muli %arg0, %mul3A_120 : i32
    %add3A_122 = arith.constant 1 : i32
    %add3A_123 = arith.addi %mul3A_121, %add3A_122 : i32
    %mul3A_124 = arith.constant 640 : i32
    %mul3A_125 = arith.muli %arg1, %mul3A_124 : i32
    "tpu.region"() ({
      %run_scoped3A = tpu.sem_alloc : memref<!tpu.dma_semaphore, #tpu.memory_space<semaphore_mem>>
      %dma_start3A = arith.constant 0 : i32
      %dma_start3A_144 = tpu.memref_slice %arg7[%mul3A_125, %dma_start3A] : memref<10240x16xf32, #tpu.memory_space<vmem_shared>> -> memref<640x16xf32, #tpu.memory_space<vmem_shared>>
      %dma_start3A_145 = arith.constant 0 : i32
      %dma_start3A_146 = tpu.memref_slice %arg7[%mul3A_125, %dma_start3A_145] : memref<10240x16xf32, #tpu.memory_space<vmem_shared>> -> memref<640x16xf32, #tpu.memory_space<vmem_shared>>
      tpu.enqueue_dma source(%dma_start3A_146 : memref<640x16xf32, #tpu.memory_space<vmem_shared>>) target(%arg11 : memref<640x16xf32, #tpu.memory_space<vmem>>) target_semaphore(%run_scoped3A : memref<!tpu.dma_semaphore, #tpu.memory_space<semaphore_mem>>)
      %dma_wait3A = arith.constant 0 : i32
      %dma_wait3A_147 = tpu.memref_slice %arg7[%mul3A_125, %dma_wait3A] : memref<10240x16xf32, #tpu.memory_space<vmem_shared>> -> memref<640x16xf32, #tpu.memory_space<vmem_shared>>
      %dma_wait3A_148 = arith.constant 0 : i32
      %dma_wait3A_149 = tpu.memref_slice %arg7[%mul3A_125, %dma_wait3A_148] : memref<10240x16xf32, #tpu.memory_space<vmem_shared>> -> memref<640x16xf32, #tpu.memory_space<vmem_shared>>
      tpu.wait_dma2 semaphore(%run_scoped3A : memref<!tpu.dma_semaphore, #tpu.memory_space<semaphore_mem>>) src(%dma_wait3A_149 : memref<640x16xf32, #tpu.memory_space<vmem_shared>>) dst(%arg11 : memref<640x16xf32, #tpu.memory_space<vmem>>)
      tpu.yield
    }) : () -> ()
    %mul3A_126 = arith.constant 640 : i32
    %mul3A_127 = arith.muli %arg1, %mul3A_126 : i32
    "tpu.region"() ({
      %run_scoped3A = tpu.sem_alloc : memref<!tpu.dma_semaphore, #tpu.memory_space<semaphore_mem>>
      %dma_start3A = arith.constant 0 : i32
      %dma_start3A_144 = tpu.memref_slice %arg5[%add3A_123, %mul3A_127, %dma_start3A] : memref<8x10240x16xf32, #tpu.memory_space<hbm>> -> memref<1x640x16xf32, #tpu.memory_space<hbm>>
      %dma_start3A_145 = tpu.memref_squeeze %dma_start3A_144 : memref<1x640x16xf32, #tpu.memory_space<hbm>> -> memref<640x16xf32, #tpu.memory_space<hbm>>
      %dma_start3A_146 = arith.constant 0 : i32
      %dma_start3A_147 = tpu.memref_slice %arg5[%add3A_123, %mul3A_127, %dma_start3A_146] : memref<8x10240x16xf32, #tpu.memory_space<hbm>> -> memref<1x640x16xf32, #tpu.memory_space<hbm>>
      %dma_start3A_148 = tpu.memref_squeeze %dma_start3A_147 : memref<1x640x16xf32, #tpu.memory_space<hbm>> -> memref<640x16xf32, #tpu.memory_space<hbm>>
      tpu.enqueue_dma source(%arg11 : memref<640x16xf32, #tpu.memory_space<vmem>>) target(%dma_start3A_148 : memref<640x16xf32, #tpu.memory_space<hbm>>) target_semaphore(%run_scoped3A : memref<!tpu.dma_semaphore, #tpu.memory_space<semaphore_mem>>)
      %dma_wait3A = arith.constant 0 : i32
      %dma_wait3A_149 = tpu.memref_slice %arg5[%add3A_123, %mul3A_127, %dma_wait3A] : memref<8x10240x16xf32, #tpu.memory_space<hbm>> -> memref<1x640x16xf32, #tpu.memory_space<hbm>>
      %dma_wait3A_150 = tpu.memref_squeeze %dma_wait3A_149 : memref<1x640x16xf32, #tpu.memory_space<hbm>> -> memref<640x16xf32, #tpu.memory_space<hbm>>
      %dma_wait3A_151 = arith.constant 0 : i32
      %dma_wait3A_152 = tpu.memref_slice %arg5[%add3A_123, %mul3A_127, %dma_wait3A_151] : memref<8x10240x16xf32, #tpu.memory_space<hbm>> -> memref<1x640x16xf32, #tpu.memory_space<hbm>>
      %dma_wait3A_153 = tpu.memref_squeeze %dma_wait3A_152 : memref<1x640x16xf32, #tpu.memory_space<hbm>> -> memref<640x16xf32, #tpu.memory_space<hbm>>
      tpu.wait_dma2 semaphore(%run_scoped3A : memref<!tpu.dma_semaphore, #tpu.memory_space<semaphore_mem>>) src(%arg11 : memref<640x16xf32, #tpu.memory_space<vmem>>) dst(%dma_wait3A_153 : memref<640x16xf32, #tpu.memory_space<hbm>>)
      tpu.yield
    }) : () -> ()
    %mul3A_128 = arith.constant 4 : i32
    %mul3A_129 = arith.muli %arg0, %mul3A_128 : i32
    %add3A_130 = arith.constant 2 : i32
    %add3A_131 = arith.addi %mul3A_129, %add3A_130 : i32
    %mul3A_132 = arith.constant 640 : i32
    %mul3A_133 = arith.muli %arg1, %mul3A_132 : i32
    "tpu.region"() ({
      %run_scoped3A = tpu.sem_alloc : memref<!tpu.dma_semaphore, #tpu.memory_space<semaphore_mem>>
      %dma_start3A = arith.constant 0 : i32
      %dma_start3A_144 = tpu.memref_slice %arg8[%mul3A_133, %dma_start3A] : memref<10240x16xf32, #tpu.memory_space<vmem_shared>> -> memref<640x16xf32, #tpu.memory_space<vmem_shared>>
      %dma_start3A_145 = arith.constant 0 : i32
      %dma_start3A_146 = tpu.memref_slice %arg8[%mul3A_133, %dma_start3A_145] : memref<10240x16xf32, #tpu.memory_space<vmem_shared>> -> memref<640x16xf32, #tpu.memory_space<vmem_shared>>
      tpu.enqueue_dma source(%dma_start3A_146 : memref<640x16xf32, #tpu.memory_space<vmem_shared>>) target(%arg11 : memref<640x16xf32, #tpu.memory_space<vmem>>) target_semaphore(%run_scoped3A : memref<!tpu.dma_semaphore, #tpu.memory_space<semaphore_mem>>)
      %dma_wait3A = arith.constant 0 : i32
      %dma_wait3A_147 = tpu.memref_slice %arg8[%mul3A_133, %dma_wait3A] : memref<10240x16xf32, #tpu.memory_space<vmem_shared>> -> memref<640x16xf32, #tpu.memory_space<vmem_shared>>
      %dma_wait3A_148 = arith.constant 0 : i32
      %dma_wait3A_149 = tpu.memref_slice %arg8[%mul3A_133, %dma_wait3A_148] : memref<10240x16xf32, #tpu.memory_space<vmem_shared>> -> memref<640x16xf32, #tpu.memory_space<vmem_shared>>
      tpu.wait_dma2 semaphore(%run_scoped3A : memref<!tpu.dma_semaphore, #tpu.memory_space<semaphore_mem>>) src(%dma_wait3A_149 : memref<640x16xf32, #tpu.memory_space<vmem_shared>>) dst(%arg11 : memref<640x16xf32, #tpu.memory_space<vmem>>)
      tpu.yield
    }) : () -> ()
    %mul3A_134 = arith.constant 640 : i32
    %mul3A_135 = arith.muli %arg1, %mul3A_134 : i32
    "tpu.region"() ({
      %run_scoped3A = tpu.sem_alloc : memref<!tpu.dma_semaphore, #tpu.memory_space<semaphore_mem>>
      %dma_start3A = arith.constant 0 : i32
      %dma_start3A_144 = tpu.memref_slice %arg5[%add3A_131, %mul3A_135, %dma_start3A] : memref<8x10240x16xf32, #tpu.memory_space<hbm>> -> memref<1x640x16xf32, #tpu.memory_space<hbm>>
      %dma_start3A_145 = tpu.memref_squeeze %dma_start3A_144 : memref<1x640x16xf32, #tpu.memory_space<hbm>> -> memref<640x16xf32, #tpu.memory_space<hbm>>
      %dma_start3A_146 = arith.constant 0 : i32
      %dma_start3A_147 = tpu.memref_slice %arg5[%add3A_131, %mul3A_135, %dma_start3A_146] : memref<8x10240x16xf32, #tpu.memory_space<hbm>> -> memref<1x640x16xf32, #tpu.memory_space<hbm>>
      %dma_start3A_148 = tpu.memref_squeeze %dma_start3A_147 : memref<1x640x16xf32, #tpu.memory_space<hbm>> -> memref<640x16xf32, #tpu.memory_space<hbm>>
      tpu.enqueue_dma source(%arg11 : memref<640x16xf32, #tpu.memory_space<vmem>>) target(%dma_start3A_148 : memref<640x16xf32, #tpu.memory_space<hbm>>) target_semaphore(%run_scoped3A : memref<!tpu.dma_semaphore, #tpu.memory_space<semaphore_mem>>)
      %dma_wait3A = arith.constant 0 : i32
      %dma_wait3A_149 = tpu.memref_slice %arg5[%add3A_131, %mul3A_135, %dma_wait3A] : memref<8x10240x16xf32, #tpu.memory_space<hbm>> -> memref<1x640x16xf32, #tpu.memory_space<hbm>>
      %dma_wait3A_150 = tpu.memref_squeeze %dma_wait3A_149 : memref<1x640x16xf32, #tpu.memory_space<hbm>> -> memref<640x16xf32, #tpu.memory_space<hbm>>
      %dma_wait3A_151 = arith.constant 0 : i32
      %dma_wait3A_152 = tpu.memref_slice %arg5[%add3A_131, %mul3A_135, %dma_wait3A_151] : memref<8x10240x16xf32, #tpu.memory_space<hbm>> -> memref<1x640x16xf32, #tpu.memory_space<hbm>>
      %dma_wait3A_153 = tpu.memref_squeeze %dma_wait3A_152 : memref<1x640x16xf32, #tpu.memory_space<hbm>> -> memref<640x16xf32, #tpu.memory_space<hbm>>
      tpu.wait_dma2 semaphore(%run_scoped3A : memref<!tpu.dma_semaphore, #tpu.memory_space<semaphore_mem>>) src(%arg11 : memref<640x16xf32, #tpu.memory_space<vmem>>) dst(%dma_wait3A_153 : memref<640x16xf32, #tpu.memory_space<hbm>>)
      tpu.yield
    }) : () -> ()
    %mul3A_136 = arith.constant 4 : i32
    %mul3A_137 = arith.muli %arg0, %mul3A_136 : i32
    %add3A_138 = arith.constant 3 : i32
    %add3A_139 = arith.addi %mul3A_137, %add3A_138 : i32
    %mul3A_140 = arith.constant 640 : i32
    %mul3A_141 = arith.muli %arg1, %mul3A_140 : i32
    "tpu.region"() ({
      %run_scoped3A = tpu.sem_alloc : memref<!tpu.dma_semaphore, #tpu.memory_space<semaphore_mem>>
      %dma_start3A = arith.constant 0 : i32
      %dma_start3A_144 = tpu.memref_slice %arg9[%mul3A_141, %dma_start3A] : memref<10240x16xf32, #tpu.memory_space<vmem_shared>> -> memref<640x16xf32, #tpu.memory_space<vmem_shared>>
      %dma_start3A_145 = arith.constant 0 : i32
      %dma_start3A_146 = tpu.memref_slice %arg9[%mul3A_141, %dma_start3A_145] : memref<10240x16xf32, #tpu.memory_space<vmem_shared>> -> memref<640x16xf32, #tpu.memory_space<vmem_shared>>
      tpu.enqueue_dma source(%dma_start3A_146 : memref<640x16xf32, #tpu.memory_space<vmem_shared>>) target(%arg11 : memref<640x16xf32, #tpu.memory_space<vmem>>) target_semaphore(%run_scoped3A : memref<!tpu.dma_semaphore, #tpu.memory_space<semaphore_mem>>)
      %dma_wait3A = arith.constant 0 : i32
      %dma_wait3A_147 = tpu.memref_slice %arg9[%mul3A_141, %dma_wait3A] : memref<10240x16xf32, #tpu.memory_space<vmem_shared>> -> memref<640x16xf32, #tpu.memory_space<vmem_shared>>
      %dma_wait3A_148 = arith.constant 0 : i32
      %dma_wait3A_149 = tpu.memref_slice %arg9[%mul3A_141, %dma_wait3A_148] : memref<10240x16xf32, #tpu.memory_space<vmem_shared>> -> memref<640x16xf32, #tpu.memory_space<vmem_shared>>
      tpu.wait_dma2 semaphore(%run_scoped3A : memref<!tpu.dma_semaphore, #tpu.memory_space<semaphore_mem>>) src(%dma_wait3A_149 : memref<640x16xf32, #tpu.memory_space<vmem_shared>>) dst(%arg11 : memref<640x16xf32, #tpu.memory_space<vmem>>)
      tpu.yield
    }) : () -> ()
    %mul3A_142 = arith.constant 640 : i32
    %mul3A_143 = arith.muli %arg1, %mul3A_142 : i32
    "tpu.region"() ({
      %run_scoped3A = tpu.sem_alloc : memref<!tpu.dma_semaphore, #tpu.memory_space<semaphore_mem>>
      %dma_start3A = arith.constant 0 : i32
      %dma_start3A_144 = tpu.memref_slice %arg5[%add3A_139, %mul3A_143, %dma_start3A] : memref<8x10240x16xf32, #tpu.memory_space<hbm>> -> memref<1x640x16xf32, #tpu.memory_space<hbm>>
      %dma_start3A_145 = tpu.memref_squeeze %dma_start3A_144 : memref<1x640x16xf32, #tpu.memory_space<hbm>> -> memref<640x16xf32, #tpu.memory_space<hbm>>
      %dma_start3A_146 = arith.constant 0 : i32
      %dma_start3A_147 = tpu.memref_slice %arg5[%add3A_139, %mul3A_143, %dma_start3A_146] : memref<8x10240x16xf32, #tpu.memory_space<hbm>> -> memref<1x640x16xf32, #tpu.memory_space<hbm>>
      %dma_start3A_148 = tpu.memref_squeeze %dma_start3A_147 : memref<1x640x16xf32, #tpu.memory_space<hbm>> -> memref<640x16xf32, #tpu.memory_space<hbm>>
      tpu.enqueue_dma source(%arg11 : memref<640x16xf32, #tpu.memory_space<vmem>>) target(%dma_start3A_148 : memref<640x16xf32, #tpu.memory_space<hbm>>) target_semaphore(%run_scoped3A : memref<!tpu.dma_semaphore, #tpu.memory_space<semaphore_mem>>)
      %dma_wait3A = arith.constant 0 : i32
      %dma_wait3A_149 = tpu.memref_slice %arg5[%add3A_139, %mul3A_143, %dma_wait3A] : memref<8x10240x16xf32, #tpu.memory_space<hbm>> -> memref<1x640x16xf32, #tpu.memory_space<hbm>>
      %dma_wait3A_150 = tpu.memref_squeeze %dma_wait3A_149 : memref<1x640x16xf32, #tpu.memory_space<hbm>> -> memref<640x16xf32, #tpu.memory_space<hbm>>
      %dma_wait3A_151 = arith.constant 0 : i32
      %dma_wait3A_152 = tpu.memref_slice %arg5[%add3A_139, %mul3A_143, %dma_wait3A_151] : memref<8x10240x16xf32, #tpu.memory_space<hbm>> -> memref<1x640x16xf32, #tpu.memory_space<hbm>>
      %dma_wait3A_153 = tpu.memref_squeeze %dma_wait3A_152 : memref<1x640x16xf32, #tpu.memory_space<hbm>> -> memref<640x16xf32, #tpu.memory_space<hbm>>
      tpu.wait_dma2 semaphore(%run_scoped3A : memref<!tpu.dma_semaphore, #tpu.memory_space<semaphore_mem>>) src(%arg11 : memref<640x16xf32, #tpu.memory_space<vmem>>) dst(%dma_wait3A_153 : memref<640x16xf32, #tpu.memory_space<hbm>>)
      tpu.yield
    }) : () -> ()
    return
  }
}

#map = affine_map<(d0, d1) -> (0, 0, 0, 0)>
#map1 = affine_map<(d0, d1) -> (0)>
#map2 = affine_map<(d0, d1) -> (0, 0)>
module attributes {stable_mosaic.version = 14 : i64} {
  func.func @k(%arg0: i32, %arg1: i32, %arg2: memref<4x2x10240x128xf32, #tpu.memory_space<hbm>>, %arg3: memref<640000xi32, #tpu.memory_space<hbm>>, %arg4: memref<640000xi32, #tpu.memory_space<hbm>>, %arg5: memref<128x128xf32, #tpu.memory_space<hbm>>, %arg6: memref<4x2x10240x128xf32, #tpu.memory_space<hbm>>, %arg7: memref<10240x128xf32, #tpu.memory_space<vmem_shared>>, %arg8: memref<128x128xf32, #tpu.memory_space<vmem>>, %arg9: memref<128x128xf32, #tpu.memory_space<vmem>>, %arg10: memref<128xi32, #tpu.memory_space<vmem>>, %arg11: memref<128xi32, #tpu.memory_space<vmem>>, %arg12: memref<!tpu.dma_semaphore, #tpu.memory_space<semaphore_mem>>) attributes {dimension_semantics = [#tpu.dimension_semantics<core_parallel>, #tpu.dimension_semantics<subcore_parallel>], iteration_bounds = array<i64: 2, 16>, scalar_prefetch = 0 : i64, scratch_operands = 6 : i64, tpu.core_type = #tpu.core_type<sc_vector_subcore>, window_params = [{transform_indices = #map}, {transform_indices = #map1}, {transform_indices = #map1}, {transform_indices = #map2}, {transform_indices = #map}]} {
    "tpu.region"() ({
      %run_scoped3A = tpu.sem_alloc : memref<!tpu.dma_semaphore, #tpu.memory_space<semaphore_mem>>
      tpu.enqueue_dma source(%arg5 : memref<128x128xf32, #tpu.memory_space<hbm>>) target(%arg9 : memref<128x128xf32, #tpu.memory_space<vmem>>) target_semaphore(%run_scoped3A : memref<!tpu.dma_semaphore, #tpu.memory_space<semaphore_mem>>)
      tpu.wait_dma2 semaphore(%run_scoped3A : memref<!tpu.dma_semaphore, #tpu.memory_space<semaphore_mem>>) src(%arg5 : memref<128x128xf32, #tpu.memory_space<hbm>>) dst(%arg9 : memref<128x128xf32, #tpu.memory_space<vmem>>)
      tpu.yield
    }) : () -> ()
    %mul3A = arith.constant 1250 : i32
    %mul3A_0 = arith.muli %arg1, %mul3A : i32
    %jit3A = arith.constant 16 : i32
    %div3A = arith.divsi %mul3A_0, %jit3A : i32
    %sign3A = arith.constant 0 : i32
    %sign3A_1 = arith.cmpi sgt, %mul3A_0, %sign3A : i32
    %sign3A_2 = arith.extui %sign3A_1 : i1 to i32
    %sign3A_3 = arith.constant 0 : i32
    %sign3A_4 = arith.cmpi slt, %mul3A_0, %sign3A_3 : i32
    %sign3A_5 = arith.extui %sign3A_4 : i1 to i32
    %sign3A_6 = arith.subi %sign3A_2, %sign3A_5 : i32
    %sign3A_7 = arith.constant 0 : i32
    %sign3A_8 = arith.cmpi sgt, %jit3A, %sign3A_7 : i32
    %sign3A_9 = arith.extui %sign3A_8 : i1 to i32
    %sign3A_10 = arith.constant 0 : i32
    %sign3A_11 = arith.cmpi slt, %jit3A, %sign3A_10 : i32
    %sign3A_12 = arith.extui %sign3A_11 : i1 to i32
    %sign3A_13 = arith.subi %sign3A_9, %sign3A_12 : i32
    %ne3A = arith.cmpi ne, %sign3A_6, %sign3A_13 : i32
    %rem3A = arith.remsi %mul3A_0, %jit3A : i32
    %ne3A_14 = arith.constant 0 : i32
    %ne3A_15 = arith.cmpi ne, %rem3A, %ne3A_14 : i32
    %and3A = arith.andi %ne3A, %ne3A_15 : i1
    %sub3A = arith.constant 1 : i32
    %sub3A_16 = arith.subi %div3A, %sub3A : i32
    %select_n3A = arith.select %and3A, %sub3A_16, %div3A : i32
    %add3A = arith.constant 1 : i32
    %add3A_17 = arith.addi %arg1, %add3A : i32
    %mul3A_18 = arith.constant 1250 : i32
    %mul3A_19 = arith.muli %add3A_17, %mul3A_18 : i32
    %jit3A_20 = arith.constant 16 : i32
    %div3A_21 = arith.divsi %mul3A_19, %jit3A_20 : i32
    %sign3A_22 = arith.constant 0 : i32
    %sign3A_23 = arith.cmpi sgt, %mul3A_19, %sign3A_22 : i32
    %sign3A_24 = arith.extui %sign3A_23 : i1 to i32
    %sign3A_25 = arith.constant 0 : i32
    %sign3A_26 = arith.cmpi slt, %mul3A_19, %sign3A_25 : i32
    %sign3A_27 = arith.extui %sign3A_26 : i1 to i32
    %sign3A_28 = arith.subi %sign3A_24, %sign3A_27 : i32
    %sign3A_29 = arith.constant 0 : i32
    %sign3A_30 = arith.cmpi sgt, %jit3A_20, %sign3A_29 : i32
    %sign3A_31 = arith.extui %sign3A_30 : i1 to i32
    %sign3A_32 = arith.constant 0 : i32
    %sign3A_33 = arith.cmpi slt, %jit3A_20, %sign3A_32 : i32
    %sign3A_34 = arith.extui %sign3A_33 : i1 to i32
    %sign3A_35 = arith.subi %sign3A_31, %sign3A_34 : i32
    %ne3A_36 = arith.cmpi ne, %sign3A_28, %sign3A_35 : i32
    %rem3A_37 = arith.remsi %mul3A_19, %jit3A_20 : i32
    %ne3A_38 = arith.constant 0 : i32
    %ne3A_39 = arith.cmpi ne, %rem3A_37, %ne3A_38 : i32
    %and3A_40 = arith.andi %ne3A_36, %ne3A_39 : i1
    %sub3A_41 = arith.constant 1 : i32
    %sub3A_42 = arith.subi %div3A_21, %sub3A_41 : i32
    %select_n3A_43 = arith.select %and3A_40, %sub3A_42, %div3A_21 : i32
    %scan3A = arith.constant 0 : i32
    %scan3A_44 = arith.constant 0 : i32
    %scan3A_45 = arith.constant 5 : i32
    %scan3A_46 = arith.addi %scan3A_44, %scan3A_45 : i32
    %scan3A_47 = arith.constant 1 : i32
    %scan3A_48 = scf.for %scan3A_149 = %scan3A_44 to %scan3A_46 step %scan3A_47 iter_args(%scan3A_150 = %scan3A) -> (i32)  : i32 {
      %mul3A_151 = arith.constant 640 : i32
      %mul3A_152 = arith.muli %arg1, %mul3A_151 : i32
      %mul3A_153 = arith.constant 128 : i32
      %mul3A_154 = arith.muli %scan3A_149, %mul3A_153 : i32
      %add3A_155 = arith.addi %mul3A_152, %mul3A_154 : i32
      "tpu.region"() ({
        %run_scoped3A = tpu.sem_alloc : memref<!tpu.dma_semaphore, #tpu.memory_space<semaphore_mem>>
        %dma_start3A = arith.constant 0 : i32
        %dma_start3A_157 = tpu.memref_slice %arg7[%add3A_155, %dma_start3A] : memref<10240x128xf32, #tpu.memory_space<vmem_shared>> -> memref<128x128xf32, #tpu.memory_space<vmem_shared>>
        %dma_start3A_158 = arith.constant 0 : i32
        %dma_start3A_159 = tpu.memref_slice %arg7[%add3A_155, %dma_start3A_158] : memref<10240x128xf32, #tpu.memory_space<vmem_shared>> -> memref<128x128xf32, #tpu.memory_space<vmem_shared>>
        tpu.enqueue_dma source(%arg9 : memref<128x128xf32, #tpu.memory_space<vmem>>) target(%dma_start3A_159 : memref<128x128xf32, #tpu.memory_space<vmem_shared>>) target_semaphore(%run_scoped3A : memref<!tpu.dma_semaphore, #tpu.memory_space<semaphore_mem>>)
        %dma_wait3A = arith.constant 0 : i32
        %dma_wait3A_160 = tpu.memref_slice %arg7[%add3A_155, %dma_wait3A] : memref<10240x128xf32, #tpu.memory_space<vmem_shared>> -> memref<128x128xf32, #tpu.memory_space<vmem_shared>>
        %dma_wait3A_161 = arith.constant 0 : i32
        %dma_wait3A_162 = tpu.memref_slice %arg7[%add3A_155, %dma_wait3A_161] : memref<10240x128xf32, #tpu.memory_space<vmem_shared>> -> memref<128x128xf32, #tpu.memory_space<vmem_shared>>
        tpu.wait_dma2 semaphore(%run_scoped3A : memref<!tpu.dma_semaphore, #tpu.memory_space<semaphore_mem>>) src(%arg9 : memref<128x128xf32, #tpu.memory_space<vmem>>) dst(%dma_wait3A_162 : memref<128x128xf32, #tpu.memory_space<vmem_shared>>)
        tpu.yield
      }) : () -> ()
      %scan3A_156 = arith.constant 0 : i32
      scf.yield %scan3A_156 : i32
    }
    %scan3A_49 = arith.constant 5 : i32
    %barrier3A = arith.constant 0 : index
    tpu.barrier barrier_id(%barrier3A)
    %while3A = arith.constant 0 : i32
    %while3A_50 = arith.subi %select_n3A_43, %select_n3A : i32
    %while3A_51 = arith.addi %select_n3A, %while3A_50 : i32
    %while3A_52 = arith.constant 1 : i32
    %while3A_53 = arith.divsi %while3A_50, %while3A_52 : i32
    %while3A_54 = arith.muli %while3A_53, %while3A_52 : i32
    %while3A_55 = arith.addi %select_n3A, %while3A_54 : i32
    %while3A_56 = arith.constant 1 : i32
    %while3A_57 = scf.for %while3A_149 = %select_n3A to %while3A_55 step %while3A_56 iter_args(%while3A_150 = %while3A) -> (i32)  : i32 {
      %mul3A_151 = arith.constant 128 : i32
      %mul3A_152 = arith.muli %while3A_149, %mul3A_151 : i32
      %add3A_153 = arith.constant 0 : i32
      %add3A_154 = arith.addi %add3A_153, %mul3A_152 : i32
      "tpu.region"() ({
        %run_scoped3A = tpu.sem_alloc : memref<!tpu.dma_semaphore, #tpu.memory_space<semaphore_mem>>
        %dma_start3A_174 = tpu.memref_slice %arg3[%add3A_154] : memref<640000xi32, #tpu.memory_space<hbm>> -> memref<128xi32, #tpu.memory_space<hbm>>
        %dma_start3A_175 = tpu.memref_slice %arg3[%add3A_154] : memref<640000xi32, #tpu.memory_space<hbm>> -> memref<128xi32, #tpu.memory_space<hbm>>
        tpu.enqueue_dma source(%dma_start3A_175 : memref<128xi32, #tpu.memory_space<hbm>>) target(%arg10 : memref<128xi32, #tpu.memory_space<vmem>>) target_semaphore(%run_scoped3A : memref<!tpu.dma_semaphore, #tpu.memory_space<semaphore_mem>>)
        %dma_wait3A_176 = tpu.memref_slice %arg3[%add3A_154] : memref<640000xi32, #tpu.memory_space<hbm>> -> memref<128xi32, #tpu.memory_space<hbm>>
        %dma_wait3A_177 = tpu.memref_slice %arg3[%add3A_154] : memref<640000xi32, #tpu.memory_space<hbm>> -> memref<128xi32, #tpu.memory_space<hbm>>
        tpu.wait_dma2 semaphore(%run_scoped3A : memref<!tpu.dma_semaphore, #tpu.memory_space<semaphore_mem>>) src(%dma_wait3A_177 : memref<128xi32, #tpu.memory_space<hbm>>) dst(%arg10 : memref<128xi32, #tpu.memory_space<vmem>>)
        tpu.yield
      }) : () -> ()
      %mul3A_155 = arith.constant 128 : i32
      %mul3A_156 = arith.muli %while3A_149, %mul3A_155 : i32
      %add3A_157 = arith.constant 0 : i32
      %add3A_158 = arith.addi %add3A_157, %mul3A_156 : i32
      "tpu.region"() ({
        %run_scoped3A = tpu.sem_alloc : memref<!tpu.dma_semaphore, #tpu.memory_space<semaphore_mem>>
        %dma_start3A_174 = tpu.memref_slice %arg4[%add3A_158] : memref<640000xi32, #tpu.memory_space<hbm>> -> memref<128xi32, #tpu.memory_space<hbm>>
        %dma_start3A_175 = tpu.memref_slice %arg4[%add3A_158] : memref<640000xi32, #tpu.memory_space<hbm>> -> memref<128xi32, #tpu.memory_space<hbm>>
        tpu.enqueue_dma source(%dma_start3A_175 : memref<128xi32, #tpu.memory_space<hbm>>) target(%arg11 : memref<128xi32, #tpu.memory_space<vmem>>) target_semaphore(%run_scoped3A : memref<!tpu.dma_semaphore, #tpu.memory_space<semaphore_mem>>)
        %dma_wait3A_176 = tpu.memref_slice %arg4[%add3A_158] : memref<640000xi32, #tpu.memory_space<hbm>> -> memref<128xi32, #tpu.memory_space<hbm>>
        %dma_wait3A_177 = tpu.memref_slice %arg4[%add3A_158] : memref<640000xi32, #tpu.memory_space<hbm>> -> memref<128xi32, #tpu.memory_space<hbm>>
        tpu.wait_dma2 semaphore(%run_scoped3A : memref<!tpu.dma_semaphore, #tpu.memory_space<semaphore_mem>>) src(%dma_wait3A_177 : memref<128xi32, #tpu.memory_space<hbm>>) dst(%arg11 : memref<128xi32, #tpu.memory_space<vmem>>)
        tpu.yield
      }) : () -> ()
      %dma_start3A = arith.constant 0 : i32
      %dma_start3A_159 = arith.constant 0 : i32
      %dma_start3A_160 = arith.constant 0 : i32
      %dma_start3A_161 = tpu.memref_slice %arg2[%dma_start3A, %arg0, %dma_start3A_159, %dma_start3A_160] : memref<4x2x10240x128xf32, #tpu.memory_space<hbm>> -> memref<1x1x10240x128xf32, #tpu.memory_space<hbm>>
      %dma_start3A_162 = tpu.memref_squeeze %dma_start3A_161 : memref<1x1x10240x128xf32, #tpu.memory_space<hbm>> -> memref<10240x128xf32, #tpu.memory_space<hbm>>
      %dma_start3A_163 = arith.constant 0 : i32
      %dma_start3A_164 = arith.constant 0 : i32
      %dma_start3A_165 = tpu.memref_slice %dma_start3A_162[%dma_start3A_163, %dma_start3A_164] : memref<10240x128xf32, #tpu.memory_space<hbm>> -> memref<10240x128xf32, #tpu.memory_space<hbm>>
      tpu.enqueue_indirect_dma source(%dma_start3A_165 : memref<10240x128xf32, #tpu.memory_space<hbm>>) target(%arg8 : memref<128x128xf32, #tpu.memory_space<vmem>>) offsets(%arg10 : memref<128xi32, #tpu.memory_space<vmem>>) semaphore(%arg12 : memref<!tpu.dma_semaphore, #tpu.memory_space<semaphore_mem>>)
      %dma_wait3A = arith.constant 0 : i32
      %dma_wait3A_166 = arith.constant 0 : i32
      %dma_wait3A_167 = arith.constant 0 : i32
      %dma_wait3A_168 = tpu.memref_slice %arg2[%dma_wait3A, %arg0, %dma_wait3A_166, %dma_wait3A_167] : memref<4x2x10240x128xf32, #tpu.memory_space<hbm>> -> memref<1x1x10240x128xf32, #tpu.memory_space<hbm>>
      %dma_wait3A_169 = tpu.memref_squeeze %dma_wait3A_168 : memref<1x1x10240x128xf32, #tpu.memory_space<hbm>> -> memref<10240x128xf32, #tpu.memory_space<hbm>>
      %dma_wait3A_170 = arith.constant 0 : i32
      %dma_wait3A_171 = arith.constant 0 : i32
      %dma_wait3A_172 = tpu.memref_slice %dma_wait3A_169[%dma_wait3A_170, %dma_wait3A_171] : memref<10240x128xf32, #tpu.memory_space<hbm>> -> memref<10240x128xf32, #tpu.memory_space<hbm>>
      tpu.wait_indirect_dma semaphore(%arg12 : memref<!tpu.dma_semaphore, #tpu.memory_space<semaphore_mem>>) src(%dma_wait3A_172 : memref<10240x128xf32, #tpu.memory_space<hbm>>) dst(%arg8 : memref<128x128xf32, #tpu.memory_space<vmem>>)
      "tpu.region"() ({
        %run_scoped3A = tpu.sem_alloc : memref<!tpu.dma_semaphore, #tpu.memory_space<semaphore_mem>>
        %dma_start3A_174 = arith.constant 0 : i32
        %dma_start3A_175 = arith.constant 0 : i32
        %dma_start3A_176 = tpu.memref_slice %arg7[%dma_start3A_174, %dma_start3A_175] : memref<10240x128xf32, #tpu.memory_space<vmem_shared>> -> memref<10240x128xf32, #tpu.memory_space<vmem_shared>>
        tpu.enqueue_indirect_dma source(%arg8 : memref<128x128xf32, #tpu.memory_space<vmem>>) target(%dma_start3A_176 : memref<10240x128xf32, #tpu.memory_space<vmem_shared>>) offsets(%arg11 : memref<128xi32, #tpu.memory_space<vmem>>) semaphore(%run_scoped3A : memref<!tpu.dma_semaphore, #tpu.memory_space<semaphore_mem>>) {add = true}
        %dma_wait3A_177 = arith.constant 0 : i32
        %dma_wait3A_178 = arith.constant 0 : i32
        %dma_wait3A_179 = tpu.memref_slice %arg7[%dma_wait3A_177, %dma_wait3A_178] : memref<10240x128xf32, #tpu.memory_space<vmem_shared>> -> memref<10240x128xf32, #tpu.memory_space<vmem_shared>>
        tpu.wait_indirect_dma semaphore(%run_scoped3A : memref<!tpu.dma_semaphore, #tpu.memory_space<semaphore_mem>>) src(%arg8 : memref<128x128xf32, #tpu.memory_space<vmem>>) dst(%dma_wait3A_179 : memref<10240x128xf32, #tpu.memory_space<vmem_shared>>)
        tpu.yield
      }) : () -> ()
      %while3A_173 = arith.constant 0 : i32
      scf.yield %while3A_173 : i32
    }
    %while3A_58 = arith.constant 1 : i32
    %while3A_59 = scf.for %while3A_149 = %while3A_55 to %while3A_51 step %while3A_58 iter_args(%while3A_150 = %while3A_57) -> (i32)  : i32 {
      %mul3A_151 = arith.constant 128 : i32
      %mul3A_152 = arith.muli %while3A_149, %mul3A_151 : i32
      %add3A_153 = arith.constant 0 : i32
      %add3A_154 = arith.addi %add3A_153, %mul3A_152 : i32
      "tpu.region"() ({
        %run_scoped3A = tpu.sem_alloc : memref<!tpu.dma_semaphore, #tpu.memory_space<semaphore_mem>>
        %dma_start3A_174 = tpu.memref_slice %arg3[%add3A_154] : memref<640000xi32, #tpu.memory_space<hbm>> -> memref<128xi32, #tpu.memory_space<hbm>>
        %dma_start3A_175 = tpu.memref_slice %arg3[%add3A_154] : memref<640000xi32, #tpu.memory_space<hbm>> -> memref<128xi32, #tpu.memory_space<hbm>>
        tpu.enqueue_dma source(%dma_start3A_175 : memref<128xi32, #tpu.memory_space<hbm>>) target(%arg10 : memref<128xi32, #tpu.memory_space<vmem>>) target_semaphore(%run_scoped3A : memref<!tpu.dma_semaphore, #tpu.memory_space<semaphore_mem>>)
        %dma_wait3A_176 = tpu.memref_slice %arg3[%add3A_154] : memref<640000xi32, #tpu.memory_space<hbm>> -> memref<128xi32, #tpu.memory_space<hbm>>
        %dma_wait3A_177 = tpu.memref_slice %arg3[%add3A_154] : memref<640000xi32, #tpu.memory_space<hbm>> -> memref<128xi32, #tpu.memory_space<hbm>>
        tpu.wait_dma2 semaphore(%run_scoped3A : memref<!tpu.dma_semaphore, #tpu.memory_space<semaphore_mem>>) src(%dma_wait3A_177 : memref<128xi32, #tpu.memory_space<hbm>>) dst(%arg10 : memref<128xi32, #tpu.memory_space<vmem>>)
        tpu.yield
      }) : () -> ()
      %mul3A_155 = arith.constant 128 : i32
      %mul3A_156 = arith.muli %while3A_149, %mul3A_155 : i32
      %add3A_157 = arith.constant 0 : i32
      %add3A_158 = arith.addi %add3A_157, %mul3A_156 : i32
      "tpu.region"() ({
        %run_scoped3A = tpu.sem_alloc : memref<!tpu.dma_semaphore, #tpu.memory_space<semaphore_mem>>
        %dma_start3A_174 = tpu.memref_slice %arg4[%add3A_158] : memref<640000xi32, #tpu.memory_space<hbm>> -> memref<128xi32, #tpu.memory_space<hbm>>
        %dma_start3A_175 = tpu.memref_slice %arg4[%add3A_158] : memref<640000xi32, #tpu.memory_space<hbm>> -> memref<128xi32, #tpu.memory_space<hbm>>
        tpu.enqueue_dma source(%dma_start3A_175 : memref<128xi32, #tpu.memory_space<hbm>>) target(%arg11 : memref<128xi32, #tpu.memory_space<vmem>>) target_semaphore(%run_scoped3A : memref<!tpu.dma_semaphore, #tpu.memory_space<semaphore_mem>>)
        %dma_wait3A_176 = tpu.memref_slice %arg4[%add3A_158] : memref<640000xi32, #tpu.memory_space<hbm>> -> memref<128xi32, #tpu.memory_space<hbm>>
        %dma_wait3A_177 = tpu.memref_slice %arg4[%add3A_158] : memref<640000xi32, #tpu.memory_space<hbm>> -> memref<128xi32, #tpu.memory_space<hbm>>
        tpu.wait_dma2 semaphore(%run_scoped3A : memref<!tpu.dma_semaphore, #tpu.memory_space<semaphore_mem>>) src(%dma_wait3A_177 : memref<128xi32, #tpu.memory_space<hbm>>) dst(%arg11 : memref<128xi32, #tpu.memory_space<vmem>>)
        tpu.yield
      }) : () -> ()
      %dma_start3A = arith.constant 0 : i32
      %dma_start3A_159 = arith.constant 0 : i32
      %dma_start3A_160 = arith.constant 0 : i32
      %dma_start3A_161 = tpu.memref_slice %arg2[%dma_start3A, %arg0, %dma_start3A_159, %dma_start3A_160] : memref<4x2x10240x128xf32, #tpu.memory_space<hbm>> -> memref<1x1x10240x128xf32, #tpu.memory_space<hbm>>
      %dma_start3A_162 = tpu.memref_squeeze %dma_start3A_161 : memref<1x1x10240x128xf32, #tpu.memory_space<hbm>> -> memref<10240x128xf32, #tpu.memory_space<hbm>>
      %dma_start3A_163 = arith.constant 0 : i32
      %dma_start3A_164 = arith.constant 0 : i32
      %dma_start3A_165 = tpu.memref_slice %dma_start3A_162[%dma_start3A_163, %dma_start3A_164] : memref<10240x128xf32, #tpu.memory_space<hbm>> -> memref<10240x128xf32, #tpu.memory_space<hbm>>
      tpu.enqueue_indirect_dma source(%dma_start3A_165 : memref<10240x128xf32, #tpu.memory_space<hbm>>) target(%arg8 : memref<128x128xf32, #tpu.memory_space<vmem>>) offsets(%arg10 : memref<128xi32, #tpu.memory_space<vmem>>) semaphore(%arg12 : memref<!tpu.dma_semaphore, #tpu.memory_space<semaphore_mem>>)
      %dma_wait3A = arith.constant 0 : i32
      %dma_wait3A_166 = arith.constant 0 : i32
      %dma_wait3A_167 = arith.constant 0 : i32
      %dma_wait3A_168 = tpu.memref_slice %arg2[%dma_wait3A, %arg0, %dma_wait3A_166, %dma_wait3A_167] : memref<4x2x10240x128xf32, #tpu.memory_space<hbm>> -> memref<1x1x10240x128xf32, #tpu.memory_space<hbm>>
      %dma_wait3A_169 = tpu.memref_squeeze %dma_wait3A_168 : memref<1x1x10240x128xf32, #tpu.memory_space<hbm>> -> memref<10240x128xf32, #tpu.memory_space<hbm>>
      %dma_wait3A_170 = arith.constant 0 : i32
      %dma_wait3A_171 = arith.constant 0 : i32
      %dma_wait3A_172 = tpu.memref_slice %dma_wait3A_169[%dma_wait3A_170, %dma_wait3A_171] : memref<10240x128xf32, #tpu.memory_space<hbm>> -> memref<10240x128xf32, #tpu.memory_space<hbm>>
      tpu.wait_indirect_dma semaphore(%arg12 : memref<!tpu.dma_semaphore, #tpu.memory_space<semaphore_mem>>) src(%dma_wait3A_172 : memref<10240x128xf32, #tpu.memory_space<hbm>>) dst(%arg8 : memref<128x128xf32, #tpu.memory_space<vmem>>)
      "tpu.region"() ({
        %run_scoped3A = tpu.sem_alloc : memref<!tpu.dma_semaphore, #tpu.memory_space<semaphore_mem>>
        %dma_start3A_174 = arith.constant 0 : i32
        %dma_start3A_175 = arith.constant 0 : i32
        %dma_start3A_176 = tpu.memref_slice %arg7[%dma_start3A_174, %dma_start3A_175] : memref<10240x128xf32, #tpu.memory_space<vmem_shared>> -> memref<10240x128xf32, #tpu.memory_space<vmem_shared>>
        tpu.enqueue_indirect_dma source(%arg8 : memref<128x128xf32, #tpu.memory_space<vmem>>) target(%dma_start3A_176 : memref<10240x128xf32, #tpu.memory_space<vmem_shared>>) offsets(%arg11 : memref<128xi32, #tpu.memory_space<vmem>>) semaphore(%run_scoped3A : memref<!tpu.dma_semaphore, #tpu.memory_space<semaphore_mem>>) {add = true}
        %dma_wait3A_177 = arith.constant 0 : i32
        %dma_wait3A_178 = arith.constant 0 : i32
        %dma_wait3A_179 = tpu.memref_slice %arg7[%dma_wait3A_177, %dma_wait3A_178] : memref<10240x128xf32, #tpu.memory_space<vmem_shared>> -> memref<10240x128xf32, #tpu.memory_space<vmem_shared>>
        tpu.wait_indirect_dma semaphore(%run_scoped3A : memref<!tpu.dma_semaphore, #tpu.memory_space<semaphore_mem>>) src(%arg8 : memref<128x128xf32, #tpu.memory_space<vmem>>) dst(%dma_wait3A_179 : memref<10240x128xf32, #tpu.memory_space<vmem_shared>>)
        tpu.yield
      }) : () -> ()
      %while3A_173 = arith.constant 0 : i32
      scf.yield %while3A_173 : i32
    }
    %barrier3A_60 = arith.constant 0 : index
    tpu.barrier barrier_id(%barrier3A_60)
    %scan3A_61 = arith.constant 0 : i32
    %scan3A_62 = arith.constant 0 : i32
    %scan3A_63 = arith.constant 5 : i32
    %scan3A_64 = arith.addi %scan3A_62, %scan3A_63 : i32
    %scan3A_65 = arith.constant 1 : i32
    %scan3A_66 = scf.for %scan3A_149 = %scan3A_62 to %scan3A_64 step %scan3A_65 iter_args(%scan3A_150 = %scan3A_61) -> (i32)  : i32 {
      %mul3A_151 = arith.constant 640 : i32
      %mul3A_152 = arith.muli %arg1, %mul3A_151 : i32
      %mul3A_153 = arith.constant 128 : i32
      %mul3A_154 = arith.muli %scan3A_149, %mul3A_153 : i32
      %add3A_155 = arith.addi %mul3A_152, %mul3A_154 : i32
      "tpu.region"() ({
        %run_scoped3A_157 = tpu.sem_alloc : memref<!tpu.dma_semaphore, #tpu.memory_space<semaphore_mem>>
        %dma_start3A = arith.constant 0 : i32
        %dma_start3A_158 = tpu.memref_slice %arg7[%add3A_155, %dma_start3A] : memref<10240x128xf32, #tpu.memory_space<vmem_shared>> -> memref<128x128xf32, #tpu.memory_space<vmem_shared>>
        %dma_start3A_159 = arith.constant 0 : i32
        %dma_start3A_160 = tpu.memref_slice %arg7[%add3A_155, %dma_start3A_159] : memref<10240x128xf32, #tpu.memory_space<vmem_shared>> -> memref<128x128xf32, #tpu.memory_space<vmem_shared>>
        tpu.enqueue_dma source(%dma_start3A_160 : memref<128x128xf32, #tpu.memory_space<vmem_shared>>) target(%arg8 : memref<128x128xf32, #tpu.memory_space<vmem>>) target_semaphore(%run_scoped3A_157 : memref<!tpu.dma_semaphore, #tpu.memory_space<semaphore_mem>>)
        %dma_wait3A = arith.constant 0 : i32
        %dma_wait3A_161 = tpu.memref_slice %arg7[%add3A_155, %dma_wait3A] : memref<10240x128xf32, #tpu.memory_space<vmem_shared>> -> memref<128x128xf32, #tpu.memory_space<vmem_shared>>
        %dma_wait3A_162 = arith.constant 0 : i32
        %dma_wait3A_163 = tpu.memref_slice %arg7[%add3A_155, %dma_wait3A_162] : memref<10240x128xf32, #tpu.memory_space<vmem_shared>> -> memref<128x128xf32, #tpu.memory_space<vmem_shared>>
        tpu.wait_dma2 semaphore(%run_scoped3A_157 : memref<!tpu.dma_semaphore, #tpu.memory_space<semaphore_mem>>) src(%dma_wait3A_163 : memref<128x128xf32, #tpu.memory_space<vmem_shared>>) dst(%arg8 : memref<128x128xf32, #tpu.memory_space<vmem>>)
        tpu.yield
      }) : () -> ()
      %run_scoped3A = arith.constant 0 : i32
      "tpu.region"() ({
        %run_scoped3A_157 = tpu.sem_alloc : memref<!tpu.dma_semaphore, #tpu.memory_space<semaphore_mem>>
        %dma_start3A = arith.constant 0 : i32
        %dma_start3A_158 = tpu.memref_slice %arg6[%run_scoped3A, %arg0, %add3A_155, %dma_start3A] : memref<4x2x10240x128xf32, #tpu.memory_space<hbm>> -> memref<1x1x128x128xf32, #tpu.memory_space<hbm>>
        %dma_start3A_159 = tpu.memref_squeeze %dma_start3A_158 : memref<1x1x128x128xf32, #tpu.memory_space<hbm>> -> memref<128x128xf32, #tpu.memory_space<hbm>>
        %dma_start3A_160 = arith.constant 0 : i32
        %dma_start3A_161 = tpu.memref_slice %arg6[%run_scoped3A, %arg0, %add3A_155, %dma_start3A_160] : memref<4x2x10240x128xf32, #tpu.memory_space<hbm>> -> memref<1x1x128x128xf32, #tpu.memory_space<hbm>>
        %dma_start3A_162 = tpu.memref_squeeze %dma_start3A_161 : memref<1x1x128x128xf32, #tpu.memory_space<hbm>> -> memref<128x128xf32, #tpu.memory_space<hbm>>
        tpu.enqueue_dma source(%arg8 : memref<128x128xf32, #tpu.memory_space<vmem>>) target(%dma_start3A_162 : memref<128x128xf32, #tpu.memory_space<hbm>>) target_semaphore(%run_scoped3A_157 : memref<!tpu.dma_semaphore, #tpu.memory_space<semaphore_mem>>)
        %dma_wait3A = arith.constant 0 : i32
        %dma_wait3A_163 = tpu.memref_slice %arg6[%run_scoped3A, %arg0, %add3A_155, %dma_wait3A] : memref<4x2x10240x128xf32, #tpu.memory_space<hbm>> -> memref<1x1x128x128xf32, #tpu.memory_space<hbm>>
        %dma_wait3A_164 = tpu.memref_squeeze %dma_wait3A_163 : memref<1x1x128x128xf32, #tpu.memory_space<hbm>> -> memref<128x128xf32, #tpu.memory_space<hbm>>
        %dma_wait3A_165 = arith.constant 0 : i32
        %dma_wait3A_166 = tpu.memref_slice %arg6[%run_scoped3A, %arg0, %add3A_155, %dma_wait3A_165] : memref<4x2x10240x128xf32, #tpu.memory_space<hbm>> -> memref<1x1x128x128xf32, #tpu.memory_space<hbm>>
        %dma_wait3A_167 = tpu.memref_squeeze %dma_wait3A_166 : memref<1x1x128x128xf32, #tpu.memory_space<hbm>> -> memref<128x128xf32, #tpu.memory_space<hbm>>
        tpu.wait_dma2 semaphore(%run_scoped3A_157 : memref<!tpu.dma_semaphore, #tpu.memory_space<semaphore_mem>>) src(%arg8 : memref<128x128xf32, #tpu.memory_space<vmem>>) dst(%dma_wait3A_167 : memref<128x128xf32, #tpu.memory_space<hbm>>)
        tpu.yield
      }) : () -> ()
      %scan3A_156 = arith.constant 0 : i32
      scf.yield %scan3A_156 : i32
    }
    %scan3A_67 = arith.constant 5 : i32
    %scan3A_68 = arith.constant 0 : i32
    %scan3A_69 = arith.constant 0 : i32
    %scan3A_70 = arith.constant 5 : i32
    %scan3A_71 = arith.addi %scan3A_69, %scan3A_70 : i32
    %scan3A_72 = arith.constant 1 : i32
    %scan3A_73 = scf.for %scan3A_149 = %scan3A_69 to %scan3A_71 step %scan3A_72 iter_args(%scan3A_150 = %scan3A_68) -> (i32)  : i32 {
      %mul3A_151 = arith.constant 640 : i32
      %mul3A_152 = arith.muli %arg1, %mul3A_151 : i32
      %mul3A_153 = arith.constant 128 : i32
      %mul3A_154 = arith.muli %scan3A_149, %mul3A_153 : i32
      %add3A_155 = arith.addi %mul3A_152, %mul3A_154 : i32
      "tpu.region"() ({
        %run_scoped3A = tpu.sem_alloc : memref<!tpu.dma_semaphore, #tpu.memory_space<semaphore_mem>>
        %dma_start3A = arith.constant 0 : i32
        %dma_start3A_157 = tpu.memref_slice %arg7[%add3A_155, %dma_start3A] : memref<10240x128xf32, #tpu.memory_space<vmem_shared>> -> memref<128x128xf32, #tpu.memory_space<vmem_shared>>
        %dma_start3A_158 = arith.constant 0 : i32
        %dma_start3A_159 = tpu.memref_slice %arg7[%add3A_155, %dma_start3A_158] : memref<10240x128xf32, #tpu.memory_space<vmem_shared>> -> memref<128x128xf32, #tpu.memory_space<vmem_shared>>
        tpu.enqueue_dma source(%arg9 : memref<128x128xf32, #tpu.memory_space<vmem>>) target(%dma_start3A_159 : memref<128x128xf32, #tpu.memory_space<vmem_shared>>) target_semaphore(%run_scoped3A : memref<!tpu.dma_semaphore, #tpu.memory_space<semaphore_mem>>)
        %dma_wait3A = arith.constant 0 : i32
        %dma_wait3A_160 = tpu.memref_slice %arg7[%add3A_155, %dma_wait3A] : memref<10240x128xf32, #tpu.memory_space<vmem_shared>> -> memref<128x128xf32, #tpu.memory_space<vmem_shared>>
        %dma_wait3A_161 = arith.constant 0 : i32
        %dma_wait3A_162 = tpu.memref_slice %arg7[%add3A_155, %dma_wait3A_161] : memref<10240x128xf32, #tpu.memory_space<vmem_shared>> -> memref<128x128xf32, #tpu.memory_space<vmem_shared>>
        tpu.wait_dma2 semaphore(%run_scoped3A : memref<!tpu.dma_semaphore, #tpu.memory_space<semaphore_mem>>) src(%arg9 : memref<128x128xf32, #tpu.memory_space<vmem>>) dst(%dma_wait3A_162 : memref<128x128xf32, #tpu.memory_space<vmem_shared>>)
        tpu.yield
      }) : () -> ()
      %scan3A_156 = arith.constant 0 : i32
      scf.yield %scan3A_156 : i32
    }
    %scan3A_74 = arith.constant 5 : i32
    %barrier3A_75 = arith.constant 0 : index
    tpu.barrier barrier_id(%barrier3A_75)
    %while3A_76 = arith.constant 0 : i32
    %while3A_77 = arith.subi %select_n3A_43, %select_n3A : i32
    %while3A_78 = arith.addi %select_n3A, %while3A_77 : i32
    %while3A_79 = arith.constant 1 : i32
    %while3A_80 = arith.divsi %while3A_77, %while3A_79 : i32
    %while3A_81 = arith.muli %while3A_80, %while3A_79 : i32
    %while3A_82 = arith.addi %select_n3A, %while3A_81 : i32
    %while3A_83 = arith.constant 1 : i32
    %while3A_84 = scf.for %while3A_149 = %select_n3A to %while3A_82 step %while3A_83 iter_args(%while3A_150 = %while3A_76) -> (i32)  : i32 {
      %mul3A_151 = arith.constant 128 : i32
      %mul3A_152 = arith.muli %while3A_149, %mul3A_151 : i32
      %add3A_153 = arith.constant 160000 : i32
      %add3A_154 = arith.addi %add3A_153, %mul3A_152 : i32
      "tpu.region"() ({
        %run_scoped3A = tpu.sem_alloc : memref<!tpu.dma_semaphore, #tpu.memory_space<semaphore_mem>>
        %dma_start3A_174 = tpu.memref_slice %arg3[%add3A_154] : memref<640000xi32, #tpu.memory_space<hbm>> -> memref<128xi32, #tpu.memory_space<hbm>>
        %dma_start3A_175 = tpu.memref_slice %arg3[%add3A_154] : memref<640000xi32, #tpu.memory_space<hbm>> -> memref<128xi32, #tpu.memory_space<hbm>>
        tpu.enqueue_dma source(%dma_start3A_175 : memref<128xi32, #tpu.memory_space<hbm>>) target(%arg10 : memref<128xi32, #tpu.memory_space<vmem>>) target_semaphore(%run_scoped3A : memref<!tpu.dma_semaphore, #tpu.memory_space<semaphore_mem>>)
        %dma_wait3A_176 = tpu.memref_slice %arg3[%add3A_154] : memref<640000xi32, #tpu.memory_space<hbm>> -> memref<128xi32, #tpu.memory_space<hbm>>
        %dma_wait3A_177 = tpu.memref_slice %arg3[%add3A_154] : memref<640000xi32, #tpu.memory_space<hbm>> -> memref<128xi32, #tpu.memory_space<hbm>>
        tpu.wait_dma2 semaphore(%run_scoped3A : memref<!tpu.dma_semaphore, #tpu.memory_space<semaphore_mem>>) src(%dma_wait3A_177 : memref<128xi32, #tpu.memory_space<hbm>>) dst(%arg10 : memref<128xi32, #tpu.memory_space<vmem>>)
        tpu.yield
      }) : () -> ()
      %mul3A_155 = arith.constant 128 : i32
      %mul3A_156 = arith.muli %while3A_149, %mul3A_155 : i32
      %add3A_157 = arith.constant 160000 : i32
      %add3A_158 = arith.addi %add3A_157, %mul3A_156 : i32
      "tpu.region"() ({
        %run_scoped3A = tpu.sem_alloc : memref<!tpu.dma_semaphore, #tpu.memory_space<semaphore_mem>>
        %dma_start3A_174 = tpu.memref_slice %arg4[%add3A_158] : memref<640000xi32, #tpu.memory_space<hbm>> -> memref<128xi32, #tpu.memory_space<hbm>>
        %dma_start3A_175 = tpu.memref_slice %arg4[%add3A_158] : memref<640000xi32, #tpu.memory_space<hbm>> -> memref<128xi32, #tpu.memory_space<hbm>>
        tpu.enqueue_dma source(%dma_start3A_175 : memref<128xi32, #tpu.memory_space<hbm>>) target(%arg11 : memref<128xi32, #tpu.memory_space<vmem>>) target_semaphore(%run_scoped3A : memref<!tpu.dma_semaphore, #tpu.memory_space<semaphore_mem>>)
        %dma_wait3A_176 = tpu.memref_slice %arg4[%add3A_158] : memref<640000xi32, #tpu.memory_space<hbm>> -> memref<128xi32, #tpu.memory_space<hbm>>
        %dma_wait3A_177 = tpu.memref_slice %arg4[%add3A_158] : memref<640000xi32, #tpu.memory_space<hbm>> -> memref<128xi32, #tpu.memory_space<hbm>>
        tpu.wait_dma2 semaphore(%run_scoped3A : memref<!tpu.dma_semaphore, #tpu.memory_space<semaphore_mem>>) src(%dma_wait3A_177 : memref<128xi32, #tpu.memory_space<hbm>>) dst(%arg11 : memref<128xi32, #tpu.memory_space<vmem>>)
        tpu.yield
      }) : () -> ()
      %dma_start3A = arith.constant 1 : i32
      %dma_start3A_159 = arith.constant 0 : i32
      %dma_start3A_160 = arith.constant 0 : i32
      %dma_start3A_161 = tpu.memref_slice %arg2[%dma_start3A, %arg0, %dma_start3A_159, %dma_start3A_160] : memref<4x2x10240x128xf32, #tpu.memory_space<hbm>> -> memref<1x1x10240x128xf32, #tpu.memory_space<hbm>>
      %dma_start3A_162 = tpu.memref_squeeze %dma_start3A_161 : memref<1x1x10240x128xf32, #tpu.memory_space<hbm>> -> memref<10240x128xf32, #tpu.memory_space<hbm>>
      %dma_start3A_163 = arith.constant 0 : i32
      %dma_start3A_164 = arith.constant 0 : i32
      %dma_start3A_165 = tpu.memref_slice %dma_start3A_162[%dma_start3A_163, %dma_start3A_164] : memref<10240x128xf32, #tpu.memory_space<hbm>> -> memref<10240x128xf32, #tpu.memory_space<hbm>>
      tpu.enqueue_indirect_dma source(%dma_start3A_165 : memref<10240x128xf32, #tpu.memory_space<hbm>>) target(%arg8 : memref<128x128xf32, #tpu.memory_space<vmem>>) offsets(%arg10 : memref<128xi32, #tpu.memory_space<vmem>>) semaphore(%arg12 : memref<!tpu.dma_semaphore, #tpu.memory_space<semaphore_mem>>)
      %dma_wait3A = arith.constant 1 : i32
      %dma_wait3A_166 = arith.constant 0 : i32
      %dma_wait3A_167 = arith.constant 0 : i32
      %dma_wait3A_168 = tpu.memref_slice %arg2[%dma_wait3A, %arg0, %dma_wait3A_166, %dma_wait3A_167] : memref<4x2x10240x128xf32, #tpu.memory_space<hbm>> -> memref<1x1x10240x128xf32, #tpu.memory_space<hbm>>
      %dma_wait3A_169 = tpu.memref_squeeze %dma_wait3A_168 : memref<1x1x10240x128xf32, #tpu.memory_space<hbm>> -> memref<10240x128xf32, #tpu.memory_space<hbm>>
      %dma_wait3A_170 = arith.constant 0 : i32
      %dma_wait3A_171 = arith.constant 0 : i32
      %dma_wait3A_172 = tpu.memref_slice %dma_wait3A_169[%dma_wait3A_170, %dma_wait3A_171] : memref<10240x128xf32, #tpu.memory_space<hbm>> -> memref<10240x128xf32, #tpu.memory_space<hbm>>
      tpu.wait_indirect_dma semaphore(%arg12 : memref<!tpu.dma_semaphore, #tpu.memory_space<semaphore_mem>>) src(%dma_wait3A_172 : memref<10240x128xf32, #tpu.memory_space<hbm>>) dst(%arg8 : memref<128x128xf32, #tpu.memory_space<vmem>>)
      "tpu.region"() ({
        %run_scoped3A = tpu.sem_alloc : memref<!tpu.dma_semaphore, #tpu.memory_space<semaphore_mem>>
        %dma_start3A_174 = arith.constant 0 : i32
        %dma_start3A_175 = arith.constant 0 : i32
        %dma_start3A_176 = tpu.memref_slice %arg7[%dma_start3A_174, %dma_start3A_175] : memref<10240x128xf32, #tpu.memory_space<vmem_shared>> -> memref<10240x128xf32, #tpu.memory_space<vmem_shared>>
        tpu.enqueue_indirect_dma source(%arg8 : memref<128x128xf32, #tpu.memory_space<vmem>>) target(%dma_start3A_176 : memref<10240x128xf32, #tpu.memory_space<vmem_shared>>) offsets(%arg11 : memref<128xi32, #tpu.memory_space<vmem>>) semaphore(%run_scoped3A : memref<!tpu.dma_semaphore, #tpu.memory_space<semaphore_mem>>) {add = true}
        %dma_wait3A_177 = arith.constant 0 : i32
        %dma_wait3A_178 = arith.constant 0 : i32
        %dma_wait3A_179 = tpu.memref_slice %arg7[%dma_wait3A_177, %dma_wait3A_178] : memref<10240x128xf32, #tpu.memory_space<vmem_shared>> -> memref<10240x128xf32, #tpu.memory_space<vmem_shared>>
        tpu.wait_indirect_dma semaphore(%run_scoped3A : memref<!tpu.dma_semaphore, #tpu.memory_space<semaphore_mem>>) src(%arg8 : memref<128x128xf32, #tpu.memory_space<vmem>>) dst(%dma_wait3A_179 : memref<10240x128xf32, #tpu.memory_space<vmem_shared>>)
        tpu.yield
      }) : () -> ()
      %while3A_173 = arith.constant 0 : i32
      scf.yield %while3A_173 : i32
    }
    %while3A_85 = arith.constant 1 : i32
    %while3A_86 = scf.for %while3A_149 = %while3A_82 to %while3A_78 step %while3A_85 iter_args(%while3A_150 = %while3A_84) -> (i32)  : i32 {
      %mul3A_151 = arith.constant 128 : i32
      %mul3A_152 = arith.muli %while3A_149, %mul3A_151 : i32
      %add3A_153 = arith.constant 160000 : i32
      %add3A_154 = arith.addi %add3A_153, %mul3A_152 : i32
      "tpu.region"() ({
        %run_scoped3A = tpu.sem_alloc : memref<!tpu.dma_semaphore, #tpu.memory_space<semaphore_mem>>
        %dma_start3A_174 = tpu.memref_slice %arg3[%add3A_154] : memref<640000xi32, #tpu.memory_space<hbm>> -> memref<128xi32, #tpu.memory_space<hbm>>
        %dma_start3A_175 = tpu.memref_slice %arg3[%add3A_154] : memref<640000xi32, #tpu.memory_space<hbm>> -> memref<128xi32, #tpu.memory_space<hbm>>
        tpu.enqueue_dma source(%dma_start3A_175 : memref<128xi32, #tpu.memory_space<hbm>>) target(%arg10 : memref<128xi32, #tpu.memory_space<vmem>>) target_semaphore(%run_scoped3A : memref<!tpu.dma_semaphore, #tpu.memory_space<semaphore_mem>>)
        %dma_wait3A_176 = tpu.memref_slice %arg3[%add3A_154] : memref<640000xi32, #tpu.memory_space<hbm>> -> memref<128xi32, #tpu.memory_space<hbm>>
        %dma_wait3A_177 = tpu.memref_slice %arg3[%add3A_154] : memref<640000xi32, #tpu.memory_space<hbm>> -> memref<128xi32, #tpu.memory_space<hbm>>
        tpu.wait_dma2 semaphore(%run_scoped3A : memref<!tpu.dma_semaphore, #tpu.memory_space<semaphore_mem>>) src(%dma_wait3A_177 : memref<128xi32, #tpu.memory_space<hbm>>) dst(%arg10 : memref<128xi32, #tpu.memory_space<vmem>>)
        tpu.yield
      }) : () -> ()
      %mul3A_155 = arith.constant 128 : i32
      %mul3A_156 = arith.muli %while3A_149, %mul3A_155 : i32
      %add3A_157 = arith.constant 160000 : i32
      %add3A_158 = arith.addi %add3A_157, %mul3A_156 : i32
      "tpu.region"() ({
        %run_scoped3A = tpu.sem_alloc : memref<!tpu.dma_semaphore, #tpu.memory_space<semaphore_mem>>
        %dma_start3A_174 = tpu.memref_slice %arg4[%add3A_158] : memref<640000xi32, #tpu.memory_space<hbm>> -> memref<128xi32, #tpu.memory_space<hbm>>
        %dma_start3A_175 = tpu.memref_slice %arg4[%add3A_158] : memref<640000xi32, #tpu.memory_space<hbm>> -> memref<128xi32, #tpu.memory_space<hbm>>
        tpu.enqueue_dma source(%dma_start3A_175 : memref<128xi32, #tpu.memory_space<hbm>>) target(%arg11 : memref<128xi32, #tpu.memory_space<vmem>>) target_semaphore(%run_scoped3A : memref<!tpu.dma_semaphore, #tpu.memory_space<semaphore_mem>>)
        %dma_wait3A_176 = tpu.memref_slice %arg4[%add3A_158] : memref<640000xi32, #tpu.memory_space<hbm>> -> memref<128xi32, #tpu.memory_space<hbm>>
        %dma_wait3A_177 = tpu.memref_slice %arg4[%add3A_158] : memref<640000xi32, #tpu.memory_space<hbm>> -> memref<128xi32, #tpu.memory_space<hbm>>
        tpu.wait_dma2 semaphore(%run_scoped3A : memref<!tpu.dma_semaphore, #tpu.memory_space<semaphore_mem>>) src(%dma_wait3A_177 : memref<128xi32, #tpu.memory_space<hbm>>) dst(%arg11 : memref<128xi32, #tpu.memory_space<vmem>>)
        tpu.yield
      }) : () -> ()
      %dma_start3A = arith.constant 1 : i32
      %dma_start3A_159 = arith.constant 0 : i32
      %dma_start3A_160 = arith.constant 0 : i32
      %dma_start3A_161 = tpu.memref_slice %arg2[%dma_start3A, %arg0, %dma_start3A_159, %dma_start3A_160] : memref<4x2x10240x128xf32, #tpu.memory_space<hbm>> -> memref<1x1x10240x128xf32, #tpu.memory_space<hbm>>
      %dma_start3A_162 = tpu.memref_squeeze %dma_start3A_161 : memref<1x1x10240x128xf32, #tpu.memory_space<hbm>> -> memref<10240x128xf32, #tpu.memory_space<hbm>>
      %dma_start3A_163 = arith.constant 0 : i32
      %dma_start3A_164 = arith.constant 0 : i32
      %dma_start3A_165 = tpu.memref_slice %dma_start3A_162[%dma_start3A_163, %dma_start3A_164] : memref<10240x128xf32, #tpu.memory_space<hbm>> -> memref<10240x128xf32, #tpu.memory_space<hbm>>
      tpu.enqueue_indirect_dma source(%dma_start3A_165 : memref<10240x128xf32, #tpu.memory_space<hbm>>) target(%arg8 : memref<128x128xf32, #tpu.memory_space<vmem>>) offsets(%arg10 : memref<128xi32, #tpu.memory_space<vmem>>) semaphore(%arg12 : memref<!tpu.dma_semaphore, #tpu.memory_space<semaphore_mem>>)
      %dma_wait3A = arith.constant 1 : i32
      %dma_wait3A_166 = arith.constant 0 : i32
      %dma_wait3A_167 = arith.constant 0 : i32
      %dma_wait3A_168 = tpu.memref_slice %arg2[%dma_wait3A, %arg0, %dma_wait3A_166, %dma_wait3A_167] : memref<4x2x10240x128xf32, #tpu.memory_space<hbm>> -> memref<1x1x10240x128xf32, #tpu.memory_space<hbm>>
      %dma_wait3A_169 = tpu.memref_squeeze %dma_wait3A_168 : memref<1x1x10240x128xf32, #tpu.memory_space<hbm>> -> memref<10240x128xf32, #tpu.memory_space<hbm>>
      %dma_wait3A_170 = arith.constant 0 : i32
      %dma_wait3A_171 = arith.constant 0 : i32
      %dma_wait3A_172 = tpu.memref_slice %dma_wait3A_169[%dma_wait3A_170, %dma_wait3A_171] : memref<10240x128xf32, #tpu.memory_space<hbm>> -> memref<10240x128xf32, #tpu.memory_space<hbm>>
      tpu.wait_indirect_dma semaphore(%arg12 : memref<!tpu.dma_semaphore, #tpu.memory_space<semaphore_mem>>) src(%dma_wait3A_172 : memref<10240x128xf32, #tpu.memory_space<hbm>>) dst(%arg8 : memref<128x128xf32, #tpu.memory_space<vmem>>)
      "tpu.region"() ({
        %run_scoped3A = tpu.sem_alloc : memref<!tpu.dma_semaphore, #tpu.memory_space<semaphore_mem>>
        %dma_start3A_174 = arith.constant 0 : i32
        %dma_start3A_175 = arith.constant 0 : i32
        %dma_start3A_176 = tpu.memref_slice %arg7[%dma_start3A_174, %dma_start3A_175] : memref<10240x128xf32, #tpu.memory_space<vmem_shared>> -> memref<10240x128xf32, #tpu.memory_space<vmem_shared>>
        tpu.enqueue_indirect_dma source(%arg8 : memref<128x128xf32, #tpu.memory_space<vmem>>) target(%dma_start3A_176 : memref<10240x128xf32, #tpu.memory_space<vmem_shared>>) offsets(%arg11 : memref<128xi32, #tpu.memory_space<vmem>>) semaphore(%run_scoped3A : memref<!tpu.dma_semaphore, #tpu.memory_space<semaphore_mem>>) {add = true}
        %dma_wait3A_177 = arith.constant 0 : i32
        %dma_wait3A_178 = arith.constant 0 : i32
        %dma_wait3A_179 = tpu.memref_slice %arg7[%dma_wait3A_177, %dma_wait3A_178] : memref<10240x128xf32, #tpu.memory_space<vmem_shared>> -> memref<10240x128xf32, #tpu.memory_space<vmem_shared>>
        tpu.wait_indirect_dma semaphore(%run_scoped3A : memref<!tpu.dma_semaphore, #tpu.memory_space<semaphore_mem>>) src(%arg8 : memref<128x128xf32, #tpu.memory_space<vmem>>) dst(%dma_wait3A_179 : memref<10240x128xf32, #tpu.memory_space<vmem_shared>>)
        tpu.yield
      }) : () -> ()
      %while3A_173 = arith.constant 0 : i32
      scf.yield %while3A_173 : i32
    }
    %barrier3A_87 = arith.constant 0 : index
    tpu.barrier barrier_id(%barrier3A_87)
    %scan3A_88 = arith.constant 0 : i32
    %scan3A_89 = arith.constant 0 : i32
    %scan3A_90 = arith.constant 5 : i32
    %scan3A_91 = arith.addi %scan3A_89, %scan3A_90 : i32
    %scan3A_92 = arith.constant 1 : i32
    %scan3A_93 = scf.for %scan3A_149 = %scan3A_89 to %scan3A_91 step %scan3A_92 iter_args(%scan3A_150 = %scan3A_88) -> (i32)  : i32 {
      %mul3A_151 = arith.constant 640 : i32
      %mul3A_152 = arith.muli %arg1, %mul3A_151 : i32
      %mul3A_153 = arith.constant 128 : i32
      %mul3A_154 = arith.muli %scan3A_149, %mul3A_153 : i32
      %add3A_155 = arith.addi %mul3A_152, %mul3A_154 : i32
      "tpu.region"() ({
        %run_scoped3A_157 = tpu.sem_alloc : memref<!tpu.dma_semaphore, #tpu.memory_space<semaphore_mem>>
        %dma_start3A = arith.constant 0 : i32
        %dma_start3A_158 = tpu.memref_slice %arg7[%add3A_155, %dma_start3A] : memref<10240x128xf32, #tpu.memory_space<vmem_shared>> -> memref<128x128xf32, #tpu.memory_space<vmem_shared>>
        %dma_start3A_159 = arith.constant 0 : i32
        %dma_start3A_160 = tpu.memref_slice %arg7[%add3A_155, %dma_start3A_159] : memref<10240x128xf32, #tpu.memory_space<vmem_shared>> -> memref<128x128xf32, #tpu.memory_space<vmem_shared>>
        tpu.enqueue_dma source(%dma_start3A_160 : memref<128x128xf32, #tpu.memory_space<vmem_shared>>) target(%arg8 : memref<128x128xf32, #tpu.memory_space<vmem>>) target_semaphore(%run_scoped3A_157 : memref<!tpu.dma_semaphore, #tpu.memory_space<semaphore_mem>>)
        %dma_wait3A = arith.constant 0 : i32
        %dma_wait3A_161 = tpu.memref_slice %arg7[%add3A_155, %dma_wait3A] : memref<10240x128xf32, #tpu.memory_space<vmem_shared>> -> memref<128x128xf32, #tpu.memory_space<vmem_shared>>
        %dma_wait3A_162 = arith.constant 0 : i32
        %dma_wait3A_163 = tpu.memref_slice %arg7[%add3A_155, %dma_wait3A_162] : memref<10240x128xf32, #tpu.memory_space<vmem_shared>> -> memref<128x128xf32, #tpu.memory_space<vmem_shared>>
        tpu.wait_dma2 semaphore(%run_scoped3A_157 : memref<!tpu.dma_semaphore, #tpu.memory_space<semaphore_mem>>) src(%dma_wait3A_163 : memref<128x128xf32, #tpu.memory_space<vmem_shared>>) dst(%arg8 : memref<128x128xf32, #tpu.memory_space<vmem>>)
        tpu.yield
      }) : () -> ()
      %run_scoped3A = arith.constant 1 : i32
      "tpu.region"() ({
        %run_scoped3A_157 = tpu.sem_alloc : memref<!tpu.dma_semaphore, #tpu.memory_space<semaphore_mem>>
        %dma_start3A = arith.constant 0 : i32
        %dma_start3A_158 = tpu.memref_slice %arg6[%run_scoped3A, %arg0, %add3A_155, %dma_start3A] : memref<4x2x10240x128xf32, #tpu.memory_space<hbm>> -> memref<1x1x128x128xf32, #tpu.memory_space<hbm>>
        %dma_start3A_159 = tpu.memref_squeeze %dma_start3A_158 : memref<1x1x128x128xf32, #tpu.memory_space<hbm>> -> memref<128x128xf32, #tpu.memory_space<hbm>>
        %dma_start3A_160 = arith.constant 0 : i32
        %dma_start3A_161 = tpu.memref_slice %arg6[%run_scoped3A, %arg0, %add3A_155, %dma_start3A_160] : memref<4x2x10240x128xf32, #tpu.memory_space<hbm>> -> memref<1x1x128x128xf32, #tpu.memory_space<hbm>>
        %dma_start3A_162 = tpu.memref_squeeze %dma_start3A_161 : memref<1x1x128x128xf32, #tpu.memory_space<hbm>> -> memref<128x128xf32, #tpu.memory_space<hbm>>
        tpu.enqueue_dma source(%arg8 : memref<128x128xf32, #tpu.memory_space<vmem>>) target(%dma_start3A_162 : memref<128x128xf32, #tpu.memory_space<hbm>>) target_semaphore(%run_scoped3A_157 : memref<!tpu.dma_semaphore, #tpu.memory_space<semaphore_mem>>)
        %dma_wait3A = arith.constant 0 : i32
        %dma_wait3A_163 = tpu.memref_slice %arg6[%run_scoped3A, %arg0, %add3A_155, %dma_wait3A] : memref<4x2x10240x128xf32, #tpu.memory_space<hbm>> -> memref<1x1x128x128xf32, #tpu.memory_space<hbm>>
        %dma_wait3A_164 = tpu.memref_squeeze %dma_wait3A_163 : memref<1x1x128x128xf32, #tpu.memory_space<hbm>> -> memref<128x128xf32, #tpu.memory_space<hbm>>
        %dma_wait3A_165 = arith.constant 0 : i32
        %dma_wait3A_166 = tpu.memref_slice %arg6[%run_scoped3A, %arg0, %add3A_155, %dma_wait3A_165] : memref<4x2x10240x128xf32, #tpu.memory_space<hbm>> -> memref<1x1x128x128xf32, #tpu.memory_space<hbm>>
        %dma_wait3A_167 = tpu.memref_squeeze %dma_wait3A_166 : memref<1x1x128x128xf32, #tpu.memory_space<hbm>> -> memref<128x128xf32, #tpu.memory_space<hbm>>
        tpu.wait_dma2 semaphore(%run_scoped3A_157 : memref<!tpu.dma_semaphore, #tpu.memory_space<semaphore_mem>>) src(%arg8 : memref<128x128xf32, #tpu.memory_space<vmem>>) dst(%dma_wait3A_167 : memref<128x128xf32, #tpu.memory_space<hbm>>)
        tpu.yield
      }) : () -> ()
      %scan3A_156 = arith.constant 0 : i32
      scf.yield %scan3A_156 : i32
    }
    %scan3A_94 = arith.constant 5 : i32
    %scan3A_95 = arith.constant 0 : i32
    %scan3A_96 = arith.constant 0 : i32
    %scan3A_97 = arith.constant 5 : i32
    %scan3A_98 = arith.addi %scan3A_96, %scan3A_97 : i32
    %scan3A_99 = arith.constant 1 : i32
    %scan3A_100 = scf.for %scan3A_149 = %scan3A_96 to %scan3A_98 step %scan3A_99 iter_args(%scan3A_150 = %scan3A_95) -> (i32)  : i32 {
      %mul3A_151 = arith.constant 640 : i32
      %mul3A_152 = arith.muli %arg1, %mul3A_151 : i32
      %mul3A_153 = arith.constant 128 : i32
      %mul3A_154 = arith.muli %scan3A_149, %mul3A_153 : i32
      %add3A_155 = arith.addi %mul3A_152, %mul3A_154 : i32
      "tpu.region"() ({
        %run_scoped3A = tpu.sem_alloc : memref<!tpu.dma_semaphore, #tpu.memory_space<semaphore_mem>>
        %dma_start3A = arith.constant 0 : i32
        %dma_start3A_157 = tpu.memref_slice %arg7[%add3A_155, %dma_start3A] : memref<10240x128xf32, #tpu.memory_space<vmem_shared>> -> memref<128x128xf32, #tpu.memory_space<vmem_shared>>
        %dma_start3A_158 = arith.constant 0 : i32
        %dma_start3A_159 = tpu.memref_slice %arg7[%add3A_155, %dma_start3A_158] : memref<10240x128xf32, #tpu.memory_space<vmem_shared>> -> memref<128x128xf32, #tpu.memory_space<vmem_shared>>
        tpu.enqueue_dma source(%arg9 : memref<128x128xf32, #tpu.memory_space<vmem>>) target(%dma_start3A_159 : memref<128x128xf32, #tpu.memory_space<vmem_shared>>) target_semaphore(%run_scoped3A : memref<!tpu.dma_semaphore, #tpu.memory_space<semaphore_mem>>)
        %dma_wait3A = arith.constant 0 : i32
        %dma_wait3A_160 = tpu.memref_slice %arg7[%add3A_155, %dma_wait3A] : memref<10240x128xf32, #tpu.memory_space<vmem_shared>> -> memref<128x128xf32, #tpu.memory_space<vmem_shared>>
        %dma_wait3A_161 = arith.constant 0 : i32
        %dma_wait3A_162 = tpu.memref_slice %arg7[%add3A_155, %dma_wait3A_161] : memref<10240x128xf32, #tpu.memory_space<vmem_shared>> -> memref<128x128xf32, #tpu.memory_space<vmem_shared>>
        tpu.wait_dma2 semaphore(%run_scoped3A : memref<!tpu.dma_semaphore, #tpu.memory_space<semaphore_mem>>) src(%arg9 : memref<128x128xf32, #tpu.memory_space<vmem>>) dst(%dma_wait3A_162 : memref<128x128xf32, #tpu.memory_space<vmem_shared>>)
        tpu.yield
      }) : () -> ()
      %scan3A_156 = arith.constant 0 : i32
      scf.yield %scan3A_156 : i32
    }
    %scan3A_101 = arith.constant 5 : i32
    %barrier3A_102 = arith.constant 0 : index
    tpu.barrier barrier_id(%barrier3A_102)
    %while3A_103 = arith.constant 0 : i32
    %while3A_104 = arith.subi %select_n3A_43, %select_n3A : i32
    %while3A_105 = arith.addi %select_n3A, %while3A_104 : i32
    %while3A_106 = arith.constant 1 : i32
    %while3A_107 = arith.divsi %while3A_104, %while3A_106 : i32
    %while3A_108 = arith.muli %while3A_107, %while3A_106 : i32
    %while3A_109 = arith.addi %select_n3A, %while3A_108 : i32
    %while3A_110 = arith.constant 1 : i32
    %while3A_111 = scf.for %while3A_149 = %select_n3A to %while3A_109 step %while3A_110 iter_args(%while3A_150 = %while3A_103) -> (i32)  : i32 {
      %mul3A_151 = arith.constant 128 : i32
      %mul3A_152 = arith.muli %while3A_149, %mul3A_151 : i32
      %add3A_153 = arith.constant 320000 : i32
      %add3A_154 = arith.addi %add3A_153, %mul3A_152 : i32
      "tpu.region"() ({
        %run_scoped3A = tpu.sem_alloc : memref<!tpu.dma_semaphore, #tpu.memory_space<semaphore_mem>>
        %dma_start3A_174 = tpu.memref_slice %arg3[%add3A_154] : memref<640000xi32, #tpu.memory_space<hbm>> -> memref<128xi32, #tpu.memory_space<hbm>>
        %dma_start3A_175 = tpu.memref_slice %arg3[%add3A_154] : memref<640000xi32, #tpu.memory_space<hbm>> -> memref<128xi32, #tpu.memory_space<hbm>>
        tpu.enqueue_dma source(%dma_start3A_175 : memref<128xi32, #tpu.memory_space<hbm>>) target(%arg10 : memref<128xi32, #tpu.memory_space<vmem>>) target_semaphore(%run_scoped3A : memref<!tpu.dma_semaphore, #tpu.memory_space<semaphore_mem>>)
        %dma_wait3A_176 = tpu.memref_slice %arg3[%add3A_154] : memref<640000xi32, #tpu.memory_space<hbm>> -> memref<128xi32, #tpu.memory_space<hbm>>
        %dma_wait3A_177 = tpu.memref_slice %arg3[%add3A_154] : memref<640000xi32, #tpu.memory_space<hbm>> -> memref<128xi32, #tpu.memory_space<hbm>>
        tpu.wait_dma2 semaphore(%run_scoped3A : memref<!tpu.dma_semaphore, #tpu.memory_space<semaphore_mem>>) src(%dma_wait3A_177 : memref<128xi32, #tpu.memory_space<hbm>>) dst(%arg10 : memref<128xi32, #tpu.memory_space<vmem>>)
        tpu.yield
      }) : () -> ()
      %mul3A_155 = arith.constant 128 : i32
      %mul3A_156 = arith.muli %while3A_149, %mul3A_155 : i32
      %add3A_157 = arith.constant 320000 : i32
      %add3A_158 = arith.addi %add3A_157, %mul3A_156 : i32
      "tpu.region"() ({
        %run_scoped3A = tpu.sem_alloc : memref<!tpu.dma_semaphore, #tpu.memory_space<semaphore_mem>>
        %dma_start3A_174 = tpu.memref_slice %arg4[%add3A_158] : memref<640000xi32, #tpu.memory_space<hbm>> -> memref<128xi32, #tpu.memory_space<hbm>>
        %dma_start3A_175 = tpu.memref_slice %arg4[%add3A_158] : memref<640000xi32, #tpu.memory_space<hbm>> -> memref<128xi32, #tpu.memory_space<hbm>>
        tpu.enqueue_dma source(%dma_start3A_175 : memref<128xi32, #tpu.memory_space<hbm>>) target(%arg11 : memref<128xi32, #tpu.memory_space<vmem>>) target_semaphore(%run_scoped3A : memref<!tpu.dma_semaphore, #tpu.memory_space<semaphore_mem>>)
        %dma_wait3A_176 = tpu.memref_slice %arg4[%add3A_158] : memref<640000xi32, #tpu.memory_space<hbm>> -> memref<128xi32, #tpu.memory_space<hbm>>
        %dma_wait3A_177 = tpu.memref_slice %arg4[%add3A_158] : memref<640000xi32, #tpu.memory_space<hbm>> -> memref<128xi32, #tpu.memory_space<hbm>>
        tpu.wait_dma2 semaphore(%run_scoped3A : memref<!tpu.dma_semaphore, #tpu.memory_space<semaphore_mem>>) src(%dma_wait3A_177 : memref<128xi32, #tpu.memory_space<hbm>>) dst(%arg11 : memref<128xi32, #tpu.memory_space<vmem>>)
        tpu.yield
      }) : () -> ()
      %dma_start3A = arith.constant 2 : i32
      %dma_start3A_159 = arith.constant 0 : i32
      %dma_start3A_160 = arith.constant 0 : i32
      %dma_start3A_161 = tpu.memref_slice %arg2[%dma_start3A, %arg0, %dma_start3A_159, %dma_start3A_160] : memref<4x2x10240x128xf32, #tpu.memory_space<hbm>> -> memref<1x1x10240x128xf32, #tpu.memory_space<hbm>>
      %dma_start3A_162 = tpu.memref_squeeze %dma_start3A_161 : memref<1x1x10240x128xf32, #tpu.memory_space<hbm>> -> memref<10240x128xf32, #tpu.memory_space<hbm>>
      %dma_start3A_163 = arith.constant 0 : i32
      %dma_start3A_164 = arith.constant 0 : i32
      %dma_start3A_165 = tpu.memref_slice %dma_start3A_162[%dma_start3A_163, %dma_start3A_164] : memref<10240x128xf32, #tpu.memory_space<hbm>> -> memref<10240x128xf32, #tpu.memory_space<hbm>>
      tpu.enqueue_indirect_dma source(%dma_start3A_165 : memref<10240x128xf32, #tpu.memory_space<hbm>>) target(%arg8 : memref<128x128xf32, #tpu.memory_space<vmem>>) offsets(%arg10 : memref<128xi32, #tpu.memory_space<vmem>>) semaphore(%arg12 : memref<!tpu.dma_semaphore, #tpu.memory_space<semaphore_mem>>)
      %dma_wait3A = arith.constant 2 : i32
      %dma_wait3A_166 = arith.constant 0 : i32
      %dma_wait3A_167 = arith.constant 0 : i32
      %dma_wait3A_168 = tpu.memref_slice %arg2[%dma_wait3A, %arg0, %dma_wait3A_166, %dma_wait3A_167] : memref<4x2x10240x128xf32, #tpu.memory_space<hbm>> -> memref<1x1x10240x128xf32, #tpu.memory_space<hbm>>
      %dma_wait3A_169 = tpu.memref_squeeze %dma_wait3A_168 : memref<1x1x10240x128xf32, #tpu.memory_space<hbm>> -> memref<10240x128xf32, #tpu.memory_space<hbm>>
      %dma_wait3A_170 = arith.constant 0 : i32
      %dma_wait3A_171 = arith.constant 0 : i32
      %dma_wait3A_172 = tpu.memref_slice %dma_wait3A_169[%dma_wait3A_170, %dma_wait3A_171] : memref<10240x128xf32, #tpu.memory_space<hbm>> -> memref<10240x128xf32, #tpu.memory_space<hbm>>
      tpu.wait_indirect_dma semaphore(%arg12 : memref<!tpu.dma_semaphore, #tpu.memory_space<semaphore_mem>>) src(%dma_wait3A_172 : memref<10240x128xf32, #tpu.memory_space<hbm>>) dst(%arg8 : memref<128x128xf32, #tpu.memory_space<vmem>>)
      "tpu.region"() ({
        %run_scoped3A = tpu.sem_alloc : memref<!tpu.dma_semaphore, #tpu.memory_space<semaphore_mem>>
        %dma_start3A_174 = arith.constant 0 : i32
        %dma_start3A_175 = arith.constant 0 : i32
        %dma_start3A_176 = tpu.memref_slice %arg7[%dma_start3A_174, %dma_start3A_175] : memref<10240x128xf32, #tpu.memory_space<vmem_shared>> -> memref<10240x128xf32, #tpu.memory_space<vmem_shared>>
        tpu.enqueue_indirect_dma source(%arg8 : memref<128x128xf32, #tpu.memory_space<vmem>>) target(%dma_start3A_176 : memref<10240x128xf32, #tpu.memory_space<vmem_shared>>) offsets(%arg11 : memref<128xi32, #tpu.memory_space<vmem>>) semaphore(%run_scoped3A : memref<!tpu.dma_semaphore, #tpu.memory_space<semaphore_mem>>) {add = true}
        %dma_wait3A_177 = arith.constant 0 : i32
        %dma_wait3A_178 = arith.constant 0 : i32
        %dma_wait3A_179 = tpu.memref_slice %arg7[%dma_wait3A_177, %dma_wait3A_178] : memref<10240x128xf32, #tpu.memory_space<vmem_shared>> -> memref<10240x128xf32, #tpu.memory_space<vmem_shared>>
        tpu.wait_indirect_dma semaphore(%run_scoped3A : memref<!tpu.dma_semaphore, #tpu.memory_space<semaphore_mem>>) src(%arg8 : memref<128x128xf32, #tpu.memory_space<vmem>>) dst(%dma_wait3A_179 : memref<10240x128xf32, #tpu.memory_space<vmem_shared>>)
        tpu.yield
      }) : () -> ()
      %while3A_173 = arith.constant 0 : i32
      scf.yield %while3A_173 : i32
    }
    %while3A_112 = arith.constant 1 : i32
    %while3A_113 = scf.for %while3A_149 = %while3A_109 to %while3A_105 step %while3A_112 iter_args(%while3A_150 = %while3A_111) -> (i32)  : i32 {
      %mul3A_151 = arith.constant 128 : i32
      %mul3A_152 = arith.muli %while3A_149, %mul3A_151 : i32
      %add3A_153 = arith.constant 320000 : i32
      %add3A_154 = arith.addi %add3A_153, %mul3A_152 : i32
      "tpu.region"() ({
        %run_scoped3A = tpu.sem_alloc : memref<!tpu.dma_semaphore, #tpu.memory_space<semaphore_mem>>
        %dma_start3A_174 = tpu.memref_slice %arg3[%add3A_154] : memref<640000xi32, #tpu.memory_space<hbm>> -> memref<128xi32, #tpu.memory_space<hbm>>
        %dma_start3A_175 = tpu.memref_slice %arg3[%add3A_154] : memref<640000xi32, #tpu.memory_space<hbm>> -> memref<128xi32, #tpu.memory_space<hbm>>
        tpu.enqueue_dma source(%dma_start3A_175 : memref<128xi32, #tpu.memory_space<hbm>>) target(%arg10 : memref<128xi32, #tpu.memory_space<vmem>>) target_semaphore(%run_scoped3A : memref<!tpu.dma_semaphore, #tpu.memory_space<semaphore_mem>>)
        %dma_wait3A_176 = tpu.memref_slice %arg3[%add3A_154] : memref<640000xi32, #tpu.memory_space<hbm>> -> memref<128xi32, #tpu.memory_space<hbm>>
        %dma_wait3A_177 = tpu.memref_slice %arg3[%add3A_154] : memref<640000xi32, #tpu.memory_space<hbm>> -> memref<128xi32, #tpu.memory_space<hbm>>
        tpu.wait_dma2 semaphore(%run_scoped3A : memref<!tpu.dma_semaphore, #tpu.memory_space<semaphore_mem>>) src(%dma_wait3A_177 : memref<128xi32, #tpu.memory_space<hbm>>) dst(%arg10 : memref<128xi32, #tpu.memory_space<vmem>>)
        tpu.yield
      }) : () -> ()
      %mul3A_155 = arith.constant 128 : i32
      %mul3A_156 = arith.muli %while3A_149, %mul3A_155 : i32
      %add3A_157 = arith.constant 320000 : i32
      %add3A_158 = arith.addi %add3A_157, %mul3A_156 : i32
      "tpu.region"() ({
        %run_scoped3A = tpu.sem_alloc : memref<!tpu.dma_semaphore, #tpu.memory_space<semaphore_mem>>
        %dma_start3A_174 = tpu.memref_slice %arg4[%add3A_158] : memref<640000xi32, #tpu.memory_space<hbm>> -> memref<128xi32, #tpu.memory_space<hbm>>
        %dma_start3A_175 = tpu.memref_slice %arg4[%add3A_158] : memref<640000xi32, #tpu.memory_space<hbm>> -> memref<128xi32, #tpu.memory_space<hbm>>
        tpu.enqueue_dma source(%dma_start3A_175 : memref<128xi32, #tpu.memory_space<hbm>>) target(%arg11 : memref<128xi32, #tpu.memory_space<vmem>>) target_semaphore(%run_scoped3A : memref<!tpu.dma_semaphore, #tpu.memory_space<semaphore_mem>>)
        %dma_wait3A_176 = tpu.memref_slice %arg4[%add3A_158] : memref<640000xi32, #tpu.memory_space<hbm>> -> memref<128xi32, #tpu.memory_space<hbm>>
        %dma_wait3A_177 = tpu.memref_slice %arg4[%add3A_158] : memref<640000xi32, #tpu.memory_space<hbm>> -> memref<128xi32, #tpu.memory_space<hbm>>
        tpu.wait_dma2 semaphore(%run_scoped3A : memref<!tpu.dma_semaphore, #tpu.memory_space<semaphore_mem>>) src(%dma_wait3A_177 : memref<128xi32, #tpu.memory_space<hbm>>) dst(%arg11 : memref<128xi32, #tpu.memory_space<vmem>>)
        tpu.yield
      }) : () -> ()
      %dma_start3A = arith.constant 2 : i32
      %dma_start3A_159 = arith.constant 0 : i32
      %dma_start3A_160 = arith.constant 0 : i32
      %dma_start3A_161 = tpu.memref_slice %arg2[%dma_start3A, %arg0, %dma_start3A_159, %dma_start3A_160] : memref<4x2x10240x128xf32, #tpu.memory_space<hbm>> -> memref<1x1x10240x128xf32, #tpu.memory_space<hbm>>
      %dma_start3A_162 = tpu.memref_squeeze %dma_start3A_161 : memref<1x1x10240x128xf32, #tpu.memory_space<hbm>> -> memref<10240x128xf32, #tpu.memory_space<hbm>>
      %dma_start3A_163 = arith.constant 0 : i32
      %dma_start3A_164 = arith.constant 0 : i32
      %dma_start3A_165 = tpu.memref_slice %dma_start3A_162[%dma_start3A_163, %dma_start3A_164] : memref<10240x128xf32, #tpu.memory_space<hbm>> -> memref<10240x128xf32, #tpu.memory_space<hbm>>
      tpu.enqueue_indirect_dma source(%dma_start3A_165 : memref<10240x128xf32, #tpu.memory_space<hbm>>) target(%arg8 : memref<128x128xf32, #tpu.memory_space<vmem>>) offsets(%arg10 : memref<128xi32, #tpu.memory_space<vmem>>) semaphore(%arg12 : memref<!tpu.dma_semaphore, #tpu.memory_space<semaphore_mem>>)
      %dma_wait3A = arith.constant 2 : i32
      %dma_wait3A_166 = arith.constant 0 : i32
      %dma_wait3A_167 = arith.constant 0 : i32
      %dma_wait3A_168 = tpu.memref_slice %arg2[%dma_wait3A, %arg0, %dma_wait3A_166, %dma_wait3A_167] : memref<4x2x10240x128xf32, #tpu.memory_space<hbm>> -> memref<1x1x10240x128xf32, #tpu.memory_space<hbm>>
      %dma_wait3A_169 = tpu.memref_squeeze %dma_wait3A_168 : memref<1x1x10240x128xf32, #tpu.memory_space<hbm>> -> memref<10240x128xf32, #tpu.memory_space<hbm>>
      %dma_wait3A_170 = arith.constant 0 : i32
      %dma_wait3A_171 = arith.constant 0 : i32
      %dma_wait3A_172 = tpu.memref_slice %dma_wait3A_169[%dma_wait3A_170, %dma_wait3A_171] : memref<10240x128xf32, #tpu.memory_space<hbm>> -> memref<10240x128xf32, #tpu.memory_space<hbm>>
      tpu.wait_indirect_dma semaphore(%arg12 : memref<!tpu.dma_semaphore, #tpu.memory_space<semaphore_mem>>) src(%dma_wait3A_172 : memref<10240x128xf32, #tpu.memory_space<hbm>>) dst(%arg8 : memref<128x128xf32, #tpu.memory_space<vmem>>)
      "tpu.region"() ({
        %run_scoped3A = tpu.sem_alloc : memref<!tpu.dma_semaphore, #tpu.memory_space<semaphore_mem>>
        %dma_start3A_174 = arith.constant 0 : i32
        %dma_start3A_175 = arith.constant 0 : i32
        %dma_start3A_176 = tpu.memref_slice %arg7[%dma_start3A_174, %dma_start3A_175] : memref<10240x128xf32, #tpu.memory_space<vmem_shared>> -> memref<10240x128xf32, #tpu.memory_space<vmem_shared>>
        tpu.enqueue_indirect_dma source(%arg8 : memref<128x128xf32, #tpu.memory_space<vmem>>) target(%dma_start3A_176 : memref<10240x128xf32, #tpu.memory_space<vmem_shared>>) offsets(%arg11 : memref<128xi32, #tpu.memory_space<vmem>>) semaphore(%run_scoped3A : memref<!tpu.dma_semaphore, #tpu.memory_space<semaphore_mem>>) {add = true}
        %dma_wait3A_177 = arith.constant 0 : i32
        %dma_wait3A_178 = arith.constant 0 : i32
        %dma_wait3A_179 = tpu.memref_slice %arg7[%dma_wait3A_177, %dma_wait3A_178] : memref<10240x128xf32, #tpu.memory_space<vmem_shared>> -> memref<10240x128xf32, #tpu.memory_space<vmem_shared>>
        tpu.wait_indirect_dma semaphore(%run_scoped3A : memref<!tpu.dma_semaphore, #tpu.memory_space<semaphore_mem>>) src(%arg8 : memref<128x128xf32, #tpu.memory_space<vmem>>) dst(%dma_wait3A_179 : memref<10240x128xf32, #tpu.memory_space<vmem_shared>>)
        tpu.yield
      }) : () -> ()
      %while3A_173 = arith.constant 0 : i32
      scf.yield %while3A_173 : i32
    }
    %barrier3A_114 = arith.constant 0 : index
    tpu.barrier barrier_id(%barrier3A_114)
    %scan3A_115 = arith.constant 0 : i32
    %scan3A_116 = arith.constant 0 : i32
    %scan3A_117 = arith.constant 5 : i32
    %scan3A_118 = arith.addi %scan3A_116, %scan3A_117 : i32
    %scan3A_119 = arith.constant 1 : i32
    %scan3A_120 = scf.for %scan3A_149 = %scan3A_116 to %scan3A_118 step %scan3A_119 iter_args(%scan3A_150 = %scan3A_115) -> (i32)  : i32 {
      %mul3A_151 = arith.constant 640 : i32
      %mul3A_152 = arith.muli %arg1, %mul3A_151 : i32
      %mul3A_153 = arith.constant 128 : i32
      %mul3A_154 = arith.muli %scan3A_149, %mul3A_153 : i32
      %add3A_155 = arith.addi %mul3A_152, %mul3A_154 : i32
      "tpu.region"() ({
        %run_scoped3A_157 = tpu.sem_alloc : memref<!tpu.dma_semaphore, #tpu.memory_space<semaphore_mem>>
        %dma_start3A = arith.constant 0 : i32
        %dma_start3A_158 = tpu.memref_slice %arg7[%add3A_155, %dma_start3A] : memref<10240x128xf32, #tpu.memory_space<vmem_shared>> -> memref<128x128xf32, #tpu.memory_space<vmem_shared>>
        %dma_start3A_159 = arith.constant 0 : i32
        %dma_start3A_160 = tpu.memref_slice %arg7[%add3A_155, %dma_start3A_159] : memref<10240x128xf32, #tpu.memory_space<vmem_shared>> -> memref<128x128xf32, #tpu.memory_space<vmem_shared>>
        tpu.enqueue_dma source(%dma_start3A_160 : memref<128x128xf32, #tpu.memory_space<vmem_shared>>) target(%arg8 : memref<128x128xf32, #tpu.memory_space<vmem>>) target_semaphore(%run_scoped3A_157 : memref<!tpu.dma_semaphore, #tpu.memory_space<semaphore_mem>>)
        %dma_wait3A = arith.constant 0 : i32
        %dma_wait3A_161 = tpu.memref_slice %arg7[%add3A_155, %dma_wait3A] : memref<10240x128xf32, #tpu.memory_space<vmem_shared>> -> memref<128x128xf32, #tpu.memory_space<vmem_shared>>
        %dma_wait3A_162 = arith.constant 0 : i32
        %dma_wait3A_163 = tpu.memref_slice %arg7[%add3A_155, %dma_wait3A_162] : memref<10240x128xf32, #tpu.memory_space<vmem_shared>> -> memref<128x128xf32, #tpu.memory_space<vmem_shared>>
        tpu.wait_dma2 semaphore(%run_scoped3A_157 : memref<!tpu.dma_semaphore, #tpu.memory_space<semaphore_mem>>) src(%dma_wait3A_163 : memref<128x128xf32, #tpu.memory_space<vmem_shared>>) dst(%arg8 : memref<128x128xf32, #tpu.memory_space<vmem>>)
        tpu.yield
      }) : () -> ()
      %run_scoped3A = arith.constant 2 : i32
      "tpu.region"() ({
        %run_scoped3A_157 = tpu.sem_alloc : memref<!tpu.dma_semaphore, #tpu.memory_space<semaphore_mem>>
        %dma_start3A = arith.constant 0 : i32
        %dma_start3A_158 = tpu.memref_slice %arg6[%run_scoped3A, %arg0, %add3A_155, %dma_start3A] : memref<4x2x10240x128xf32, #tpu.memory_space<hbm>> -> memref<1x1x128x128xf32, #tpu.memory_space<hbm>>
        %dma_start3A_159 = tpu.memref_squeeze %dma_start3A_158 : memref<1x1x128x128xf32, #tpu.memory_space<hbm>> -> memref<128x128xf32, #tpu.memory_space<hbm>>
        %dma_start3A_160 = arith.constant 0 : i32
        %dma_start3A_161 = tpu.memref_slice %arg6[%run_scoped3A, %arg0, %add3A_155, %dma_start3A_160] : memref<4x2x10240x128xf32, #tpu.memory_space<hbm>> -> memref<1x1x128x128xf32, #tpu.memory_space<hbm>>
        %dma_start3A_162 = tpu.memref_squeeze %dma_start3A_161 : memref<1x1x128x128xf32, #tpu.memory_space<hbm>> -> memref<128x128xf32, #tpu.memory_space<hbm>>
        tpu.enqueue_dma source(%arg8 : memref<128x128xf32, #tpu.memory_space<vmem>>) target(%dma_start3A_162 : memref<128x128xf32, #tpu.memory_space<hbm>>) target_semaphore(%run_scoped3A_157 : memref<!tpu.dma_semaphore, #tpu.memory_space<semaphore_mem>>)
        %dma_wait3A = arith.constant 0 : i32
        %dma_wait3A_163 = tpu.memref_slice %arg6[%run_scoped3A, %arg0, %add3A_155, %dma_wait3A] : memref<4x2x10240x128xf32, #tpu.memory_space<hbm>> -> memref<1x1x128x128xf32, #tpu.memory_space<hbm>>
        %dma_wait3A_164 = tpu.memref_squeeze %dma_wait3A_163 : memref<1x1x128x128xf32, #tpu.memory_space<hbm>> -> memref<128x128xf32, #tpu.memory_space<hbm>>
        %dma_wait3A_165 = arith.constant 0 : i32
        %dma_wait3A_166 = tpu.memref_slice %arg6[%run_scoped3A, %arg0, %add3A_155, %dma_wait3A_165] : memref<4x2x10240x128xf32, #tpu.memory_space<hbm>> -> memref<1x1x128x128xf32, #tpu.memory_space<hbm>>
        %dma_wait3A_167 = tpu.memref_squeeze %dma_wait3A_166 : memref<1x1x128x128xf32, #tpu.memory_space<hbm>> -> memref<128x128xf32, #tpu.memory_space<hbm>>
        tpu.wait_dma2 semaphore(%run_scoped3A_157 : memref<!tpu.dma_semaphore, #tpu.memory_space<semaphore_mem>>) src(%arg8 : memref<128x128xf32, #tpu.memory_space<vmem>>) dst(%dma_wait3A_167 : memref<128x128xf32, #tpu.memory_space<hbm>>)
        tpu.yield
      }) : () -> ()
      %scan3A_156 = arith.constant 0 : i32
      scf.yield %scan3A_156 : i32
    }
    %scan3A_121 = arith.constant 5 : i32
    %scan3A_122 = arith.constant 0 : i32
    %scan3A_123 = arith.constant 0 : i32
    %scan3A_124 = arith.constant 5 : i32
    %scan3A_125 = arith.addi %scan3A_123, %scan3A_124 : i32
    %scan3A_126 = arith.constant 1 : i32
    %scan3A_127 = scf.for %scan3A_149 = %scan3A_123 to %scan3A_125 step %scan3A_126 iter_args(%scan3A_150 = %scan3A_122) -> (i32)  : i32 {
      %mul3A_151 = arith.constant 640 : i32
      %mul3A_152 = arith.muli %arg1, %mul3A_151 : i32
      %mul3A_153 = arith.constant 128 : i32
      %mul3A_154 = arith.muli %scan3A_149, %mul3A_153 : i32
      %add3A_155 = arith.addi %mul3A_152, %mul3A_154 : i32
      "tpu.region"() ({
        %run_scoped3A = tpu.sem_alloc : memref<!tpu.dma_semaphore, #tpu.memory_space<semaphore_mem>>
        %dma_start3A = arith.constant 0 : i32
        %dma_start3A_157 = tpu.memref_slice %arg7[%add3A_155, %dma_start3A] : memref<10240x128xf32, #tpu.memory_space<vmem_shared>> -> memref<128x128xf32, #tpu.memory_space<vmem_shared>>
        %dma_start3A_158 = arith.constant 0 : i32
        %dma_start3A_159 = tpu.memref_slice %arg7[%add3A_155, %dma_start3A_158] : memref<10240x128xf32, #tpu.memory_space<vmem_shared>> -> memref<128x128xf32, #tpu.memory_space<vmem_shared>>
        tpu.enqueue_dma source(%arg9 : memref<128x128xf32, #tpu.memory_space<vmem>>) target(%dma_start3A_159 : memref<128x128xf32, #tpu.memory_space<vmem_shared>>) target_semaphore(%run_scoped3A : memref<!tpu.dma_semaphore, #tpu.memory_space<semaphore_mem>>)
        %dma_wait3A = arith.constant 0 : i32
        %dma_wait3A_160 = tpu.memref_slice %arg7[%add3A_155, %dma_wait3A] : memref<10240x128xf32, #tpu.memory_space<vmem_shared>> -> memref<128x128xf32, #tpu.memory_space<vmem_shared>>
        %dma_wait3A_161 = arith.constant 0 : i32
        %dma_wait3A_162 = tpu.memref_slice %arg7[%add3A_155, %dma_wait3A_161] : memref<10240x128xf32, #tpu.memory_space<vmem_shared>> -> memref<128x128xf32, #tpu.memory_space<vmem_shared>>
        tpu.wait_dma2 semaphore(%run_scoped3A : memref<!tpu.dma_semaphore, #tpu.memory_space<semaphore_mem>>) src(%arg9 : memref<128x128xf32, #tpu.memory_space<vmem>>) dst(%dma_wait3A_162 : memref<128x128xf32, #tpu.memory_space<vmem_shared>>)
        tpu.yield
      }) : () -> ()
      %scan3A_156 = arith.constant 0 : i32
      scf.yield %scan3A_156 : i32
    }
    %scan3A_128 = arith.constant 5 : i32
    %barrier3A_129 = arith.constant 0 : index
    tpu.barrier barrier_id(%barrier3A_129)
    %while3A_130 = arith.constant 0 : i32
    %while3A_131 = arith.subi %select_n3A_43, %select_n3A : i32
    %while3A_132 = arith.addi %select_n3A, %while3A_131 : i32
    %while3A_133 = arith.constant 1 : i32
    %while3A_134 = arith.divsi %while3A_131, %while3A_133 : i32
    %while3A_135 = arith.muli %while3A_134, %while3A_133 : i32
    %while3A_136 = arith.addi %select_n3A, %while3A_135 : i32
    %while3A_137 = arith.constant 1 : i32
    %while3A_138 = scf.for %while3A_149 = %select_n3A to %while3A_136 step %while3A_137 iter_args(%while3A_150 = %while3A_130) -> (i32)  : i32 {
      %mul3A_151 = arith.constant 128 : i32
      %mul3A_152 = arith.muli %while3A_149, %mul3A_151 : i32
      %add3A_153 = arith.constant 480000 : i32
      %add3A_154 = arith.addi %add3A_153, %mul3A_152 : i32
      "tpu.region"() ({
        %run_scoped3A = tpu.sem_alloc : memref<!tpu.dma_semaphore, #tpu.memory_space<semaphore_mem>>
        %dma_start3A_174 = tpu.memref_slice %arg3[%add3A_154] : memref<640000xi32, #tpu.memory_space<hbm>> -> memref<128xi32, #tpu.memory_space<hbm>>
        %dma_start3A_175 = tpu.memref_slice %arg3[%add3A_154] : memref<640000xi32, #tpu.memory_space<hbm>> -> memref<128xi32, #tpu.memory_space<hbm>>
        tpu.enqueue_dma source(%dma_start3A_175 : memref<128xi32, #tpu.memory_space<hbm>>) target(%arg10 : memref<128xi32, #tpu.memory_space<vmem>>) target_semaphore(%run_scoped3A : memref<!tpu.dma_semaphore, #tpu.memory_space<semaphore_mem>>)
        %dma_wait3A_176 = tpu.memref_slice %arg3[%add3A_154] : memref<640000xi32, #tpu.memory_space<hbm>> -> memref<128xi32, #tpu.memory_space<hbm>>
        %dma_wait3A_177 = tpu.memref_slice %arg3[%add3A_154] : memref<640000xi32, #tpu.memory_space<hbm>> -> memref<128xi32, #tpu.memory_space<hbm>>
        tpu.wait_dma2 semaphore(%run_scoped3A : memref<!tpu.dma_semaphore, #tpu.memory_space<semaphore_mem>>) src(%dma_wait3A_177 : memref<128xi32, #tpu.memory_space<hbm>>) dst(%arg10 : memref<128xi32, #tpu.memory_space<vmem>>)
        tpu.yield
      }) : () -> ()
      %mul3A_155 = arith.constant 128 : i32
      %mul3A_156 = arith.muli %while3A_149, %mul3A_155 : i32
      %add3A_157 = arith.constant 480000 : i32
      %add3A_158 = arith.addi %add3A_157, %mul3A_156 : i32
      "tpu.region"() ({
        %run_scoped3A = tpu.sem_alloc : memref<!tpu.dma_semaphore, #tpu.memory_space<semaphore_mem>>
        %dma_start3A_174 = tpu.memref_slice %arg4[%add3A_158] : memref<640000xi32, #tpu.memory_space<hbm>> -> memref<128xi32, #tpu.memory_space<hbm>>
        %dma_start3A_175 = tpu.memref_slice %arg4[%add3A_158] : memref<640000xi32, #tpu.memory_space<hbm>> -> memref<128xi32, #tpu.memory_space<hbm>>
        tpu.enqueue_dma source(%dma_start3A_175 : memref<128xi32, #tpu.memory_space<hbm>>) target(%arg11 : memref<128xi32, #tpu.memory_space<vmem>>) target_semaphore(%run_scoped3A : memref<!tpu.dma_semaphore, #tpu.memory_space<semaphore_mem>>)
        %dma_wait3A_176 = tpu.memref_slice %arg4[%add3A_158] : memref<640000xi32, #tpu.memory_space<hbm>> -> memref<128xi32, #tpu.memory_space<hbm>>
        %dma_wait3A_177 = tpu.memref_slice %arg4[%add3A_158] : memref<640000xi32, #tpu.memory_space<hbm>> -> memref<128xi32, #tpu.memory_space<hbm>>
        tpu.wait_dma2 semaphore(%run_scoped3A : memref<!tpu.dma_semaphore, #tpu.memory_space<semaphore_mem>>) src(%dma_wait3A_177 : memref<128xi32, #tpu.memory_space<hbm>>) dst(%arg11 : memref<128xi32, #tpu.memory_space<vmem>>)
        tpu.yield
      }) : () -> ()
      %dma_start3A = arith.constant 3 : i32
      %dma_start3A_159 = arith.constant 0 : i32
      %dma_start3A_160 = arith.constant 0 : i32
      %dma_start3A_161 = tpu.memref_slice %arg2[%dma_start3A, %arg0, %dma_start3A_159, %dma_start3A_160] : memref<4x2x10240x128xf32, #tpu.memory_space<hbm>> -> memref<1x1x10240x128xf32, #tpu.memory_space<hbm>>
      %dma_start3A_162 = tpu.memref_squeeze %dma_start3A_161 : memref<1x1x10240x128xf32, #tpu.memory_space<hbm>> -> memref<10240x128xf32, #tpu.memory_space<hbm>>
      %dma_start3A_163 = arith.constant 0 : i32
      %dma_start3A_164 = arith.constant 0 : i32
      %dma_start3A_165 = tpu.memref_slice %dma_start3A_162[%dma_start3A_163, %dma_start3A_164] : memref<10240x128xf32, #tpu.memory_space<hbm>> -> memref<10240x128xf32, #tpu.memory_space<hbm>>
      tpu.enqueue_indirect_dma source(%dma_start3A_165 : memref<10240x128xf32, #tpu.memory_space<hbm>>) target(%arg8 : memref<128x128xf32, #tpu.memory_space<vmem>>) offsets(%arg10 : memref<128xi32, #tpu.memory_space<vmem>>) semaphore(%arg12 : memref<!tpu.dma_semaphore, #tpu.memory_space<semaphore_mem>>)
      %dma_wait3A = arith.constant 3 : i32
      %dma_wait3A_166 = arith.constant 0 : i32
      %dma_wait3A_167 = arith.constant 0 : i32
      %dma_wait3A_168 = tpu.memref_slice %arg2[%dma_wait3A, %arg0, %dma_wait3A_166, %dma_wait3A_167] : memref<4x2x10240x128xf32, #tpu.memory_space<hbm>> -> memref<1x1x10240x128xf32, #tpu.memory_space<hbm>>
      %dma_wait3A_169 = tpu.memref_squeeze %dma_wait3A_168 : memref<1x1x10240x128xf32, #tpu.memory_space<hbm>> -> memref<10240x128xf32, #tpu.memory_space<hbm>>
      %dma_wait3A_170 = arith.constant 0 : i32
      %dma_wait3A_171 = arith.constant 0 : i32
      %dma_wait3A_172 = tpu.memref_slice %dma_wait3A_169[%dma_wait3A_170, %dma_wait3A_171] : memref<10240x128xf32, #tpu.memory_space<hbm>> -> memref<10240x128xf32, #tpu.memory_space<hbm>>
      tpu.wait_indirect_dma semaphore(%arg12 : memref<!tpu.dma_semaphore, #tpu.memory_space<semaphore_mem>>) src(%dma_wait3A_172 : memref<10240x128xf32, #tpu.memory_space<hbm>>) dst(%arg8 : memref<128x128xf32, #tpu.memory_space<vmem>>)
      "tpu.region"() ({
        %run_scoped3A = tpu.sem_alloc : memref<!tpu.dma_semaphore, #tpu.memory_space<semaphore_mem>>
        %dma_start3A_174 = arith.constant 0 : i32
        %dma_start3A_175 = arith.constant 0 : i32
        %dma_start3A_176 = tpu.memref_slice %arg7[%dma_start3A_174, %dma_start3A_175] : memref<10240x128xf32, #tpu.memory_space<vmem_shared>> -> memref<10240x128xf32, #tpu.memory_space<vmem_shared>>
        tpu.enqueue_indirect_dma source(%arg8 : memref<128x128xf32, #tpu.memory_space<vmem>>) target(%dma_start3A_176 : memref<10240x128xf32, #tpu.memory_space<vmem_shared>>) offsets(%arg11 : memref<128xi32, #tpu.memory_space<vmem>>) semaphore(%run_scoped3A : memref<!tpu.dma_semaphore, #tpu.memory_space<semaphore_mem>>) {add = true}
        %dma_wait3A_177 = arith.constant 0 : i32
        %dma_wait3A_178 = arith.constant 0 : i32
        %dma_wait3A_179 = tpu.memref_slice %arg7[%dma_wait3A_177, %dma_wait3A_178] : memref<10240x128xf32, #tpu.memory_space<vmem_shared>> -> memref<10240x128xf32, #tpu.memory_space<vmem_shared>>
        tpu.wait_indirect_dma semaphore(%run_scoped3A : memref<!tpu.dma_semaphore, #tpu.memory_space<semaphore_mem>>) src(%arg8 : memref<128x128xf32, #tpu.memory_space<vmem>>) dst(%dma_wait3A_179 : memref<10240x128xf32, #tpu.memory_space<vmem_shared>>)
        tpu.yield
      }) : () -> ()
      %while3A_173 = arith.constant 0 : i32
      scf.yield %while3A_173 : i32
    }
    %while3A_139 = arith.constant 1 : i32
    %while3A_140 = scf.for %while3A_149 = %while3A_136 to %while3A_132 step %while3A_139 iter_args(%while3A_150 = %while3A_138) -> (i32)  : i32 {
      %mul3A_151 = arith.constant 128 : i32
      %mul3A_152 = arith.muli %while3A_149, %mul3A_151 : i32
      %add3A_153 = arith.constant 480000 : i32
      %add3A_154 = arith.addi %add3A_153, %mul3A_152 : i32
      "tpu.region"() ({
        %run_scoped3A = tpu.sem_alloc : memref<!tpu.dma_semaphore, #tpu.memory_space<semaphore_mem>>
        %dma_start3A_174 = tpu.memref_slice %arg3[%add3A_154] : memref<640000xi32, #tpu.memory_space<hbm>> -> memref<128xi32, #tpu.memory_space<hbm>>
        %dma_start3A_175 = tpu.memref_slice %arg3[%add3A_154] : memref<640000xi32, #tpu.memory_space<hbm>> -> memref<128xi32, #tpu.memory_space<hbm>>
        tpu.enqueue_dma source(%dma_start3A_175 : memref<128xi32, #tpu.memory_space<hbm>>) target(%arg10 : memref<128xi32, #tpu.memory_space<vmem>>) target_semaphore(%run_scoped3A : memref<!tpu.dma_semaphore, #tpu.memory_space<semaphore_mem>>)
        %dma_wait3A_176 = tpu.memref_slice %arg3[%add3A_154] : memref<640000xi32, #tpu.memory_space<hbm>> -> memref<128xi32, #tpu.memory_space<hbm>>
        %dma_wait3A_177 = tpu.memref_slice %arg3[%add3A_154] : memref<640000xi32, #tpu.memory_space<hbm>> -> memref<128xi32, #tpu.memory_space<hbm>>
        tpu.wait_dma2 semaphore(%run_scoped3A : memref<!tpu.dma_semaphore, #tpu.memory_space<semaphore_mem>>) src(%dma_wait3A_177 : memref<128xi32, #tpu.memory_space<hbm>>) dst(%arg10 : memref<128xi32, #tpu.memory_space<vmem>>)
        tpu.yield
      }) : () -> ()
      %mul3A_155 = arith.constant 128 : i32
      %mul3A_156 = arith.muli %while3A_149, %mul3A_155 : i32
      %add3A_157 = arith.constant 480000 : i32
      %add3A_158 = arith.addi %add3A_157, %mul3A_156 : i32
      "tpu.region"() ({
        %run_scoped3A = tpu.sem_alloc : memref<!tpu.dma_semaphore, #tpu.memory_space<semaphore_mem>>
        %dma_start3A_174 = tpu.memref_slice %arg4[%add3A_158] : memref<640000xi32, #tpu.memory_space<hbm>> -> memref<128xi32, #tpu.memory_space<hbm>>
        %dma_start3A_175 = tpu.memref_slice %arg4[%add3A_158] : memref<640000xi32, #tpu.memory_space<hbm>> -> memref<128xi32, #tpu.memory_space<hbm>>
        tpu.enqueue_dma source(%dma_start3A_175 : memref<128xi32, #tpu.memory_space<hbm>>) target(%arg11 : memref<128xi32, #tpu.memory_space<vmem>>) target_semaphore(%run_scoped3A : memref<!tpu.dma_semaphore, #tpu.memory_space<semaphore_mem>>)
        %dma_wait3A_176 = tpu.memref_slice %arg4[%add3A_158] : memref<640000xi32, #tpu.memory_space<hbm>> -> memref<128xi32, #tpu.memory_space<hbm>>
        %dma_wait3A_177 = tpu.memref_slice %arg4[%add3A_158] : memref<640000xi32, #tpu.memory_space<hbm>> -> memref<128xi32, #tpu.memory_space<hbm>>
        tpu.wait_dma2 semaphore(%run_scoped3A : memref<!tpu.dma_semaphore, #tpu.memory_space<semaphore_mem>>) src(%dma_wait3A_177 : memref<128xi32, #tpu.memory_space<hbm>>) dst(%arg11 : memref<128xi32, #tpu.memory_space<vmem>>)
        tpu.yield
      }) : () -> ()
      %dma_start3A = arith.constant 3 : i32
      %dma_start3A_159 = arith.constant 0 : i32
      %dma_start3A_160 = arith.constant 0 : i32
      %dma_start3A_161 = tpu.memref_slice %arg2[%dma_start3A, %arg0, %dma_start3A_159, %dma_start3A_160] : memref<4x2x10240x128xf32, #tpu.memory_space<hbm>> -> memref<1x1x10240x128xf32, #tpu.memory_space<hbm>>
      %dma_start3A_162 = tpu.memref_squeeze %dma_start3A_161 : memref<1x1x10240x128xf32, #tpu.memory_space<hbm>> -> memref<10240x128xf32, #tpu.memory_space<hbm>>
      %dma_start3A_163 = arith.constant 0 : i32
      %dma_start3A_164 = arith.constant 0 : i32
      %dma_start3A_165 = tpu.memref_slice %dma_start3A_162[%dma_start3A_163, %dma_start3A_164] : memref<10240x128xf32, #tpu.memory_space<hbm>> -> memref<10240x128xf32, #tpu.memory_space<hbm>>
      tpu.enqueue_indirect_dma source(%dma_start3A_165 : memref<10240x128xf32, #tpu.memory_space<hbm>>) target(%arg8 : memref<128x128xf32, #tpu.memory_space<vmem>>) offsets(%arg10 : memref<128xi32, #tpu.memory_space<vmem>>) semaphore(%arg12 : memref<!tpu.dma_semaphore, #tpu.memory_space<semaphore_mem>>)
      %dma_wait3A = arith.constant 3 : i32
      %dma_wait3A_166 = arith.constant 0 : i32
      %dma_wait3A_167 = arith.constant 0 : i32
      %dma_wait3A_168 = tpu.memref_slice %arg2[%dma_wait3A, %arg0, %dma_wait3A_166, %dma_wait3A_167] : memref<4x2x10240x128xf32, #tpu.memory_space<hbm>> -> memref<1x1x10240x128xf32, #tpu.memory_space<hbm>>
      %dma_wait3A_169 = tpu.memref_squeeze %dma_wait3A_168 : memref<1x1x10240x128xf32, #tpu.memory_space<hbm>> -> memref<10240x128xf32, #tpu.memory_space<hbm>>
      %dma_wait3A_170 = arith.constant 0 : i32
      %dma_wait3A_171 = arith.constant 0 : i32
      %dma_wait3A_172 = tpu.memref_slice %dma_wait3A_169[%dma_wait3A_170, %dma_wait3A_171] : memref<10240x128xf32, #tpu.memory_space<hbm>> -> memref<10240x128xf32, #tpu.memory_space<hbm>>
      tpu.wait_indirect_dma semaphore(%arg12 : memref<!tpu.dma_semaphore, #tpu.memory_space<semaphore_mem>>) src(%dma_wait3A_172 : memref<10240x128xf32, #tpu.memory_space<hbm>>) dst(%arg8 : memref<128x128xf32, #tpu.memory_space<vmem>>)
      "tpu.region"() ({
        %run_scoped3A = tpu.sem_alloc : memref<!tpu.dma_semaphore, #tpu.memory_space<semaphore_mem>>
        %dma_start3A_174 = arith.constant 0 : i32
        %dma_start3A_175 = arith.constant 0 : i32
        %dma_start3A_176 = tpu.memref_slice %arg7[%dma_start3A_174, %dma_start3A_175] : memref<10240x128xf32, #tpu.memory_space<vmem_shared>> -> memref<10240x128xf32, #tpu.memory_space<vmem_shared>>
        tpu.enqueue_indirect_dma source(%arg8 : memref<128x128xf32, #tpu.memory_space<vmem>>) target(%dma_start3A_176 : memref<10240x128xf32, #tpu.memory_space<vmem_shared>>) offsets(%arg11 : memref<128xi32, #tpu.memory_space<vmem>>) semaphore(%run_scoped3A : memref<!tpu.dma_semaphore, #tpu.memory_space<semaphore_mem>>) {add = true}
        %dma_wait3A_177 = arith.constant 0 : i32
        %dma_wait3A_178 = arith.constant 0 : i32
        %dma_wait3A_179 = tpu.memref_slice %arg7[%dma_wait3A_177, %dma_wait3A_178] : memref<10240x128xf32, #tpu.memory_space<vmem_shared>> -> memref<10240x128xf32, #tpu.memory_space<vmem_shared>>
        tpu.wait_indirect_dma semaphore(%run_scoped3A : memref<!tpu.dma_semaphore, #tpu.memory_space<semaphore_mem>>) src(%arg8 : memref<128x128xf32, #tpu.memory_space<vmem>>) dst(%dma_wait3A_179 : memref<10240x128xf32, #tpu.memory_space<vmem_shared>>)
        tpu.yield
      }) : () -> ()
      %while3A_173 = arith.constant 0 : i32
      scf.yield %while3A_173 : i32
    }
    %barrier3A_141 = arith.constant 0 : index
    tpu.barrier barrier_id(%barrier3A_141)
    %scan3A_142 = arith.constant 0 : i32
    %scan3A_143 = arith.constant 0 : i32
    %scan3A_144 = arith.constant 5 : i32
    %scan3A_145 = arith.addi %scan3A_143, %scan3A_144 : i32
    %scan3A_146 = arith.constant 1 : i32
    %scan3A_147 = scf.for %scan3A_149 = %scan3A_143 to %scan3A_145 step %scan3A_146 iter_args(%scan3A_150 = %scan3A_142) -> (i32)  : i32 {
      %mul3A_151 = arith.constant 640 : i32
      %mul3A_152 = arith.muli %arg1, %mul3A_151 : i32
      %mul3A_153 = arith.constant 128 : i32
      %mul3A_154 = arith.muli %scan3A_149, %mul3A_153 : i32
      %add3A_155 = arith.addi %mul3A_152, %mul3A_154 : i32
      "tpu.region"() ({
        %run_scoped3A_157 = tpu.sem_alloc : memref<!tpu.dma_semaphore, #tpu.memory_space<semaphore_mem>>
        %dma_start3A = arith.constant 0 : i32
        %dma_start3A_158 = tpu.memref_slice %arg7[%add3A_155, %dma_start3A] : memref<10240x128xf32, #tpu.memory_space<vmem_shared>> -> memref<128x128xf32, #tpu.memory_space<vmem_shared>>
        %dma_start3A_159 = arith.constant 0 : i32
        %dma_start3A_160 = tpu.memref_slice %arg7[%add3A_155, %dma_start3A_159] : memref<10240x128xf32, #tpu.memory_space<vmem_shared>> -> memref<128x128xf32, #tpu.memory_space<vmem_shared>>
        tpu.enqueue_dma source(%dma_start3A_160 : memref<128x128xf32, #tpu.memory_space<vmem_shared>>) target(%arg8 : memref<128x128xf32, #tpu.memory_space<vmem>>) target_semaphore(%run_scoped3A_157 : memref<!tpu.dma_semaphore, #tpu.memory_space<semaphore_mem>>)
        %dma_wait3A = arith.constant 0 : i32
        %dma_wait3A_161 = tpu.memref_slice %arg7[%add3A_155, %dma_wait3A] : memref<10240x128xf32, #tpu.memory_space<vmem_shared>> -> memref<128x128xf32, #tpu.memory_space<vmem_shared>>
        %dma_wait3A_162 = arith.constant 0 : i32
        %dma_wait3A_163 = tpu.memref_slice %arg7[%add3A_155, %dma_wait3A_162] : memref<10240x128xf32, #tpu.memory_space<vmem_shared>> -> memref<128x128xf32, #tpu.memory_space<vmem_shared>>
        tpu.wait_dma2 semaphore(%run_scoped3A_157 : memref<!tpu.dma_semaphore, #tpu.memory_space<semaphore_mem>>) src(%dma_wait3A_163 : memref<128x128xf32, #tpu.memory_space<vmem_shared>>) dst(%arg8 : memref<128x128xf32, #tpu.memory_space<vmem>>)
        tpu.yield
      }) : () -> ()
      %run_scoped3A = arith.constant 3 : i32
      "tpu.region"() ({
        %run_scoped3A_157 = tpu.sem_alloc : memref<!tpu.dma_semaphore, #tpu.memory_space<semaphore_mem>>
        %dma_start3A = arith.constant 0 : i32
        %dma_start3A_158 = tpu.memref_slice %arg6[%run_scoped3A, %arg0, %add3A_155, %dma_start3A] : memref<4x2x10240x128xf32, #tpu.memory_space<hbm>> -> memref<1x1x128x128xf32, #tpu.memory_space<hbm>>
        %dma_start3A_159 = tpu.memref_squeeze %dma_start3A_158 : memref<1x1x128x128xf32, #tpu.memory_space<hbm>> -> memref<128x128xf32, #tpu.memory_space<hbm>>
        %dma_start3A_160 = arith.constant 0 : i32
        %dma_start3A_161 = tpu.memref_slice %arg6[%run_scoped3A, %arg0, %add3A_155, %dma_start3A_160] : memref<4x2x10240x128xf32, #tpu.memory_space<hbm>> -> memref<1x1x128x128xf32, #tpu.memory_space<hbm>>
        %dma_start3A_162 = tpu.memref_squeeze %dma_start3A_161 : memref<1x1x128x128xf32, #tpu.memory_space<hbm>> -> memref<128x128xf32, #tpu.memory_space<hbm>>
        tpu.enqueue_dma source(%arg8 : memref<128x128xf32, #tpu.memory_space<vmem>>) target(%dma_start3A_162 : memref<128x128xf32, #tpu.memory_space<hbm>>) target_semaphore(%run_scoped3A_157 : memref<!tpu.dma_semaphore, #tpu.memory_space<semaphore_mem>>)
        %dma_wait3A = arith.constant 0 : i32
        %dma_wait3A_163 = tpu.memref_slice %arg6[%run_scoped3A, %arg0, %add3A_155, %dma_wait3A] : memref<4x2x10240x128xf32, #tpu.memory_space<hbm>> -> memref<1x1x128x128xf32, #tpu.memory_space<hbm>>
        %dma_wait3A_164 = tpu.memref_squeeze %dma_wait3A_163 : memref<1x1x128x128xf32, #tpu.memory_space<hbm>> -> memref<128x128xf32, #tpu.memory_space<hbm>>
        %dma_wait3A_165 = arith.constant 0 : i32
        %dma_wait3A_166 = tpu.memref_slice %arg6[%run_scoped3A, %arg0, %add3A_155, %dma_wait3A_165] : memref<4x2x10240x128xf32, #tpu.memory_space<hbm>> -> memref<1x1x128x128xf32, #tpu.memory_space<hbm>>
        %dma_wait3A_167 = tpu.memref_squeeze %dma_wait3A_166 : memref<1x1x128x128xf32, #tpu.memory_space<hbm>> -> memref<128x128xf32, #tpu.memory_space<hbm>>
        tpu.wait_dma2 semaphore(%run_scoped3A_157 : memref<!tpu.dma_semaphore, #tpu.memory_space<semaphore_mem>>) src(%arg8 : memref<128x128xf32, #tpu.memory_space<vmem>>) dst(%dma_wait3A_167 : memref<128x128xf32, #tpu.memory_space<hbm>>)
        tpu.yield
      }) : () -> ()
      %scan3A_156 = arith.constant 0 : i32
      scf.yield %scan3A_156 : i32
    }
    %scan3A_148 = arith.constant 5 : i32
    return
  }
}

module attributes {stable_mosaic.version = 14 : i64} {
  func.func @body(%arg0: i32, %arg1: memref<2x1024x256xf32, #tpu.memory_space<vmem>>, %arg2: memref<1024x8xf32, #tpu.memory_space<vmem>>, %arg3: memref<4x2x1024x128xf32, #tpu.memory_space<vmem>>) attributes {dimension_semantics = [#tpu.dimension_semantics<arbitrary>], iteration_bounds = array<i64: 10>, scalar_prefetch = 0 : i64, scratch_operands = 0 : i64, tpu.core_type = #tpu.core_type<tc>, window_params = [{transform_indices = @transform_0, window_bounds = array<i64: 2, 1024, 256>}, {transform_indices = @transform_1, window_bounds = array<i64: 1024, 8>}, {transform_indices = @transform_2, window_bounds = array<i64: 4, 2, 1024, 128>}]} {
    %get3A = arith.constant 0 : index
    %get3A_0 = arith.constant 0 : index
    %get3A_1 = arith.constant 0 : index
    %get3A_2 = vector.load %arg1[%get3A, %get3A_0, %get3A_1] : memref<2x1024x256xf32, #tpu.memory_space<vmem>>, vector<1x1024x256xf32>
    %get3A_3 = vector.shape_cast %get3A_2 : vector<1x1024x256xf32> to vector<1024x256xf32>
    %get3A_4 = arith.constant 1 : index
    %get3A_5 = arith.constant 0 : index
    %get3A_6 = arith.constant 0 : index
    %get3A_7 = vector.load %arg1[%get3A_4, %get3A_5, %get3A_6] : memref<2x1024x256xf32, #tpu.memory_space<vmem>>, vector<1x1024x256xf32>
    %get3A_8 = vector.shape_cast %get3A_7 : vector<1x1024x256xf32> to vector<1024x256xf32>
    %get3A_9 = arith.constant 0 : index
    %get3A_10 = arith.constant 0 : index
    %get3A_11 = vector.load %arg2[%get3A_9, %get3A_10] : memref<1024x8xf32, #tpu.memory_space<vmem>>, vector<1024x8xf32>
    %slice3A = vector.extract_strided_slice %get3A_11 {offsets = [0, 0], sizes = [1024, 1], strides = [1, 1]} : vector<1024x8xf32> to vector<1024x1xf32>
    %gt3A = arith.constant 0.000000e+00 : f32
    %gt3A_12 = vector.broadcast %gt3A : f32 to vector<1024x1xf32>
    %gt3A_13 = arith.cmpf ogt, %slice3A, %gt3A_12 : vector<1024x1xf32>
    %rsqrt3A = math.rsqrt %slice3A : vector<1024x1xf32>
    %jit3A = arith.constant 0.000000e+00 : f32
    %broadcast_in_dim3A = vector.broadcast %jit3A : f32 to vector<1024x1xf32>
    %select_n3A = arith.select %gt3A_13, %rsqrt3A, %broadcast_in_dim3A : vector<1024x1xi1>, vector<1024x1xf32>
    %mul3A = vector.broadcast %select_n3A : vector<1024x1xf32> to vector<1024x256xf32>
    %mul3A_14 = arith.mulf %get3A_3, %mul3A : vector<1024x256xf32>
    %slice3A_15 = vector.extract_strided_slice %mul3A_14 {offsets = [0, 0], sizes = [1024, 128], strides = [1, 1]} : vector<1024x256xf32> to vector<1024x128xf32>
    %swap3A = arith.constant 0 : index
    %swap3A_16 = arith.constant 0 : index
    %swap3A_17 = arith.constant 0 : index
    %swap3A_18 = arith.constant 0 : index
    %swap3A_19 = vector.load %arg3[%swap3A, %swap3A_16, %swap3A_17, %swap3A_18] : memref<4x2x1024x128xf32, #tpu.memory_space<vmem>>, vector<1x1x1024x128xf32>
    %swap3A_20 = vector.shape_cast %swap3A_19 : vector<1x1x1024x128xf32> to vector<1024x128xf32>
    %swap3A_21 = vector.shape_cast %slice3A_15 : vector<1024x128xf32> to vector<1x1x1024x128xf32>
    tpu.vector_store %arg3[%swap3A, %swap3A_16, %swap3A_17, %swap3A_18], %swap3A_21 {strides = array<i32>} : memref<4x2x1024x128xf32, #tpu.memory_space<vmem>>, vector<1x1x1024x128xf32>,
    %slice3A_22 = vector.extract_strided_slice %mul3A_14 {offsets = [0, 128], sizes = [1024, 128], strides = [1, 1]} : vector<1024x256xf32> to vector<1024x128xf32>
    %swap3A_23 = arith.constant 0 : index
    %swap3A_24 = arith.constant 1 : index
    %swap3A_25 = arith.constant 0 : index
    %swap3A_26 = arith.constant 0 : index
    %swap3A_27 = vector.load %arg3[%swap3A_23, %swap3A_24, %swap3A_25, %swap3A_26] : memref<4x2x1024x128xf32, #tpu.memory_space<vmem>>, vector<1x1x1024x128xf32>
    %swap3A_28 = vector.shape_cast %swap3A_27 : vector<1x1x1024x128xf32> to vector<1024x128xf32>
    %swap3A_29 = vector.shape_cast %slice3A_22 : vector<1024x128xf32> to vector<1x1x1024x128xf32>
    tpu.vector_store %arg3[%swap3A_23, %swap3A_24, %swap3A_25, %swap3A_26], %swap3A_29 {strides = array<i32>} : memref<4x2x1024x128xf32, #tpu.memory_space<vmem>>, vector<1x1x1024x128xf32>,
    %slice3A_30 = vector.extract_strided_slice %get3A_11 {offsets = [0, 1], sizes = [1024, 1], strides = [1, 1]} : vector<1024x8xf32> to vector<1024x1xf32>
    %gt3A_31 = arith.constant 0.000000e+00 : f32
    %gt3A_32 = vector.broadcast %gt3A_31 : f32 to vector<1024x1xf32>
    %gt3A_33 = arith.cmpf ogt, %slice3A_30, %gt3A_32 : vector<1024x1xf32>
    %rsqrt3A_34 = math.rsqrt %slice3A_30 : vector<1024x1xf32>
    %jit3A_35 = arith.constant 0.000000e+00 : f32
    %broadcast_in_dim3A_36 = vector.broadcast %jit3A_35 : f32 to vector<1024x1xf32>
    %select_n3A_37 = arith.select %gt3A_33, %rsqrt3A_34, %broadcast_in_dim3A_36 : vector<1024x1xi1>, vector<1024x1xf32>
    %mul3A_38 = vector.broadcast %select_n3A_37 : vector<1024x1xf32> to vector<1024x256xf32>
    %mul3A_39 = arith.mulf %get3A_3, %mul3A_38 : vector<1024x256xf32>
    %slice3A_40 = vector.extract_strided_slice %mul3A_39 {offsets = [0, 0], sizes = [1024, 128], strides = [1, 1]} : vector<1024x256xf32> to vector<1024x128xf32>
    %swap3A_41 = arith.constant 1 : index
    %swap3A_42 = arith.constant 0 : index
    %swap3A_43 = arith.constant 0 : index
    %swap3A_44 = arith.constant 0 : index
    %swap3A_45 = vector.load %arg3[%swap3A_41, %swap3A_42, %swap3A_43, %swap3A_44] : memref<4x2x1024x128xf32, #tpu.memory_space<vmem>>, vector<1x1x1024x128xf32>
    %swap3A_46 = vector.shape_cast %swap3A_45 : vector<1x1x1024x128xf32> to vector<1024x128xf32>
    %swap3A_47 = vector.shape_cast %slice3A_40 : vector<1024x128xf32> to vector<1x1x1024x128xf32>
    tpu.vector_store %arg3[%swap3A_41, %swap3A_42, %swap3A_43, %swap3A_44], %swap3A_47 {strides = array<i32>} : memref<4x2x1024x128xf32, #tpu.memory_space<vmem>>, vector<1x1x1024x128xf32>,
    %slice3A_48 = vector.extract_strided_slice %mul3A_39 {offsets = [0, 128], sizes = [1024, 128], strides = [1, 1]} : vector<1024x256xf32> to vector<1024x128xf32>
    %swap3A_49 = arith.constant 1 : index
    %swap3A_50 = arith.constant 1 : index
    %swap3A_51 = arith.constant 0 : index
    %swap3A_52 = arith.constant 0 : index
    %swap3A_53 = vector.load %arg3[%swap3A_49, %swap3A_50, %swap3A_51, %swap3A_52] : memref<4x2x1024x128xf32, #tpu.memory_space<vmem>>, vector<1x1x1024x128xf32>
    %swap3A_54 = vector.shape_cast %swap3A_53 : vector<1x1x1024x128xf32> to vector<1024x128xf32>
    %swap3A_55 = vector.shape_cast %slice3A_48 : vector<1024x128xf32> to vector<1x1x1024x128xf32>
    tpu.vector_store %arg3[%swap3A_49, %swap3A_50, %swap3A_51, %swap3A_52], %swap3A_55 {strides = array<i32>} : memref<4x2x1024x128xf32, #tpu.memory_space<vmem>>, vector<1x1x1024x128xf32>,
    %slice3A_56 = vector.extract_strided_slice %get3A_11 {offsets = [0, 2], sizes = [1024, 1], strides = [1, 1]} : vector<1024x8xf32> to vector<1024x1xf32>
    %gt3A_57 = arith.constant 0.000000e+00 : f32
    %gt3A_58 = vector.broadcast %gt3A_57 : f32 to vector<1024x1xf32>
    %gt3A_59 = arith.cmpf ogt, %slice3A_56, %gt3A_58 : vector<1024x1xf32>
    %rsqrt3A_60 = math.rsqrt %slice3A_56 : vector<1024x1xf32>
    %jit3A_61 = arith.constant 0.000000e+00 : f32
    %broadcast_in_dim3A_62 = vector.broadcast %jit3A_61 : f32 to vector<1024x1xf32>
    %select_n3A_63 = arith.select %gt3A_59, %rsqrt3A_60, %broadcast_in_dim3A_62 : vector<1024x1xi1>, vector<1024x1xf32>
    %mul3A_64 = vector.broadcast %select_n3A_63 : vector<1024x1xf32> to vector<1024x256xf32>
    %mul3A_65 = arith.mulf %get3A_8, %mul3A_64 : vector<1024x256xf32>
    %slice3A_66 = vector.extract_strided_slice %mul3A_65 {offsets = [0, 0], sizes = [1024, 128], strides = [1, 1]} : vector<1024x256xf32> to vector<1024x128xf32>
    %swap3A_67 = arith.constant 2 : index
    %swap3A_68 = arith.constant 0 : index
    %swap3A_69 = arith.constant 0 : index
    %swap3A_70 = arith.constant 0 : index
    %swap3A_71 = vector.load %arg3[%swap3A_67, %swap3A_68, %swap3A_69, %swap3A_70] : memref<4x2x1024x128xf32, #tpu.memory_space<vmem>>, vector<1x1x1024x128xf32>
    %swap3A_72 = vector.shape_cast %swap3A_71 : vector<1x1x1024x128xf32> to vector<1024x128xf32>
    %swap3A_73 = vector.shape_cast %slice3A_66 : vector<1024x128xf32> to vector<1x1x1024x128xf32>
    tpu.vector_store %arg3[%swap3A_67, %swap3A_68, %swap3A_69, %swap3A_70], %swap3A_73 {strides = array<i32>} : memref<4x2x1024x128xf32, #tpu.memory_space<vmem>>, vector<1x1x1024x128xf32>,
    %slice3A_74 = vector.extract_strided_slice %mul3A_65 {offsets = [0, 128], sizes = [1024, 128], strides = [1, 1]} : vector<1024x256xf32> to vector<1024x128xf32>
    %swap3A_75 = arith.constant 2 : index
    %swap3A_76 = arith.constant 1 : index
    %swap3A_77 = arith.constant 0 : index
    %swap3A_78 = arith.constant 0 : index
    %swap3A_79 = vector.load %arg3[%swap3A_75, %swap3A_76, %swap3A_77, %swap3A_78] : memref<4x2x1024x128xf32, #tpu.memory_space<vmem>>, vector<1x1x1024x128xf32>
    %swap3A_80 = vector.shape_cast %swap3A_79 : vector<1x1x1024x128xf32> to vector<1024x128xf32>
    %swap3A_81 = vector.shape_cast %slice3A_74 : vector<1024x128xf32> to vector<1x1x1024x128xf32>
    tpu.vector_store %arg3[%swap3A_75, %swap3A_76, %swap3A_77, %swap3A_78], %swap3A_81 {strides = array<i32>} : memref<4x2x1024x128xf32, #tpu.memory_space<vmem>>, vector<1x1x1024x128xf32>,
    %slice3A_82 = vector.extract_strided_slice %get3A_11 {offsets = [0, 3], sizes = [1024, 1], strides = [1, 1]} : vector<1024x8xf32> to vector<1024x1xf32>
    %gt3A_83 = arith.constant 0.000000e+00 : f32
    %gt3A_84 = vector.broadcast %gt3A_83 : f32 to vector<1024x1xf32>
    %gt3A_85 = arith.cmpf ogt, %slice3A_82, %gt3A_84 : vector<1024x1xf32>
    %rsqrt3A_86 = math.rsqrt %slice3A_82 : vector<1024x1xf32>
    %jit3A_87 = arith.constant 0.000000e+00 : f32
    %broadcast_in_dim3A_88 = vector.broadcast %jit3A_87 : f32 to vector<1024x1xf32>
    %select_n3A_89 = arith.select %gt3A_85, %rsqrt3A_86, %broadcast_in_dim3A_88 : vector<1024x1xi1>, vector<1024x1xf32>
    %mul3A_90 = vector.broadcast %select_n3A_89 : vector<1024x1xf32> to vector<1024x256xf32>
    %mul3A_91 = arith.mulf %get3A_8, %mul3A_90 : vector<1024x256xf32>
    %slice3A_92 = vector.extract_strided_slice %mul3A_91 {offsets = [0, 0], sizes = [1024, 128], strides = [1, 1]} : vector<1024x256xf32> to vector<1024x128xf32>
    %swap3A_93 = arith.constant 3 : index
    %swap3A_94 = arith.constant 0 : index
    %swap3A_95 = arith.constant 0 : index
    %swap3A_96 = arith.constant 0 : index
    %swap3A_97 = vector.load %arg3[%swap3A_93, %swap3A_94, %swap3A_95, %swap3A_96] : memref<4x2x1024x128xf32, #tpu.memory_space<vmem>>, vector<1x1x1024x128xf32>
    %swap3A_98 = vector.shape_cast %swap3A_97 : vector<1x1x1024x128xf32> to vector<1024x128xf32>
    %swap3A_99 = vector.shape_cast %slice3A_92 : vector<1024x128xf32> to vector<1x1x1024x128xf32>
    tpu.vector_store %arg3[%swap3A_93, %swap3A_94, %swap3A_95, %swap3A_96], %swap3A_99 {strides = array<i32>} : memref<4x2x1024x128xf32, #tpu.memory_space<vmem>>, vector<1x1x1024x128xf32>,
    %slice3A_100 = vector.extract_strided_slice %mul3A_91 {offsets = [0, 128], sizes = [1024, 128], strides = [1, 1]} : vector<1024x256xf32> to vector<1024x128xf32>
    %swap3A_101 = arith.constant 3 : index
    %swap3A_102 = arith.constant 1 : index
    %swap3A_103 = arith.constant 0 : index
    %swap3A_104 = arith.constant 0 : index
    %swap3A_105 = vector.load %arg3[%swap3A_101, %swap3A_102, %swap3A_103, %swap3A_104] : memref<4x2x1024x128xf32, #tpu.memory_space<vmem>>, vector<1x1x1024x128xf32>
    %swap3A_106 = vector.shape_cast %swap3A_105 : vector<1x1x1024x128xf32> to vector<1024x128xf32>
    %swap3A_107 = vector.shape_cast %slice3A_100 : vector<1024x128xf32> to vector<1x1x1024x128xf32>
    tpu.vector_store %arg3[%swap3A_101, %swap3A_102, %swap3A_103, %swap3A_104], %swap3A_107 {strides = array<i32>} : memref<4x2x1024x128xf32, #tpu.memory_space<vmem>>, vector<1x1x1024x128xf32>,
    return
  }
  func.func @transform_0(%arg0: i32) -> (i32, i32, i32) {
    %c0_i32 = arith.constant 0 : i32
    %c0_i32_0 = arith.constant 0 : i32
    %c0_i32_1 = arith.constant 0 : i32
    return %c0_i32, %arg0, %c0_i32_0 : i32, i32, i32
  }
  func.func @transform_1(%arg0: i32) -> (i32, i32) {
    %c0_i32 = arith.constant 0 : i32
    %c0_i32_0 = arith.constant 0 : i32
    return %arg0, %c0_i32 : i32, i32
  }
  func.func @transform_2(%arg0: i32) -> (i32, i32, i32, i32) {
    %c0_i32 = arith.constant 0 : i32
    %c0_i32_0 = arith.constant 0 : i32
    %c0_i32_1 = arith.constant 0 : i32
    %c0_i32_2 = arith.constant 0 : i32
    return %c0_i32, %c0_i32_0, %arg0, %c0_i32_1 : i32, i32, i32, i32
  }
}

module attributes {stable_mosaic.version = 14 : i64} {
  func.func @body(%arg0: i32, %arg1: memref<4x2x1024x128xf32, #tpu.memory_space<vmem>>, %arg2: memref<1024x8xf32, #tpu.memory_space<vmem>>, %arg3: memref<4x256x256xf32, #tpu.memory_space<vmem>>, %arg4: memref<256x256xf32, #tpu.memory_space<vmem>>, %arg5: memref<256x256xf32, #tpu.memory_space<vmem>>, %arg6: memref<1x256xf32, #tpu.memory_space<vmem>>, %arg7: memref<1x256xf32, #tpu.memory_space<vmem>>, %arg8: memref<1024x256xf32, #tpu.memory_space<vmem>>, %arg9: memref<1024x256xf32, #tpu.memory_space<vmem>>) attributes {dimension_semantics = [#tpu.dimension_semantics<arbitrary>], iteration_bounds = array<i64: 10>, scalar_prefetch = 0 : i64, scratch_operands = 0 : i64, tpu.core_type = #tpu.core_type<tc>, window_params = [{transform_indices = @transform_0, window_bounds = array<i64: 4, 2, 1024, 128>}, {transform_indices = @transform_1, window_bounds = array<i64: 1024, 8>}, {pipeline_mode = #tpu.pipeline_mode<synchronous>, transform_indices = @transform_2, window_bounds = array<i64: 4, 256, 256>}, {pipeline_mode = #tpu.pipeline_mode<synchronous>, transform_indices = @transform_3, window_bounds = array<i64: 256, 256>}, {pipeline_mode = #tpu.pipeline_mode<synchronous>, transform_indices = @transform_4, window_bounds = array<i64: 256, 256>}, {pipeline_mode = #tpu.pipeline_mode<synchronous>, transform_indices = @transform_5, window_bounds = array<i64: 1, 256>}, {pipeline_mode = #tpu.pipeline_mode<synchronous>, transform_indices = @transform_6, window_bounds = array<i64: 1, 256>}, {transform_indices = @transform_7, window_bounds = array<i64: 1024, 256>}, {transform_indices = @transform_8, window_bounds = array<i64: 1024, 256>}]} {
    %get3A = arith.constant 0 : index
    %get3A_0 = arith.constant 0 : index
    %get3A_1 = vector.load %arg2[%get3A, %get3A_0] : memref<1024x8xf32, #tpu.memory_space<vmem>>, vector<1024x8xf32>
    %broadcast_in_dim3A = arith.constant 0.000000e+00 : f32
    %broadcast_in_dim3A_2 = vector.broadcast %broadcast_in_dim3A : f32 to vector<1024x256xf32>
    %slice3A = vector.extract_strided_slice %get3A_1 {offsets = [0, 4], sizes = [1024, 1], strides = [1, 1]} : vector<1024x8xf32> to vector<1024x1xf32>
    %gt3A = arith.constant 0.000000e+00 : f32
    %gt3A_3 = vector.broadcast %gt3A : f32 to vector<1024x1xf32>
    %gt3A_4 = arith.cmpf ogt, %slice3A, %gt3A_3 : vector<1024x1xf32>
    %div3A = arith.constant 1.000000e+00 : f32
    %div3A_5 = vector.broadcast %div3A : f32 to vector<1024x1xf32>
    %div3A_6 = arith.divf %div3A_5, %slice3A : vector<1024x1xf32>
    %jit3A = arith.constant 1.000000e+00 : f32
    %broadcast_in_dim3A_7 = vector.broadcast %jit3A : f32 to vector<1024x1xf32>
    %select_n3A = arith.select %gt3A_4, %div3A_6, %broadcast_in_dim3A_7 : vector<1024x1xi1>, vector<1024x1xf32>
    %get3A_8 = arith.constant 0 : index
    %get3A_9 = arith.constant 0 : index
    %get3A_10 = arith.constant 0 : index
    %get3A_11 = arith.constant 0 : index
    %get3A_12 = vector.load %arg1[%get3A_8, %get3A_9, %get3A_10, %get3A_11] : memref<4x2x1024x128xf32, #tpu.memory_space<vmem>>, vector<1x1x1024x128xf32>
    %get3A_13 = vector.shape_cast %get3A_12 : vector<1x1x1024x128xf32> to vector<1024x128xf32>
    %mul3A = vector.broadcast %select_n3A : vector<1024x1xf32> to vector<1024x128xf32>
    %mul3A_14 = arith.mulf %get3A_13, %mul3A : vector<1024x128xf32>
    %get3A_15 = arith.constant 0 : index
    %get3A_16 = arith.constant 0 : index
    %get3A_17 = arith.constant 0 : index
    %get3A_18 = vector.load %arg3[%get3A_15, %get3A_16, %get3A_17] : memref<4x256x256xf32, #tpu.memory_space<vmem>>, vector<1x128x256xf32>
    %get3A_19 = vector.shape_cast %get3A_18 : vector<1x128x256xf32> to vector<128x256xf32>
    %dot_general3A = arith.constant dense<0.000000e+00> : vector<1024x256xf32>
    %dot_general3A_20 = tpu.matmul %mul3A_14, %get3A_19, %dot_general3A {dimension_numbers = #tpu.dot_dimension_numbers<[1], [0], [0], [1], [0, 0, 1, 1], [], []>, transpose_lhs_hint = false} : vector<1024x128xf32>, vector<128x256xf32>, vector<1024x256xf32> -> vector<1024x256xf32>
    %add3A = arith.addf %broadcast_in_dim3A_2, %dot_general3A_20 : vector<1024x256xf32>
    %get3A_21 = arith.constant 0 : index
    %get3A_22 = arith.constant 1 : index
    %get3A_23 = arith.constant 0 : index
    %get3A_24 = arith.constant 0 : index
    %get3A_25 = vector.load %arg1[%get3A_21, %get3A_22, %get3A_23, %get3A_24] : memref<4x2x1024x128xf32, #tpu.memory_space<vmem>>, vector<1x1x1024x128xf32>
    %get3A_26 = vector.shape_cast %get3A_25 : vector<1x1x1024x128xf32> to vector<1024x128xf32>
    %mul3A_27 = vector.broadcast %select_n3A : vector<1024x1xf32> to vector<1024x128xf32>
    %mul3A_28 = arith.mulf %get3A_26, %mul3A_27 : vector<1024x128xf32>
    %get3A_29 = arith.constant 0 : index
    %get3A_30 = arith.constant 128 : index
    %get3A_31 = arith.constant 0 : index
    %get3A_32 = vector.load %arg3[%get3A_29, %get3A_30, %get3A_31] : memref<4x256x256xf32, #tpu.memory_space<vmem>>, vector<1x128x256xf32>
    %get3A_33 = vector.shape_cast %get3A_32 : vector<1x128x256xf32> to vector<128x256xf32>
    %dot_general3A_34 = arith.constant dense<0.000000e+00> : vector<1024x256xf32>
    %dot_general3A_35 = tpu.matmul %mul3A_28, %get3A_33, %dot_general3A_34 {dimension_numbers = #tpu.dot_dimension_numbers<[1], [0], [0], [1], [0, 0, 1, 1], [], []>, transpose_lhs_hint = false} : vector<1024x128xf32>, vector<128x256xf32>, vector<1024x256xf32> -> vector<1024x256xf32>
    %add3A_36 = arith.addf %add3A, %dot_general3A_35 : vector<1024x256xf32>
    %slice3A_37 = vector.extract_strided_slice %get3A_1 {offsets = [0, 5], sizes = [1024, 1], strides = [1, 1]} : vector<1024x8xf32> to vector<1024x1xf32>
    %gt3A_38 = arith.constant 0.000000e+00 : f32
    %gt3A_39 = vector.broadcast %gt3A_38 : f32 to vector<1024x1xf32>
    %gt3A_40 = arith.cmpf ogt, %slice3A_37, %gt3A_39 : vector<1024x1xf32>
    %div3A_41 = arith.constant 1.000000e+00 : f32
    %div3A_42 = vector.broadcast %div3A_41 : f32 to vector<1024x1xf32>
    %div3A_43 = arith.divf %div3A_42, %slice3A_37 : vector<1024x1xf32>
    %jit3A_44 = arith.constant 1.000000e+00 : f32
    %broadcast_in_dim3A_45 = vector.broadcast %jit3A_44 : f32 to vector<1024x1xf32>
    %select_n3A_46 = arith.select %gt3A_40, %div3A_43, %broadcast_in_dim3A_45 : vector<1024x1xi1>, vector<1024x1xf32>
    %get3A_47 = arith.constant 1 : index
    %get3A_48 = arith.constant 0 : index
    %get3A_49 = arith.constant 0 : index
    %get3A_50 = arith.constant 0 : index
    %get3A_51 = vector.load %arg1[%get3A_47, %get3A_48, %get3A_49, %get3A_50] : memref<4x2x1024x128xf32, #tpu.memory_space<vmem>>, vector<1x1x1024x128xf32>
    %get3A_52 = vector.shape_cast %get3A_51 : vector<1x1x1024x128xf32> to vector<1024x128xf32>
    %mul3A_53 = vector.broadcast %select_n3A_46 : vector<1024x1xf32> to vector<1024x128xf32>
    %mul3A_54 = arith.mulf %get3A_52, %mul3A_53 : vector<1024x128xf32>
    %get3A_55 = arith.constant 1 : index
    %get3A_56 = arith.constant 0 : index
    %get3A_57 = arith.constant 0 : index
    %get3A_58 = vector.load %arg3[%get3A_55, %get3A_56, %get3A_57] : memref<4x256x256xf32, #tpu.memory_space<vmem>>, vector<1x128x256xf32>
    %get3A_59 = vector.shape_cast %get3A_58 : vector<1x128x256xf32> to vector<128x256xf32>
    %dot_general3A_60 = arith.constant dense<0.000000e+00> : vector<1024x256xf32>
    %dot_general3A_61 = tpu.matmul %mul3A_54, %get3A_59, %dot_general3A_60 {dimension_numbers = #tpu.dot_dimension_numbers<[1], [0], [0], [1], [0, 0, 1, 1], [], []>, transpose_lhs_hint = false} : vector<1024x128xf32>, vector<128x256xf32>, vector<1024x256xf32> -> vector<1024x256xf32>
    %add3A_62 = arith.addf %add3A_36, %dot_general3A_61 : vector<1024x256xf32>
    %get3A_63 = arith.constant 1 : index
    %get3A_64 = arith.constant 1 : index
    %get3A_65 = arith.constant 0 : index
    %get3A_66 = arith.constant 0 : index
    %get3A_67 = vector.load %arg1[%get3A_63, %get3A_64, %get3A_65, %get3A_66] : memref<4x2x1024x128xf32, #tpu.memory_space<vmem>>, vector<1x1x1024x128xf32>
    %get3A_68 = vector.shape_cast %get3A_67 : vector<1x1x1024x128xf32> to vector<1024x128xf32>
    %mul3A_69 = vector.broadcast %select_n3A_46 : vector<1024x1xf32> to vector<1024x128xf32>
    %mul3A_70 = arith.mulf %get3A_68, %mul3A_69 : vector<1024x128xf32>
    %get3A_71 = arith.constant 1 : index
    %get3A_72 = arith.constant 128 : index
    %get3A_73 = arith.constant 0 : index
    %get3A_74 = vector.load %arg3[%get3A_71, %get3A_72, %get3A_73] : memref<4x256x256xf32, #tpu.memory_space<vmem>>, vector<1x128x256xf32>
    %get3A_75 = vector.shape_cast %get3A_74 : vector<1x128x256xf32> to vector<128x256xf32>
    %dot_general3A_76 = arith.constant dense<0.000000e+00> : vector<1024x256xf32>
    %dot_general3A_77 = tpu.matmul %mul3A_70, %get3A_75, %dot_general3A_76 {dimension_numbers = #tpu.dot_dimension_numbers<[1], [0], [0], [1], [0, 0, 1, 1], [], []>, transpose_lhs_hint = false} : vector<1024x128xf32>, vector<128x256xf32>, vector<1024x256xf32> -> vector<1024x256xf32>
    %add3A_78 = arith.addf %add3A_62, %dot_general3A_77 : vector<1024x256xf32>
    %broadcast_in_dim3A_79 = arith.constant 0.000000e+00 : f32
    %broadcast_in_dim3A_80 = vector.broadcast %broadcast_in_dim3A_79 : f32 to vector<1024x256xf32>
    %slice3A_81 = vector.extract_strided_slice %get3A_1 {offsets = [0, 6], sizes = [1024, 1], strides = [1, 1]} : vector<1024x8xf32> to vector<1024x1xf32>
    %gt3A_82 = arith.constant 0.000000e+00 : f32
    %gt3A_83 = vector.broadcast %gt3A_82 : f32 to vector<1024x1xf32>
    %gt3A_84 = arith.cmpf ogt, %slice3A_81, %gt3A_83 : vector<1024x1xf32>
    %div3A_85 = arith.constant 1.000000e+00 : f32
    %div3A_86 = vector.broadcast %div3A_85 : f32 to vector<1024x1xf32>
    %div3A_87 = arith.divf %div3A_86, %slice3A_81 : vector<1024x1xf32>
    %jit3A_88 = arith.constant 1.000000e+00 : f32
    %broadcast_in_dim3A_89 = vector.broadcast %jit3A_88 : f32 to vector<1024x1xf32>
    %select_n3A_90 = arith.select %gt3A_84, %div3A_87, %broadcast_in_dim3A_89 : vector<1024x1xi1>, vector<1024x1xf32>
    %get3A_91 = arith.constant 2 : index
    %get3A_92 = arith.constant 0 : index
    %get3A_93 = arith.constant 0 : index
    %get3A_94 = arith.constant 0 : index
    %get3A_95 = vector.load %arg1[%get3A_91, %get3A_92, %get3A_93, %get3A_94] : memref<4x2x1024x128xf32, #tpu.memory_space<vmem>>, vector<1x1x1024x128xf32>
    %get3A_96 = vector.shape_cast %get3A_95 : vector<1x1x1024x128xf32> to vector<1024x128xf32>
    %mul3A_97 = vector.broadcast %select_n3A_90 : vector<1024x1xf32> to vector<1024x128xf32>
    %mul3A_98 = arith.mulf %get3A_96, %mul3A_97 : vector<1024x128xf32>
    %get3A_99 = arith.constant 2 : index
    %get3A_100 = arith.constant 0 : index
    %get3A_101 = arith.constant 0 : index
    %get3A_102 = vector.load %arg3[%get3A_99, %get3A_100, %get3A_101] : memref<4x256x256xf32, #tpu.memory_space<vmem>>, vector<1x128x256xf32>
    %get3A_103 = vector.shape_cast %get3A_102 : vector<1x128x256xf32> to vector<128x256xf32>
    %dot_general3A_104 = arith.constant dense<0.000000e+00> : vector<1024x256xf32>
    %dot_general3A_105 = tpu.matmul %mul3A_98, %get3A_103, %dot_general3A_104 {dimension_numbers = #tpu.dot_dimension_numbers<[1], [0], [0], [1], [0, 0, 1, 1], [], []>, transpose_lhs_hint = false} : vector<1024x128xf32>, vector<128x256xf32>, vector<1024x256xf32> -> vector<1024x256xf32>
    %add3A_106 = arith.addf %broadcast_in_dim3A_80, %dot_general3A_105 : vector<1024x256xf32>
    %get3A_107 = arith.constant 2 : index
    %get3A_108 = arith.constant 1 : index
    %get3A_109 = arith.constant 0 : index
    %get3A_110 = arith.constant 0 : index
    %get3A_111 = vector.load %arg1[%get3A_107, %get3A_108, %get3A_109, %get3A_110] : memref<4x2x1024x128xf32, #tpu.memory_space<vmem>>, vector<1x1x1024x128xf32>
    %get3A_112 = vector.shape_cast %get3A_111 : vector<1x1x1024x128xf32> to vector<1024x128xf32>
    %mul3A_113 = vector.broadcast %select_n3A_90 : vector<1024x1xf32> to vector<1024x128xf32>
    %mul3A_114 = arith.mulf %get3A_112, %mul3A_113 : vector<1024x128xf32>
    %get3A_115 = arith.constant 2 : index
    %get3A_116 = arith.constant 128 : index
    %get3A_117 = arith.constant 0 : index
    %get3A_118 = vector.load %arg3[%get3A_115, %get3A_116, %get3A_117] : memref<4x256x256xf32, #tpu.memory_space<vmem>>, vector<1x128x256xf32>
    %get3A_119 = vector.shape_cast %get3A_118 : vector<1x128x256xf32> to vector<128x256xf32>
    %dot_general3A_120 = arith.constant dense<0.000000e+00> : vector<1024x256xf32>
    %dot_general3A_121 = tpu.matmul %mul3A_114, %get3A_119, %dot_general3A_120 {dimension_numbers = #tpu.dot_dimension_numbers<[1], [0], [0], [1], [0, 0, 1, 1], [], []>, transpose_lhs_hint = false} : vector<1024x128xf32>, vector<128x256xf32>, vector<1024x256xf32> -> vector<1024x256xf32>
    %add3A_122 = arith.addf %add3A_106, %dot_general3A_121 : vector<1024x256xf32>
    %slice3A_123 = vector.extract_strided_slice %get3A_1 {offsets = [0, 7], sizes = [1024, 1], strides = [1, 1]} : vector<1024x8xf32> to vector<1024x1xf32>
    %gt3A_124 = arith.constant 0.000000e+00 : f32
    %gt3A_125 = vector.broadcast %gt3A_124 : f32 to vector<1024x1xf32>
    %gt3A_126 = arith.cmpf ogt, %slice3A_123, %gt3A_125 : vector<1024x1xf32>
    %div3A_127 = arith.constant 1.000000e+00 : f32
    %div3A_128 = vector.broadcast %div3A_127 : f32 to vector<1024x1xf32>
    %div3A_129 = arith.divf %div3A_128, %slice3A_123 : vector<1024x1xf32>
    %jit3A_130 = arith.constant 1.000000e+00 : f32
    %broadcast_in_dim3A_131 = vector.broadcast %jit3A_130 : f32 to vector<1024x1xf32>
    %select_n3A_132 = arith.select %gt3A_126, %div3A_129, %broadcast_in_dim3A_131 : vector<1024x1xi1>, vector<1024x1xf32>
    %get3A_133 = arith.constant 3 : index
    %get3A_134 = arith.constant 0 : index
    %get3A_135 = arith.constant 0 : index
    %get3A_136 = arith.constant 0 : index
    %get3A_137 = vector.load %arg1[%get3A_133, %get3A_134, %get3A_135, %get3A_136] : memref<4x2x1024x128xf32, #tpu.memory_space<vmem>>, vector<1x1x1024x128xf32>
    %get3A_138 = vector.shape_cast %get3A_137 : vector<1x1x1024x128xf32> to vector<1024x128xf32>
    %mul3A_139 = vector.broadcast %select_n3A_132 : vector<1024x1xf32> to vector<1024x128xf32>
    %mul3A_140 = arith.mulf %get3A_138, %mul3A_139 : vector<1024x128xf32>
    %get3A_141 = arith.constant 3 : index
    %get3A_142 = arith.constant 0 : index
    %get3A_143 = arith.constant 0 : index
    %get3A_144 = vector.load %arg3[%get3A_141, %get3A_142, %get3A_143] : memref<4x256x256xf32, #tpu.memory_space<vmem>>, vector<1x128x256xf32>
    %get3A_145 = vector.shape_cast %get3A_144 : vector<1x128x256xf32> to vector<128x256xf32>
    %dot_general3A_146 = arith.constant dense<0.000000e+00> : vector<1024x256xf32>
    %dot_general3A_147 = tpu.matmul %mul3A_140, %get3A_145, %dot_general3A_146 {dimension_numbers = #tpu.dot_dimension_numbers<[1], [0], [0], [1], [0, 0, 1, 1], [], []>, transpose_lhs_hint = false} : vector<1024x128xf32>, vector<128x256xf32>, vector<1024x256xf32> -> vector<1024x256xf32>
    %add3A_148 = arith.addf %add3A_122, %dot_general3A_147 : vector<1024x256xf32>
    %get3A_149 = arith.constant 3 : index
    %get3A_150 = arith.constant 1 : index
    %get3A_151 = arith.constant 0 : index
    %get3A_152 = arith.constant 0 : index
    %get3A_153 = vector.load %arg1[%get3A_149, %get3A_150, %get3A_151, %get3A_152] : memref<4x2x1024x128xf32, #tpu.memory_space<vmem>>, vector<1x1x1024x128xf32>
    %get3A_154 = vector.shape_cast %get3A_153 : vector<1x1x1024x128xf32> to vector<1024x128xf32>
    %mul3A_155 = vector.broadcast %select_n3A_132 : vector<1024x1xf32> to vector<1024x128xf32>
    %mul3A_156 = arith.mulf %get3A_154, %mul3A_155 : vector<1024x128xf32>
    %get3A_157 = arith.constant 3 : index
    %get3A_158 = arith.constant 128 : index
    %get3A_159 = arith.constant 0 : index
    %get3A_160 = vector.load %arg3[%get3A_157, %get3A_158, %get3A_159] : memref<4x256x256xf32, #tpu.memory_space<vmem>>, vector<1x128x256xf32>
    %get3A_161 = vector.shape_cast %get3A_160 : vector<1x128x256xf32> to vector<128x256xf32>
    %dot_general3A_162 = arith.constant dense<0.000000e+00> : vector<1024x256xf32>
    %dot_general3A_163 = tpu.matmul %mul3A_156, %get3A_161, %dot_general3A_162 {dimension_numbers = #tpu.dot_dimension_numbers<[1], [0], [0], [1], [0, 0, 1, 1], [], []>, transpose_lhs_hint = false} : vector<1024x128xf32>, vector<128x256xf32>, vector<1024x256xf32> -> vector<1024x256xf32>
    %add3A_164 = arith.addf %add3A_148, %dot_general3A_163 : vector<1024x256xf32>
    %get3A_165 = arith.constant 0 : index
    %get3A_166 = arith.constant 0 : index
    %get3A_167 = vector.load %arg5[%get3A_165, %get3A_166] : memref<256x256xf32, #tpu.memory_space<vmem>>, vector<256x256xf32>
    %dot_general3A_168 = arith.constant dense<0.000000e+00> : vector<1024x256xf32>
    %dot_general3A_169 = tpu.matmul %add3A_78, %get3A_167, %dot_general3A_168 {dimension_numbers = #tpu.dot_dimension_numbers<[1], [0], [0], [1], [0, 0, 1, 1], [], []>, transpose_lhs_hint = false} : vector<1024x256xf32>, vector<256x256xf32>, vector<1024x256xf32> -> vector<1024x256xf32>
    %get3A_170 = arith.constant 0 : index
    %get3A_171 = arith.constant 0 : index
    %get3A_172 = vector.load %arg7[%get3A_170, %get3A_171] : memref<1x256xf32, #tpu.memory_space<vmem>>, vector<1x256xf32>
    %add3A_173 = vector.broadcast %get3A_172 : vector<1x256xf32> to vector<1024x256xf32>
    %add3A_174 = arith.addf %dot_general3A_169, %add3A_173 : vector<1024x256xf32>
    %swap3A = arith.constant 0 : index
    %swap3A_175 = arith.constant 0 : index
    %swap3A_176 = vector.load %arg9[%swap3A, %swap3A_175] : memref<1024x256xf32, #tpu.memory_space<vmem>>, vector<1024x256xf32>
    tpu.vector_store %arg9[%swap3A, %swap3A_175], %add3A_174 {strides = array<i32>} : memref<1024x256xf32, #tpu.memory_space<vmem>>, vector<1024x256xf32>,
    %get3A_177 = arith.constant 0 : index
    %get3A_178 = arith.constant 0 : index
    %get3A_179 = vector.load %arg4[%get3A_177, %get3A_178] : memref<256x256xf32, #tpu.memory_space<vmem>>, vector<256x256xf32>
    %dot_general3A_180 = arith.constant dense<0.000000e+00> : vector<1024x256xf32>
    %dot_general3A_181 = tpu.matmul %add3A_164, %get3A_179, %dot_general3A_180 {dimension_numbers = #tpu.dot_dimension_numbers<[1], [0], [0], [1], [0, 0, 1, 1], [], []>, transpose_lhs_hint = false} : vector<1024x256xf32>, vector<256x256xf32>, vector<1024x256xf32> -> vector<1024x256xf32>
    %get3A_182 = arith.constant 0 : index
    %get3A_183 = arith.constant 0 : index
    %get3A_184 = vector.load %arg6[%get3A_182, %get3A_183] : memref<1x256xf32, #tpu.memory_space<vmem>>, vector<1x256xf32>
    %add3A_185 = vector.broadcast %get3A_184 : vector<1x256xf32> to vector<1024x256xf32>
    %add3A_186 = arith.addf %dot_general3A_181, %add3A_185 : vector<1024x256xf32>
    %swap3A_187 = arith.constant 0 : index
    %swap3A_188 = arith.constant 0 : index
    %swap3A_189 = vector.load %arg8[%swap3A_187, %swap3A_188] : memref<1024x256xf32, #tpu.memory_space<vmem>>, vector<1024x256xf32>
    tpu.vector_store %arg8[%swap3A_187, %swap3A_188], %add3A_186 {strides = array<i32>} : memref<1024x256xf32, #tpu.memory_space<vmem>>, vector<1024x256xf32>,
    return
  }
  func.func @transform_0(%arg0: i32) -> (i32, i32, i32, i32) {
    %c0_i32 = arith.constant 0 : i32
    %c0_i32_0 = arith.constant 0 : i32
    %c0_i32_1 = arith.constant 0 : i32
    %c0_i32_2 = arith.constant 0 : i32
    return %c0_i32, %c0_i32_0, %arg0, %c0_i32_1 : i32, i32, i32, i32
  }
  func.func @transform_1(%arg0: i32) -> (i32, i32) {
    %c0_i32 = arith.constant 0 : i32
    %c0_i32_0 = arith.constant 0 : i32
    return %arg0, %c0_i32 : i32, i32
  }
  func.func @transform_2(%arg0: i32) -> (i32, i32, i32) {
    %c0_i32 = arith.constant 0 : i32
    %c0_i32_0 = arith.constant 0 : i32
    %c0_i32_1 = arith.constant 0 : i32
    %c0_i32_2 = arith.constant 0 : i32
    return %c0_i32, %c0_i32_0, %c0_i32_1 : i32, i32, i32
  }
  func.func @transform_3(%arg0: i32) -> (i32, i32) {
    %c0_i32 = arith.constant 0 : i32
    %c0_i32_0 = arith.constant 0 : i32
    %c0_i32_1 = arith.constant 0 : i32
    return %c0_i32, %c0_i32_0 : i32, i32
  }
  func.func @transform_4(%arg0: i32) -> (i32, i32) {
    %c0_i32 = arith.constant 0 : i32
    %c0_i32_0 = arith.constant 0 : i32
    %c0_i32_1 = arith.constant 0 : i32
    return %c0_i32, %c0_i32_0 : i32, i32
  }
  func.func @transform_5(%arg0: i32) -> (i32, i32) {
    %c0_i32 = arith.constant 0 : i32
    %c0_i32_0 = arith.constant 0 : i32
    %c0_i32_1 = arith.constant 0 : i32
    return %c0_i32, %c0_i32_0 : i32, i32
  }
  func.func @transform_6(%arg0: i32) -> (i32, i32) {
    %c0_i32 = arith.constant 0 : i32
    %c0_i32_0 = arith.constant 0 : i32
    %c0_i32_1 = arith.constant 0 : i32
    return %c0_i32, %c0_i32_0 : i32, i32
  }
  func.func @transform_7(%arg0: i32) -> (i32, i32) {
    %c0_i32 = arith.constant 0 : i32
    %c0_i32_0 = arith.constant 0 : i32
    return %arg0, %c0_i32 : i32, i32
  }
  func.func @transform_8(%arg0: i32) -> (i32, i32) {
    %c0_i32 = arith.constant 0 : i32
    %c0_i32_0 = arith.constant 0 : i32
    return %arg0, %c0_i32 : i32, i32
  }
}

</mosaic_0001>

<sc_bundles>
// kernel: kernel.6.cloned.1.call-start
scs
__scs_entry_jumppad:
0x0: {  	(pc) =	sbr.rel $0x88, $3  }
0x1: {  	(tag) =	ssettag $0x0;
	lr =	simm.s32 $0x1  }
0x2: {  	[smem:$0x3F93] =	sst lr;
	_ =	strace $0xD0000000  }
0x3: {  	_ = 	snop  }
0x4: {  	_ = 	snop  }
0x5: {  	_ = 	snop  }
0x6: {  	_ = 	snop  }
0x7: {  	_ = 	snop  }
__scs_overlays_trampoline_lowered:
0x8: {  	[smem:$0x3FA2] =	sst s0  }
0x9: {  	[smem:$0x3FA3] =	sst s1  }
0xa: {  	[smem:$0x3FA4] =	sst s2  }
0xb: {  	[smem:$0x3FA5] =	sst s3  }
0xc: {  	[smem:$0x3FA6] =	sst s4  }
0xd: {  	[smem:$0x3FA7] =	sst s5  }
0xe: {  	[smem:$0x3FA8] =	sst s6  }
0xf: {  	[smem:$0x3FA9] =	sst s7  }
0x10: {  	[smem:$0x3FAA] =	sst s8  }
0x11: {  	[smem:$0x3FAB] =	sst s9;
	s0 =	simm.s32 @!p0 $0x0  }
0x12: {  	s1 =	sld [smem:$0x3F91];
	s0 =	simm.s32 @p0 $0x1  }
0x13: {  	[smem:$0x3FAC] =	sst s0;
	s0 =	simm.s32 @!p1 $0x0  }
0x14: {  	s2 =	sld [smem:$0x3F90];
	s0 =	simm.s32 @p1 $0x1  }
0x15: {  	[smem:$0x3FAD] =	sst s0;
	s0 =	simm.s32 @!p2 $0x0  }
0x16: {  	s3 =	sld [smem:$0x3FDB];
	s0 =	simm.s32 @p2 $0x1  }
0x17: {  	s4 =	simm.s32 $0x1BF5;
	[smem:$0x3FAF] =	sst s0  }
0x18: {  	s0 =	sld [smem:$0x3F92];
	_ =	swait.ge [sflag:s4], $0x0  }
0x19: {  	s7 =	sld [smem:$0x3F93]  }
0x1a: {  	s8 =	sadd.s32 $0xFFFFE003, lr  }
0x1b: {  	s9 =	sadd.s32 $0xFFFFFEF7, lr;
	s5 =	simm.s32 $0xFFFFFFFF;
	p2 =	slt.u32 s8, $0xFFFFF086  }
0x1c: {  	p1 =	slt.u32 s9, $0xF7A;
	s5 =	simm.s32 @!p2 $0x0  }
0x1d: {  	s5 =	simm.s32 @p1 $0x1;
	p0 =	seq.s32 s7, s2  }
0x1e: {  	s7 =	smul.u32 @!p0 $0xF7A, s2;
	p2 =	seq.s32 @!p0 s5, $0x0  }
0x1f: {  	s9 =	smul.u32 $0xF7A, s1;
	s8 =	simm.s32 @!p0 $0x1BF5;
	p2 =	por !p2, p0  }
0x20: {  	[sflag:s8] =	ssyncset.s32 @!p0 $0xFFFFF086;
	s6 =	sadd.s32 @!p0 s3, s7;
	s7 =	simm.s32 @!p0 $0x108  }
0x21: {  	s3 =	sadd.s32 s3, s9;
	s6 =	sadd.s32 @!p0 $0x88, s6;
	s7 =	simm.s32 @p2 $0x1082  }
0x22: {  	[simem:s7], [sflag:s8] =	dma.local @!p0 [hbm:s6], $0xF7A  }
0x23: {  	s9 =	sor.u32 $0xD0000000, s2;
	s6 =	simm.s32 $0x108;
	_ =	swait.ge @!p0 [sflag:s8], $0x0  }
0x24: {  	s3 =	sadd.s32 $0x88, s3;
	s6 =	simm.s32 @!p1 $0x1082;
	[sflag:s4] =	ssyncset.s32 $0xFFFFF086  }
0x25: {  	[simem:s6], [sflag:s4] =	dma.local [hbm:s3], $0xF7A  }
0x26: {  	[smem:$0x3F93] =	sst s1;
	(tag) =	ssettag s2;
	_ =	strace s9  }
0x27: {  	s1 =	sld [smem:$0x3FA3]  }
0x28: {  	s2 =	sld [smem:$0x3FA4]  }
0x29: {  	s4 =	sld [smem:$0x3FA6]  }
0x2a: {  	p0 =	seq.s32 s5, $0x0;
	s5 =	sld [smem:$0x3FA7]  }
0x2b: {  	s6 =	sld [smem:$0x3FA8]  }
0x2c: {  	s7 =	sld [smem:$0x3FA9]  }
0x2d: {  	s3 =	simm.s32 $0x108;
	s8 =	sld [smem:$0x3FAA]  }
0x2e: {  	s3 =	simm.s32 @!p0 $0x1082;
	s9 =	sld [smem:$0x3FAB]  }
0x2f: {  	lr =	sadd.s32 s0, s3;
	s0 =	sld [smem:$0x3FA2]  }
0x30: {  	s3 =	sld [smem:$0x3FA5]  }
0x31: {  	[smem:$0x3FAE] =	sst s10  }
0x32: {  	s10 =	sld [smem:$0x3FAC];
	_ =	sdelay $0x3  }
0x33: {  	p0 =	seq.s32 s10, $0x1;
	s10 =	sld [smem:$0x3FAE];
	_ =	sdelay $0x3  }
0x34: {  	[smem:$0x3FAE] =	sst s10  }
0x35: {  	s10 =	sld [smem:$0x3FAD];
	_ =	sdelay $0x3  }
0x36: {  	p1 =	seq.s32 s10, $0x1;
	s10 =	sld [smem:$0x3FAE];
	_ =	sdelay $0x3  }
0x37: {  	[smem:$0x3FAE] =	sst s10  }
0x38: {  	s10 =	sld [smem:$0x3FAF]  }
0x39: {  	_ = 	snop;
	(pc) =	sbr.ind lr, $3  }
0x3a: {  	_ = 	snop  }
0x3b: {  	_ = 	snop  }
0x3c: {  	p2 =	seq.s32 s10, $0x1;
	s10 =	sld [smem:$0x3FAE]  }
0x3d: {  	_ =	shalt  }
0x3e: {  	_ =	shalt  }
0x3f: {  	_ =	shalt  }
0x40: {  	_ =	shalt  }
0x41: {  	_ =	shalt  }
0x42: {  	_ =	shalt  }
0x43: {  	_ =	shalt  }
0x44: {  	_ =	shalt  }
0x45: {  	_ =	shalt  }
0x46: {  	_ =	shalt  }
0x47: {  	_ =	shalt  }
0x48: {  	_ =	shalt  }
0x49: {  	_ =	shalt  }
0x4a: {  	_ =	shalt  }
0x4b: {  	_ =	shalt  }
0x4c: {  	_ =	shalt  }
0x4d: {  	_ =	shalt  }
0x4e: {  	_ =	shalt  }
0x4f: {  	_ =	shalt  }
0x50: {  	_ =	shalt  }
0x51: {  	_ =	shalt  }
0x52: {  	_ =	shalt  }
0x53: {  	_ =	shalt  }
0x54: {  	_ =	shalt  }
0x55: {  	_ =	shalt  }
0x56: {  	_ =	shalt  }
0x57: {  	_ =	shalt  }
0x58: {  	_ =	shalt  }
0x59: {  	_ =	shalt  }
0x5a: {  	_ =	shalt  }
0x5b: {  	_ =	shalt  }
0x5c: {  	_ =	shalt  }
0x5d: {  	_ =	shalt  }
0x5e: {  	_ =	shalt  }
0x5f: {  	_ =	shalt  }
0x60: {  	_ =	shalt  }
0x61: {  	_ =	shalt  }
0x62: {  	_ =	shalt  }
0x63: {  	_ =	shalt  }
0x64: {  	_ =	shalt  }
0x65: {  	_ =	shalt  }
0x66: {  	_ =	shalt  }
0x67: {  	_ =	shalt  }
0x68: {  	_ =	shalt  }
0x69: {  	_ =	shalt  }
0x6a: {  	_ =	shalt  }
0x6b: {  	_ =	shalt  }
0x6c: {  	_ =	shalt  }
0x6d: {  	_ =	shalt  }
0x6e: {  	_ =	shalt  }
0x6f: {  	_ =	shalt  }
0x70: {  	_ =	shalt  }
0x71: {  	_ =	shalt  }
0x72: {  	_ =	shalt  }
0x73: {  	_ =	shalt  }
0x74: {  	_ =	shalt  }
0x75: {  	_ =	shalt  }
0x76: {  	_ =	shalt  }
0x77: {  	_ =	shalt  }
0x78: {  	_ =	shalt  }
0x79: {  	_ =	shalt  }
0x7a: {  	_ =	shalt  }
0x7b: {  	_ =	shalt  }
0x7c: {  	_ =	shalt  }
0x7d: {  	_ =	shalt  }
0x7e: {  	_ =	shalt  }
0x7f: {  	_ =	shalt  }
0x80: {  	_ =	shalt  }
0x81: {  	_ =	shalt  }
0x82: {  	_ =	shalt  }
0x83: {  	_ =	shalt  }
0x84: {  	_ =	shalt  }
0x85: {  	_ =	shalt  }
0x86: {  	_ =	shalt  }
0x87: {  	_ =	shalt  }
.Lfunc_end0:
.L_simem_size_0:
called_computation_lowered:
.L_overlay_start_0:
0x88: {  	s2 =	sld [smem:$0x3FD9]  }
0x89: {  	s3 =	sld [smem:$0x3FFE];
	_ =	sdelay $0x1  }
0x8a: {  	s1 =	srdreg.scid  }
0x8b: {  	s0 =	sand.u32 $0x1, s1  }
0x8c: {  	s14 =	sshll.u32 s0, $0xA;
	s2 =	sadd.s32 s3, s2  }
0x8d: {  	s2 =	sadd.s32 s2, s14  }
0x8e: {  	[smem:$0x3FBA] =	sst s2  }
0x8f: {  	_ = 	snop  }
0x90: {  	s2 =	sld [smem:$0x3FD0];
	_ =	sdelay $0x2  }
0x91: {  	s15 =	simm.s32 $0xA;
	s4 =	simm.s32 $0x10  }
0x92: {  	[smem:s4], [sflag:s15] =	dma.local [hbm:s2], $0x1  }
0x93: {  	_ =	swait.eq [sflag:s15], $0x1  }
0x94: {  	[sflag:s15] =	ssyncset.done $0x0  }
0x95: {  	s16 =	sld [smem:$0x10];
	[sflag:s15] =	ssyncadd.s32 $0xFFFFFFFF  }
0x96: {  	s17 =	sld [smem:$0x11];
	(tm) =	ssettm $0x1  }
0x97: {  	s18 =	sld [smem:$0x3FFB];
	_ =	sdelay $0x3  }
0x98: {  	_ =	strace s18  }
0x99: {  	s4 =	sld [smem:$0x3FFC];
	_ =	sdelay $0x3  }
0x9a: {  	_ =	strace s4  }
0x9b: {  	s4 =	sld [smem:$0x3FFD];
	_ =	sdelay $0x3  }
0x9c: {  	_ =	strace s4  }
0x9d: {  	_ =	strace $0x8FFFFFFF  }
0x9e: {  	s19 =	sld [smem:$0x3FDB];
	_ =	sdelay $0x1  }
0x9f: {  	s5 =	simm.s32 $_scs_section_size  }
0xa0: {  	s6 =	simm.s32 $_size__tile_overlayer_lowered;
	s7 =	simm.s32 $_tile_overlayer_lowered  }
0xa1: {  	s22 =	simm.s32 $0x1BFF;
	s21 =	sshll.u32 s7, $0x1;
	s4 =	sadd.s32 s5, s19  }
0xa2: {  	s8 =	simm.s32 $0x0;
	s20 =	sshll.u32 s6, $0x1;
	s6 =	sadd.s32 s21, s4  }
0xa3: {  	[timem:s8], [sflag:s22] =	dma.local [hbm:s6], s20  }
0xa4: {  	_ =	swait.ge [sflag:s22], s20  }
0xa5: {  	s5 =	ssub.s32 $0x0, s20;
	[sflag:s22] =	ssyncset.done $0x0  }
0xa6: {  	[sflag:s22] =	ssyncadd.s32 s5;
	_ =	sdelay $0x1  }
0xa7: {  	s23 =	simm.s32 $0x1B8B  }
0xa8: {  	_ =	swait.ge [sflag:s23], $0x1  }
0xa9: {  	[sflag:s23] =	ssyncset.done $0x0  }
0xaa: {  	s25 =	simm.s32 $0x1B8E;
	s24 =	sld [smem:$0x3FFE];
	[sflag:s23] =	ssyncadd.s32 $0xFFFFFFFF  }
0xab: {  	s26 =	simm.s32 $execute0_lowered;
	[smem:$0x3FD2] =	sst s25  }
0xac: {  	s6 =	sshll.u32 s26, $0x1;
	_ =	strace $0x80000046;
	[dreg:$0x1] =	wrdreg $0xFFFFFFFF  }
0xad: {  	s28 =	simm.s32 $_size_execute0_lowered;
	s4 =	sadd.s32 s4, s6;
	[dreg:$0x0] =	wrdreg $0x0  }
0xae: {  	s6 =	sshll.u32 s28, $0x1;
	[dreg:$0x2] =	wrdreg s4  }
0xaf: {  	[dreg:$0x3] =	wrdreg s6  }
0xb0: {  	[dreg:$0x4] =	wrdreg $0xC0  }
0xb1: {  	_ =	task [dreg:s8], $0x5FFFF  }
0xb2: {  	[dreg:$0x1] =	wrdreg $0xFFFFFFFF  }
0xb3: {  	[dreg:$0x0] =	wrdreg $0x60  }
0xb4: {  	[dreg:$0x2] =	wrdreg s16  }
0xb5: {  	[dreg:$0x3] =	wrdreg s24  }
0xb6: {  	[dreg:$0x4] =	wrdreg s17  }
0xb7: {  	[dreg:$0x5] =	wrdreg $0x0  }
0xb8: {  	[dreg:$0x6] =	wrdreg $0x28000  }
0xb9: {  	[dreg:$0x7] =	wrdreg $0x50000  }
0xba: {  	[dreg:$0x8] =	wrdreg $0x78000  }
0xbb: {  	[dreg:$0x9] =	wrdreg $0x9  }
0xbc: {  	_ =	task.clear_ibuf [dreg:s8], $0xAFFFF;
	_ =	strace $0x90000046  }
0xbd: {  	s29 =	simm.s32 $0x9;
	_ =	strace $0x80000048  }
0xbe: {  	_ =	swait.ge [sflag:s29], $0x1  }
0xbf: {  	[sflag:s29] =	ssyncadd.s32 $0xFFFFFFFF  }
0xc0: {  	_ =	strace $0x90000048  }
0xc1: {  	_ =	sfence  }
0xc2: {  	s30 =	sld [smem:$0x0];
	_ =	sdelay $0x2  }
0xc3: {  	s31 =	sshll.u32 s1, $0xD;
	s1 =	sshrl.u32 s1, $0x2  }
0xc4: {  	s3 =	sand.u32 $0x4000, s31;
	s1 =	sadd.s32 s1, s30  }
0xc5: {  	s0 =	sor.u32 s3, s0;
	s1 =	sshll.u32 s1, $0x11  }
0xc6: {  	s0 =	sor.u32 s1, s0  }
0xc7: {  	s0 =	sadd.s32 $0x8F2B, s0  }
0xc8: {  	[sflag:s0] =	ssyncadd.remote.s32 $0x1  }
0xc9: {  	_ =	sfence.sel $0xFFFF  }
0xca: {  	[dreg:$0x0] =	wrdreg $0xFFFFFFFF;
	(pc) =	sbr.abs _section_cstart, $3  }
0xcb: {  	[dreg:$0x1] =	wrdreg $0xFFFFFFFF  }
0xcc: {  	_ =	task.clear_ibuf [dreg:s8], $0x2FFFF;
	_ =	strace $0x9FFFFFFF  }
0xcd: {  	(tm) =	ssettm $0x7FFFFFFF  }
tec
execute0_lowered:
.L_overlay_start_1:
0x0: {  	(tag) =	ssettag $0x1  }
0x1: {  	s0 =	rddreg [dreg:$0x0]  }
0x2: {  	s1 =	rddreg [dreg:$0x1]  }
0x3: {  	s7 =	rddreg [dreg:$0x2]  }
0x4: {  	s2 =	rddreg [dreg:$0x3]  }
0x5: {  	s3 =	rddreg [dreg:$0x4]  }
0x6: {  	s4 =	rddreg [dreg:$0x5]  }
0x7: {  	s5 =	rddreg [dreg:$0x6]  }
0x8: {  	s6 =	simm.s32 $0x0;
	s8 =	srdreg.scid;
	s12 =	stileid.u32  }
0x9: {  	s28 =	simm.s32 $0xD000;
	s29 =	simm.s32 $0x80;
	s30 =	simm.s32 $0x0  }
0xa: {  	[smem:$0x7FF] =	sst s6;
	s8 =	sand.u32 $0x1, s8;
	s16 =	smul.u32 $0x2800, s12  }
0xb: {  	s9 =	sadd.s32 $0x1B600, s1;
	s31 =	sadd.s32 $0x1B000, s1;
	s14 =	smul.u32 $0x4E2, s12  }
0xc: {  	_ =	strace $0x80000047;
	s10 =	ssub.s32 $0x2, s8;
	s18 =	smul.u32 $0xA0000, s8  }
0xd: {  	s15 =	sshll.u32 s8, $0x2;
	s26 =	sshllo.u32 s8, $0x2;
	s8 =	smul.u32 $0x9C400, s8  }
0xe: {  	s11 =	sshrl.u32 s10, $0x1;
	s12 =	sadd.s32 s16, s4;
	s13 =	sadd.s32 s16, s5  }
0xf: {  	s24 =	sshrl.u32 s14, $0x4;
	s14 =	sadd.s32 $0x4E2, s14;
	s17 =	sor.u32 $0x1, s15  }
0x10: {  	s22 =	sor.u32 $0x2, s15;
	s1 =	ssub.s32 s10, s11;
	s10 =	sadd.s32 s16, s2  }
0x11: {  	s11 =	sadd.s32 s16, s3;
	s25 =	sshrl.u32 s14, $0x4;
	s23 =	smul.u32 $0x28000, s17  }
0x12: {  	s18 =	sadd.s32 s16, s18;
	s17 =	smul.u32 $0x28000, s26;
	s26 =	sshll.u32 s24, $0x7  }
0x13: {  	s19 =	smul.u32 $0x28000, s22;
	s20 =	sshrl.u32 s18, $0x3;
	s18 =	sadd.s32 s26, s8  }
0x14: {  	s1 =	smax.u32 s1, $0x1;
	p0 =	sle.u32 s25, s24;
	s26 =	simm.s32 $0xA800  }
0x15: {  	s15 =	sadd.s32 s16, s23;
	s14 =	sadd.s32 s7, s20;
	s21 =	sadd.s32 s16, s19  }
.Ltmp0:
0x16: {  	s16 =	sadd.s32 s16, s17;
	s20 =	ssub.s32 s25, s24;
	(pc) =	sbr.rel .LBB2_1-.Ltmp0, $4  }
0x17: {  	s24 =	simm.s32 $0xA000;
	s25 =	simm.s32 $0x1;
	[dreg:$0x8] =	wrdreg s1  }
0x18: {  	s15 =	sshrl.u32 s15, $0x3;
	s22 =	sshrl.u32 s21, $0x3;
	s23 =	sshrl.u32 s16, $0x3  }
0x19: {  	s21 =	sadd.s32 $0x27100, s18;
	s15 =	sadd.s32 s7, s15;
	s17 =	sadd.s32 s7, s22  }
0x1a: {  	s7 =	sadd.s32 s7, s23;
	s22 =	sadd.s32 $0x4E200, s18;
	s23 =	sadd.s32 $0x75300, s18  }
.LBB2_14:
0x1b: {  	s31 =	smov.u32 s14  }
.LBB2_19:
0x1c: {  	s1 =	sadd.s32 s0, s8;
	[sflag:s25] =	ssyncadd.s32 @p2 $0xFFFFF800  }
0x1d: {  	[tilespmem:s28], [sflag:$0x1] =	stream.linear.gather [hbm4b:s1+s6], $0x80, $0x38;
	[tilespmem:$0xD080] =	vst v63  }
0x1e: {  	_ =	swait.ge [sflag:s25], $0x80  }
0x1f: {  	[sflag:s25] =	ssyncset.done $0x0  }
0x20: {  	[sflag:s25] =	ssyncadd.s32 $0xFFFFFF80  }
0x21: {  	[spmem:s5] =	stream.indirect.scatter.add.f32 [tilespmem:s24], [sflag:$0x1], $0x10, s28, s29, $0xb8;
	[tilespmem:$0xD080] =	vst v63  }
0x22: {  	_ =	swait.ge [sflag:s25], $0x800  }
0x23: {  	s14 =	smov.u32 s15;
	s15 =	smov.u32 s16;
	[sflag:s25] =	ssyncset.done $0x0  }
0x24: {  	s7 =	smov.u32 s19;
	s1 =	rddreg [dreg:$0x8];
	[sflag:s25] =	ssyncadd.s32 $0xFFFFF800  }
.LBB2_20:
0x25: {  	[bflag:$0x0] =	sbarrier.arrive $0xFFFF  }
0x26: {  	[tilespmem:s26], [sflag:$0x1] =	stream.linear.gather [spmem:s10], $0x2800, $0x38;
	[tilespmem:$0xD080] =	vst v63  }
0x27: {  	_ =	swait.ge [sflag:s25], $0x2800  }
0x28: {  	[sflag:s25] =	ssyncset.done $0x0  }
0x29: {  	[sflag:s25] =	ssyncadd.s32 $0xFFFFD800  }
0x2a: {  	[hbm4b:s14+s6] =	stream.linear.scatter [tilespmem:s26], [sflag:$0x1], $0x2800, $0x38;
	[tilespmem:$0xD080] =	vst v63  }
0x2b: {  	_ =	swait.ge [sflag:s25], $0x2800  }
0x2c: {  	[sflag:s25] =	ssyncset.done $0x0  }
0x2d: {  	[sflag:s25] =	ssyncadd.s32 $0xFFFFD800  }
0x2e: {  	[tilespmem:s26], [sflag:$0x1] =	stream.linear.gather [spmem:s11], $0x2800, $0x38;
	[tilespmem:$0xD080] =	vst v63  }
0x2f: {  	_ =	swait.ge [sflag:s25], $0x2800  }
0x30: {  	[sflag:s25] =	ssyncset.done $0x0  }
0x31: {  	[sflag:s25] =	ssyncadd.s32 $0xFFFFD800  }
0x32: {  	[hbm4b:s15+s6] =	stream.linear.scatter [tilespmem:s26], [sflag:$0x1], $0x2800, $0x38;
	[tilespmem:$0xD080] =	vst v63  }
0x33: {  	_ =	swait.ge [sflag:s25], $0x2800  }
0x34: {  	[sflag:s25] =	ssyncset.done $0x0  }
0x35: {  	[sflag:s25] =	ssyncadd.s32 $0xFFFFD800  }
0x36: {  	[tilespmem:s26], [sflag:$0x1] =	stream.linear.gather [spmem:s12], $0x2800, $0x38;
	[tilespmem:$0xD080] =	vst v63  }
0x37: {  	_ =	swait.ge [sflag:s25], $0x2800  }
0x38: {  	[sflag:s25] =	ssyncset.done $0x0  }
0x39: {  	[sflag:s25] =	ssyncadd.s32 $0xFFFFD800  }
0x3a: {  	[hbm4b:s17+s6] =	stream.linear.scatter [tilespmem:s26], [sflag:$0x1], $0x2800, $0x38;
	[tilespmem:$0xD080] =	vst v63  }
0x3b: {  	_ =	swait.ge [sflag:s25], $0x2800  }
0x3c: {  	[sflag:s25] =	ssyncset.done $0x0  }
0x3d: {  	[sflag:s25] =	ssyncadd.s32 $0xFFFFD800  }
0x3e: {  	[tilespmem:s26], [sflag:$0x1] =	stream.linear.gather [spmem:s13], $0x2800, $0x38;
	[tilespmem:$0xD080] =	vst v63  }
0x3f: {  	s30 =	sadd.s32 $0x1, s30;
	_ =	swait.ge [sflag:s25], $0x2800  }
0x40: {  	p1 =	sne.s32 s30, s1;
	[sflag:s25] =	ssyncset.done $0x0  }
.Ltmp1:
0x41: {  	[sflag:s25] =	ssyncadd.s32 $0xFFFFD800;
	(pc) =	sbr.rel @!p1 .LBB2_21-.Ltmp1, $4  }
0x42: {  	[hbm4b:s7+s6] =	stream.linear.scatter [tilespmem:s26], [sflag:$0x1], $0x2800, $0x38;
	[tilespmem:$0xD080] =	vst v63  }
0x43: {  	_ =	swait.ge [sflag:s25], $0x2800  }
0x44: {  	[sflag:s25] =	ssyncset.done $0x0  }
0x45: {  	[sflag:s25] =	ssyncadd.s32 $0xFFFFD800  }
.LBB2_1:
0x46: {  	[tilespmem:s24], [sflag:$0x1] =	stream.linear.gather [hbm4b:s9+s6], $0x800, $0x38;
	[tilespmem:$0xD080] =	vst v63  }
0x47: {  	_ =	swait.ge [sflag:s25], $0x800  }
0x48: {  	[sflag:s25] =	ssyncset.done $0x0  }
0x49: {  	[sflag:s25] =	ssyncadd.s32 $0xFFFFF800  }
0x4a: {  	[tilespmem:s26], [sflag:$0x1] =	stream.linear.gather [hbm4b:s31+s6], $0x2800, $0x38;
	[tilespmem:$0xD080] =	vst v63  }
0x4b: {  	_ =	swait.ge [sflag:s25], $0x2800  }
0x4c: {  	[sflag:s25] =	ssyncset.done $0x0  }
0x4d: {  	[sflag:s25] =	ssyncadd.s32 $0xFFFFD800  }
0x4e: {  	[spmem:s10] =	stream.linear.scatter [tilespmem:s26], [sflag:$0x1], $0x2800, $0x38;
	[tilespmem:$0xD080] =	vst v63  }
0x4f: {  	_ =	swait.ge [sflag:s25], $0x2800  }
0x50: {  	[sflag:s25] =	ssyncset.done $0x0  }
0x51: {  	[sflag:s25] =	ssyncadd.s32 $0xFFFFD800  }
0x52: {  	[spmem:s11] =	stream.linear.scatter [tilespmem:s26], [sflag:$0x1], $0x2800, $0x38;
	[tilespmem:$0xD080] =	vst v63  }
0x53: {  	_ =	swait.ge [sflag:s25], $0x2800  }
0x54: {  	[sflag:s25] =	ssyncset.done $0x0  }
0x55: {  	[sflag:s25] =	ssyncadd.s32 $0xFFFFD800  }
0x56: {  	[spmem:s12] =	stream.linear.scatter [tilespmem:s26], [sflag:$0x1], $0x2800, $0x38;
	[tilespmem:$0xD080] =	vst v63  }
0x57: {  	_ =	swait.ge [sflag:s25], $0x2800  }
0x58: {  	[sflag:s25] =	ssyncset.done $0x0  }
0x59: {  	[sflag:s25] =	ssyncadd.s32 $0xFFFFD800  }
0x5a: {  	[spmem:s13] =	stream.linear.scatter [tilespmem:s26], [sflag:$0x1], $0x2800, $0x38;
	[tilespmem:$0xD080] =	vst v63  }
.Ltmp2:
0x5b: {  	_ =	swait.ge [sflag:s25], $0x2800;
	(pc) =	sbr.rel @p0 .LBB2_20-.Ltmp2, $3  }
0x5c: {  	[sflag:s25] =	ssyncset.done $0x0  }
0x5d: {  	[sflag:s25] =	ssyncadd.s32 $0xFFFFD800  }
0x5e: {  	[bflag:$0x0] =	sbarrier.arrive $0xFFFF;
	_ =	sdelay $0x1  }
0x5f: {  	p1 =	sne.s32 s20, $0x1  }
.Ltmp3:
0x60: {  	_ = 	snop;
	(pc) =	sbr.rel @!p1 .LBB2_3-.Ltmp3, $4  }
0x61: {  	_ = 	snop  }
0x62: {  	s19 =	smov.u32 s7  }
0x63: {  	s16 =	smov.u32 s15;
	s15 =	smov.u32 s14;
	s14 =	smov.u32 s31  }
0x64: {  	s1 =	sadd.s32 $0xFFFFFFFF, s20;
	s7 =	sshrl.u32 s18, $0x3;
	p2 =	por $0x0, $0x0  }
0x65: {  	s7 =	sadd.s32 s0, s7  }
0x66: {  	[tilespmem:s28], [sflag:$0x1] =	stream.linear.gather [hbm4b:s7+s6], $0x80, $0x38;
	[tilespmem:$0xD080] =	vst v63  }
0x67: {  	p3 =	sne.s32 s1, $0x1;
	_ =	swait.ge [sflag:s25], $0x80  }
.Ltmp4:
0x68: {  	[sflag:s25] =	ssyncset.done $0x0;
	(pc) =	sbr.rel @!p3 .LBB2_6-.Ltmp4, $4  }
0x69: {  	[sflag:s25] =	ssyncadd.s32 $0xFFFFFF80  }
0x6a: {  	[spmem:s2] =	stream.indirect.scatter.add.f32 [tilespmem:s24], [sflag:$0x1], $0x10, s28, s29, $0xb8;
	[tilespmem:$0xD080] =	vst v63  }
0x6b: {  	s31 =	sadd.s32 $0xFFFFFFFF, s1;
	s1 =	sadd.s32 $0x80, s18;
	_ =	swait.ge [sflag:s25], $0x800  }
0x6c: {  	p1 =	por $0x1, $0x1;
	s7 =	sshrl.u32 s1, $0x3;
	[sflag:s25] =	ssyncset.done $0x0  }
.LBB2_5:
0x6d: {  	p3 =	sne.s32 s31, $0x1;
	s7 =	sadd.s32 s0, s7;
	[sflag:s25] =	ssyncadd.s32 $0xFFFFF800  }
0x6e: {  	[tilespmem:s28], [sflag:$0x1] =	stream.linear.gather [hbm4b:s7+s6], $0x80, $0x38;
	[tilespmem:$0xD080] =	vst v63  }
0x6f: {  	s31 =	sadd.s32 $0xFFFFFFFF, s31;
	_ =	swait.ge [sflag:s25], $0x80  }
.Ltmp5:
0x70: {  	[sflag:s25] =	ssyncset.done $0x0;
	(pc) =	sbr.rel @p3 .LBB2_5-.Ltmp5, $4  }
0x71: {  	[sflag:s25] =	ssyncadd.s32 $0xFFFFFF80  }
0x72: {  	[spmem:s2] =	stream.indirect.scatter.add.f32 [tilespmem:s24], [sflag:$0x1], $0x10, s28, s29, $0xb8;
	[tilespmem:$0xD080] =	vst v63  }
0x73: {  	s1 =	sadd.s32 $0x80, s1;
	_ =	swait.ge [sflag:s25], $0x800  }
0x74: {  	s7 =	sshrl.u32 s1, $0x3;
	[sflag:s25] =	ssyncset.done $0x0  }
.LBB2_6:
0x75: {  	s1 =	sadd.s32 s0, s7;
	[sflag:s25] =	ssyncadd.s32 @p1 $0xFFFFF800  }
0x76: {  	[tilespmem:s28], [sflag:$0x1] =	stream.linear.gather [hbm4b:s1+s6], $0x80, $0x38;
	[tilespmem:$0xD080] =	vst v63  }
0x77: {  	_ =	swait.ge [sflag:s25], $0x80  }
0x78: {  	p1 =	sne.s32 s20, $0x1;
	[sflag:s25] =	ssyncset.done $0x0  }
.Ltmp6:
0x79: {  	[sflag:s25] =	ssyncadd.s32 $0xFFFFFF80;
	(pc) =	sbr.rel @!p1 .LBB2_9-.Ltmp6, $4  }
0x7a: {  	[spmem:s2] =	stream.indirect.scatter.add.f32 [tilespmem:s24], [sflag:$0x1], $0x10, s28, s29, $0xb8;
	[tilespmem:$0xD080] =	vst v63  }
0x7b: {  	_ =	swait.ge [sflag:s25], $0x800  }
0x7c: {  	[sflag:s25] =	ssyncset.done $0x0  }
0x7d: {  	s31 =	sadd.s32 $0xFFFFFFFF, s20;
	s8 =	sshrl.u32 s21, $0x3;
	[sflag:s25] =	ssyncadd.s32 $0xFFFFF800  }
0x7e: {  	s1 =	sadd.s32 s0, s8  }
0x7f: {  	[tilespmem:s28], [sflag:$0x1] =	stream.linear.gather [hbm4b:s1+s6], $0x80, $0x38;
	[tilespmem:$0xD080] =	vst v63  }
0x80: {  	p3 =	sne.s32 s31, $0x1;
	_ =	swait.ge [sflag:s25], $0x80  }
.Ltmp7:
0x81: {  	[sflag:s25] =	ssyncset.done $0x0;
	(pc) =	sbr.rel @!p3 .LBB2_9-.Ltmp7, $4  }
0x82: {  	[sflag:s25] =	ssyncadd.s32 $0xFFFFFF80  }
0x83: {  	[spmem:s3] =	stream.indirect.scatter.add.f32 [tilespmem:s24], [sflag:$0x1], $0x10, s28, s29, $0xb8;
	[tilespmem:$0xD080] =	vst v63  }
0x84: {  	s7 =	sadd.s32 $0x80, s21;
	p2 =	por $0x1, $0x1;
	_ =	swait.ge [sflag:s25], $0x800  }
0x85: {  	s1 =	sadd.s32 $0xFFFFFFFF, s31;
	s8 =	sshrl.u32 s7, $0x3;
	[sflag:s25] =	ssyncset.done $0x0  }
.LBB2_8:
0x86: {  	p3 =	sne.s32 s1, $0x1;
	s8 =	sadd.s32 s0, s8;
	[sflag:s25] =	ssyncadd.s32 $0xFFFFF800  }
0x87: {  	[tilespmem:s28], [sflag:$0x1] =	stream.linear.gather [hbm4b:s8+s6], $0x80, $0x38;
	[tilespmem:$0xD080] =	vst v63  }
0x88: {  	s1 =	sadd.s32 $0xFFFFFFFF, s1;
	_ =	swait.ge [sflag:s25], $0x80  }
.Ltmp8:
0x89: {  	[sflag:s25] =	ssyncset.done $0x0;
	(pc) =	sbr.rel @p3 .LBB2_8-.Ltmp8, $4  }
0x8a: {  	[sflag:s25] =	ssyncadd.s32 $0xFFFFFF80  }
0x8b: {  	[spmem:s3] =	stream.indirect.scatter.add.f32 [tilespmem:s24], [sflag:$0x1], $0x10, s28, s29, $0xb8;
	[tilespmem:$0xD080] =	vst v63  }
0x8c: {  	s7 =	sadd.s32 $0x80, s7;
	_ =	swait.ge [sflag:s25], $0x800  }
0x8d: {  	s8 =	sshrl.u32 s7, $0x3;
	[sflag:s25] =	ssyncset.done $0x0  }
.LBB2_9:
0x8e: {  	s1 =	sadd.s32 s0, s8;
	[sflag:s25] =	ssyncadd.s32 @p2 $0xFFFFF800  }
0x8f: {  	[tilespmem:s28], [sflag:$0x1] =	stream.linear.gather [hbm4b:s1+s6], $0x80, $0x38;
	[tilespmem:$0xD080] =	vst v63  }
0x90: {  	_ =	swait.ge [sflag:s25], $0x80  }
0x91: {  	[sflag:s25] =	ssyncset.done $0x0  }
.Ltmp9:
0x92: {  	[sflag:s25] =	ssyncadd.s32 $0xFFFFFF80;
	(pc) =	sbr.rel @!p1 .LBB2_10-.Ltmp9, $4  }
0x93: {  	[spmem:s3] =	stream.indirect.scatter.add.f32 [tilespmem:s24], [sflag:$0x1], $0x10, s28, s29, $0xb8;
	[tilespmem:$0xD080] =	vst v63  }
0x94: {  	_ =	swait.ge [sflag:s25], $0x800  }
0x95: {  	[sflag:s25] =	ssyncset.done $0x0  }
0x96: {  	s8 =	sshrl.u32 s22, $0x3;
	p2 =	por $0x0, $0x0;
	[sflag:s25] =	ssyncadd.s32 $0xFFFFF800  }
0x97: {  	s1 =	sadd.s32 s0, s8  }
0x98: {  	[tilespmem:s28], [sflag:$0x1] =	stream.linear.gather [hbm4b:s1+s6], $0x80, $0x38;
	[tilespmem:$0xD080] =	vst v63  }
0x99: {  	p4 =	sne.s32 s31, $0x1;
	_ =	swait.ge [sflag:s25], $0x80  }
.Ltmp10:
0x9a: {  	[sflag:s25] =	ssyncset.done $0x0;
	(pc) =	sbr.rel @!p4 .LBB2_13-.Ltmp10, $4  }
0x9b: {  	[sflag:s25] =	ssyncadd.s32 $0xFFFFFF80  }
0x9c: {  	[spmem:s4] =	stream.indirect.scatter.add.f32 [tilespmem:s24], [sflag:$0x1], $0x10, s28, s29, $0xb8;
	[tilespmem:$0xD080] =	vst v63  }
0x9d: {  	s7 =	sadd.s32 $0x80, s22;
	p3 =	por $0x1, $0x1;
	_ =	swait.ge [sflag:s25], $0x800  }
0x9e: {  	s1 =	sadd.s32 $0xFFFFFFFF, s31;
	s8 =	sshrl.u32 s7, $0x3;
	[sflag:s25] =	ssyncset.done $0x0  }
.LBB2_12:
0x9f: {  	p4 =	sne.s32 s1, $0x1;
	s8 =	sadd.s32 s0, s8;
	[sflag:s25] =	ssyncadd.s32 $0xFFFFF800  }
0xa0: {  	[tilespmem:s28], [sflag:$0x1] =	stream.linear.gather [hbm4b:s8+s6], $0x80, $0x38;
	[tilespmem:$0xD080] =	vst v63  }
0xa1: {  	s1 =	sadd.s32 $0xFFFFFFFF, s1;
	_ =	swait.ge [sflag:s25], $0x80  }
.Ltmp11:
0xa2: {  	[sflag:s25] =	ssyncset.done $0x0;
	(pc) =	sbr.rel @p4 .LBB2_12-.Ltmp11, $4  }
0xa3: {  	[sflag:s25] =	ssyncadd.s32 $0xFFFFFF80  }
0xa4: {  	[spmem:s4] =	stream.indirect.scatter.add.f32 [tilespmem:s24], [sflag:$0x1], $0x10, s28, s29, $0xb8;
	[tilespmem:$0xD080] =	vst v63  }
0xa5: {  	s7 =	sadd.s32 $0x80, s7;
	_ =	swait.ge [sflag:s25], $0x800  }
0xa6: {  	s8 =	sshrl.u32 s7, $0x3;
	[sflag:s25] =	ssyncset.done $0x0  }
.LBB2_13:
0xa7: {  	s1 =	sadd.s32 s0, s8;
	[sflag:s25] =	ssyncadd.s32 @p3 $0xFFFFF800  }
0xa8: {  	[tilespmem:s28], [sflag:$0x1] =	stream.linear.gather [hbm4b:s1+s6], $0x80, $0x38;
	[tilespmem:$0xD080] =	vst v63  }
0xa9: {  	_ =	swait.ge [sflag:s25], $0x80  }
0xaa: {  	[sflag:s25] =	ssyncset.done $0x0  }
.Ltmp12:
0xab: {  	[sflag:s25] =	ssyncadd.s32 $0xFFFFFF80;
	(pc) =	sbr.rel @!p1 .LBB2_14-.Ltmp12, $4  }
0xac: {  	[spmem:s4] =	stream.indirect.scatter.add.f32 [tilespmem:s24], [sflag:$0x1], $0x10, s28, s29, $0xb8;
	[tilespmem:$0xD080] =	vst v63  }
0xad: {  	_ =	swait.ge [sflag:s25], $0x800  }
0xae: {  	[sflag:s25] =	ssyncset.done $0x0  }
0xaf: {  	s8 =	sshrl.u32 s23, $0x3;
	[sflag:s25] =	ssyncadd.s32 $0xFFFFF800  }
0xb0: {  	s1 =	sadd.s32 s0, s8  }
0xb1: {  	[tilespmem:s28], [sflag:$0x1] =	stream.linear.gather [hbm4b:s1+s6], $0x80, $0x38;
	[tilespmem:$0xD080] =	vst v63  }
0xb2: {  	p1 =	sne.s32 s31, $0x1;
	_ =	swait.ge [sflag:s25], $0x80  }
.Ltmp13:
0xb3: {  	[sflag:s25] =	ssyncset.done $0x0;
	(pc) =	sbr.rel @!p1 .LBB2_16-.Ltmp13, $4  }
0xb4: {  	[sflag:s25] =	ssyncadd.s32 $0xFFFFFF80  }
0xb5: {  	[spmem:s5] =	stream.indirect.scatter.add.f32 [tilespmem:s24], [sflag:$0x1], $0x10, s28, s29, $0xb8;
	[tilespmem:$0xD080] =	vst v63  }
0xb6: {  	s7 =	sadd.s32 $0x80, s23;
	p2 =	por $0x1, $0x1;
	_ =	swait.ge [sflag:s25], $0x800  }
0xb7: {  	s1 =	sadd.s32 $0xFFFFFFFF, s31;
	s8 =	sshrl.u32 s7, $0x3;
	[sflag:s25] =	ssyncset.done $0x0  }
.LBB2_17:
0xb8: {  	p1 =	sne.s32 s1, $0x1;
	s8 =	sadd.s32 s0, s8;
	[sflag:s25] =	ssyncadd.s32 $0xFFFFF800  }
0xb9: {  	[tilespmem:s28], [sflag:$0x1] =	stream.linear.gather [hbm4b:s8+s6], $0x80, $0x38;
	[tilespmem:$0xD080] =	vst v63  }
0xba: {  	s1 =	sadd.s32 $0xFFFFFFFF, s1;
	_ =	swait.ge [sflag:s25], $0x80  }
.Ltmp14:
0xbb: {  	[sflag:s25] =	ssyncset.done $0x0;
	(pc) =	sbr.rel @p1 .LBB2_17-.Ltmp14, $4  }
0xbc: {  	[sflag:s25] =	ssyncadd.s32 $0xFFFFFF80  }
0xbd: {  	[spmem:s5] =	stream.indirect.scatter.add.f32 [tilespmem:s24], [sflag:$0x1], $0x10, s28, s29, $0xb8;
	[tilespmem:$0xD080] =	vst v63  }
0xbe: {  	s7 =	sadd.s32 $0x80, s7;
	_ =	swait.ge [sflag:s25], $0x800  }
0xbf: {  	s8 =	sshrl.u32 s7, $0x3;
	[sflag:s25] =	ssyncset.done $0x0  }
.Ltmp15:
0xc0: {  	(pc) =	sbr.rel .LBB2_19-.Ltmp15, $2  }
0xc1: {  	_ =	sdelay $0x2  }
0xc2: {  	s31 =	smov.u32 s14  }
.LBB2_3:
.Ltmp16:
0xc3: {  	(pc) =	sbr.rel .LBB2_6-.Ltmp16, $2  }
0xc4: {  	_ =	sdelay $0x2  }
0xc5: {  	p1 =	por $0x0, $0x0  }
.LBB2_10:
.Ltmp17:
0xc6: {  	(pc) =	sbr.rel .LBB2_13-.Ltmp17, $2  }
0xc7: {  	_ =	sdelay $0x2  }
0xc8: {  	p3 =	por $0x0, $0x0  }
.LBB2_16:
.Ltmp18:
0xc9: {  	(pc) =	sbr.rel .LBB2_19-.Ltmp18, $2  }
0xca: {  	_ =	sdelay $0x2  }
0xcb: {  	s31 =	smov.u32 s14  }
.LBB2_21:
0xcc: {  	_ =	sfence.sel $0x180000  }
0xcd: {  	[bflag:$0x0] =	sbarrier.arrive $0xFFFF  }
0xce: {  	_ =	strace $0x90000047  }
0xcf: {  	s0 =	stileid.u32;
	[bflag:$0x2] =	sbarrier.arrive $0xFFFF  }
0xd0: {  	p0 =	sne.s32 s0, $0x0;
	s0 =	rddreg [dreg:$0x7]  }
0xd1: {  	s0 =	sadd.s32 @!p0 $0x100000, s0  }
0xd2: {  	[sflag:s0] =	ssyncadd.tile.s32 @!p0 $0x1;
	_ =	shalt  }
.Lfunc_end2:
_tile_overlayer_lowered:
.L_overlay_start_2:
0xd3: {  	(tag) =	ssettag $0x2  }
0xd4: {  	s0 =	rddreg [dreg:$0x0];
	s2 =	stileid.u32  }
0xd5: {  	s1 =	rddreg [dreg:$0x1];
	p0 =	sne.s32 s2, $0x0  }
0xd6: {  	s3 =	rddreg [dreg:$0x2];
	[bflag:$0x3] =	sbarrier.arrive $0xFFFF;
	s2 =	simm.s32 @!p0 $0x1C01  }
0xd7: {  	[timem:s3], [sflag:s2] =	dma.local @!p0 [hbm:s0], s1  }
0xd8: {  	s0 =	simm.s32 @!p0 $0x1  }
0xd9: {  	_ =	swait.ge @!p0 [sflag:s0], s1  }
0xda: {  	s1 =	ssub.s32 @!p0 $0x0, s1;
	[sflag:s0] =	ssyncset.done @!p0 $0x0  }
0xdb: {  	[sflag:s0] =	ssyncadd.s32 @!p0 s1  }
0xdc: {  	[bflag:$0x3] =	sbarrier.arrive $0xFFFF  }
0xdd: {  	_ =	shalt  }

// kernel: kernel.9.cloned.1.call-start
scs
__scs_entry_jumppad:
0x0: {  	(pc) =	sbr.rel $0x88, $3  }
0x1: {  	(tag) =	ssettag $0x0;
	lr =	simm.s32 $0x1  }
0x2: {  	[smem:$0x3F93] =	sst lr;
	_ =	strace $0xD0000000  }
0x3: {  	_ = 	snop  }
0x4: {  	_ = 	snop  }
0x5: {  	_ = 	snop  }
0x6: {  	_ = 	snop  }
0x7: {  	_ = 	snop  }
__scs_overlays_trampoline_lowered:
0x8: {  	[smem:$0x3FA2] =	sst s0  }
0x9: {  	[smem:$0x3FA3] =	sst s1  }
0xa: {  	[smem:$0x3FA4] =	sst s2  }
0xb: {  	[smem:$0x3FA5] =	sst s3  }
0xc: {  	[smem:$0x3FA6] =	sst s4  }
0xd: {  	[smem:$0x3FA7] =	sst s5  }
0xe: {  	[smem:$0x3FA8] =	sst s6  }
0xf: {  	[smem:$0x3FA9] =	sst s7  }
0x10: {  	[smem:$0x3FAA] =	sst s8  }
0x11: {  	[smem:$0x3FAB] =	sst s9;
	s0 =	simm.s32 @!p0 $0x0  }
0x12: {  	s1 =	sld [smem:$0x3F91];
	s0 =	simm.s32 @p0 $0x1  }
0x13: {  	[smem:$0x3FAC] =	sst s0;
	s0 =	simm.s32 @!p1 $0x0  }
0x14: {  	s2 =	sld [smem:$0x3F90];
	s0 =	simm.s32 @p1 $0x1  }
0x15: {  	[smem:$0x3FAD] =	sst s0;
	s0 =	simm.s32 @!p2 $0x0  }
0x16: {  	s3 =	sld [smem:$0x3FDB];
	s0 =	simm.s32 @p2 $0x1  }
0x17: {  	s4 =	simm.s32 $0x1BF5;
	[smem:$0x3FAF] =	sst s0  }
0x18: {  	s0 =	sld [smem:$0x3F92];
	_ =	swait.ge [sflag:s4], $0x0  }
0x19: {  	s7 =	sld [smem:$0x3F93]  }
0x1a: {  	s8 =	sadd.s32 $0xFFFFE003, lr  }
0x1b: {  	s9 =	sadd.s32 $0xFFFFFEF7, lr;
	s5 =	simm.s32 $0xFFFFFFFF;
	p2 =	slt.u32 s8, $0xFFFFF086  }
0x1c: {  	p1 =	slt.u32 s9, $0xF7A;
	s5 =	simm.s32 @!p2 $0x0  }
0x1d: {  	s5 =	simm.s32 @p1 $0x1;
	p0 =	seq.s32 s7, s2  }
0x1e: {  	s7 =	smul.u32 @!p0 $0xF7A, s2;
	p2 =	seq.s32 @!p0 s5, $0x0  }
0x1f: {  	s9 =	smul.u32 $0xF7A, s1;
	s8 =	simm.s32 @!p0 $0x1BF5;
	p2 =	por !p2, p0  }
0x20: {  	[sflag:s8] =	ssyncset.s32 @!p0 $0xFFFFF086;
	s6 =	sadd.s32 @!p0 s3, s7;
	s7 =	simm.s32 @!p0 $0x108  }
0x21: {  	s3 =	sadd.s32 s3, s9;
	s6 =	sadd.s32 @!p0 $0x88, s6;
	s7 =	simm.s32 @p2 $0x1082  }
0x22: {  	[simem:s7], [sflag:s8] =	dma.local @!p0 [hbm:s6], $0xF7A  }
0x23: {  	s9 =	sor.u32 $0xD0000000, s2;
	s6 =	simm.s32 $0x108;
	_ =	swait.ge @!p0 [sflag:s8], $0x0  }
0x24: {  	s3 =	sadd.s32 $0x88, s3;
	s6 =	simm.s32 @!p1 $0x1082;
	[sflag:s4] =	ssyncset.s32 $0xFFFFF086  }
0x25: {  	[simem:s6], [sflag:s4] =	dma.local [hbm:s3], $0xF7A  }
0x26: {  	[smem:$0x3F93] =	sst s1;
	(tag) =	ssettag s2;
	_ =	strace s9  }
0x27: {  	s1 =	sld [smem:$0x3FA3]  }
0x28: {  	s2 =	sld [smem:$0x3FA4]  }
0x29: {  	s4 =	sld [smem:$0x3FA6]  }
0x2a: {  	p0 =	seq.s32 s5, $0x0;
	s5 =	sld [smem:$0x3FA7]  }
0x2b: {  	s6 =	sld [smem:$0x3FA8]  }
0x2c: {  	s7 =	sld [smem:$0x3FA9]  }
0x2d: {  	s3 =	simm.s32 $0x108;
	s8 =	sld [smem:$0x3FAA]  }
0x2e: {  	s3 =	simm.s32 @!p0 $0x1082;
	s9 =	sld [smem:$0x3FAB]  }
0x2f: {  	lr =	sadd.s32 s0, s3;
	s0 =	sld [smem:$0x3FA2]  }
0x30: {  	s3 =	sld [smem:$0x3FA5]  }
0x31: {  	[smem:$0x3FAE] =	sst s10  }
0x32: {  	s10 =	sld [smem:$0x3FAC];
	_ =	sdelay $0x3  }
0x33: {  	p0 =	seq.s32 s10, $0x1;
	s10 =	sld [smem:$0x3FAE];
	_ =	sdelay $0x3  }
0x34: {  	[smem:$0x3FAE] =	sst s10  }
0x35: {  	s10 =	sld [smem:$0x3FAD];
	_ =	sdelay $0x3  }
0x36: {  	p1 =	seq.s32 s10, $0x1;
	s10 =	sld [smem:$0x3FAE];
	_ =	sdelay $0x3  }
0x37: {  	[smem:$0x3FAE] =	sst s10  }
0x38: {  	s10 =	sld [smem:$0x3FAF]  }
0x39: {  	_ = 	snop;
	(pc) =	sbr.ind lr, $3  }
0x3a: {  	_ = 	snop  }
0x3b: {  	_ = 	snop  }
0x3c: {  	p2 =	seq.s32 s10, $0x1;
	s10 =	sld [smem:$0x3FAE]  }
0x3d: {  	_ =	shalt  }
0x3e: {  	_ =	shalt  }
0x3f: {  	_ =	shalt  }
0x40: {  	_ =	shalt  }
0x41: {  	_ =	shalt  }
0x42: {  	_ =	shalt  }
0x43: {  	_ =	shalt  }
0x44: {  	_ =	shalt  }
0x45: {  	_ =	shalt  }
0x46: {  	_ =	shalt  }
0x47: {  	_ =	shalt  }
0x48: {  	_ =	shalt  }
0x49: {  	_ =	shalt  }
0x4a: {  	_ =	shalt  }
0x4b: {  	_ =	shalt  }
0x4c: {  	_ =	shalt  }
0x4d: {  	_ =	shalt  }
0x4e: {  	_ =	shalt  }
0x4f: {  	_ =	shalt  }
0x50: {  	_ =	shalt  }
0x51: {  	_ =	shalt  }
0x52: {  	_ =	shalt  }
0x53: {  	_ =	shalt  }
0x54: {  	_ =	shalt  }
0x55: {  	_ =	shalt  }
0x56: {  	_ =	shalt  }
0x57: {  	_ =	shalt  }
0x58: {  	_ =	shalt  }
0x59: {  	_ =	shalt  }
0x5a: {  	_ =	shalt  }
0x5b: {  	_ =	shalt  }
0x5c: {  	_ =	shalt  }
0x5d: {  	_ =	shalt  }
0x5e: {  	_ =	shalt  }
0x5f: {  	_ =	shalt  }
0x60: {  	_ =	shalt  }
0x61: {  	_ =	shalt  }
0x62: {  	_ =	shalt  }
0x63: {  	_ =	shalt  }
0x64: {  	_ =	shalt  }
0x65: {  	_ =	shalt  }
0x66: {  	_ =	shalt  }
0x67: {  	_ =	shalt  }
0x68: {  	_ =	shalt  }
0x69: {  	_ =	shalt  }
0x6a: {  	_ =	shalt  }
0x6b: {  	_ =	shalt  }
0x6c: {  	_ =	shalt  }
0x6d: {  	_ =	shalt  }
0x6e: {  	_ =	shalt  }
0x6f: {  	_ =	shalt  }
0x70: {  	_ =	shalt  }
0x71: {  	_ =	shalt  }
0x72: {  	_ =	shalt  }
0x73: {  	_ =	shalt  }
0x74: {  	_ =	shalt  }
0x75: {  	_ =	shalt  }
0x76: {  	_ =	shalt  }
0x77: {  	_ =	shalt  }
0x78: {  	_ =	shalt  }
0x79: {  	_ =	shalt  }
0x7a: {  	_ =	shalt  }
0x7b: {  	_ =	shalt  }
0x7c: {  	_ =	shalt  }
0x7d: {  	_ =	shalt  }
0x7e: {  	_ =	shalt  }
0x7f: {  	_ =	shalt  }
0x80: {  	_ =	shalt  }
0x81: {  	_ =	shalt  }
0x82: {  	_ =	shalt  }
0x83: {  	_ =	shalt  }
0x84: {  	_ =	shalt  }
0x85: {  	_ =	shalt  }
0x86: {  	_ =	shalt  }
0x87: {  	_ =	shalt  }
.Lfunc_end0:
.L_simem_size_0:
called_computation.1_lowered:
.L_overlay_start_0:
0x88: {  	s2 =	sld [smem:$0x3FD9]  }
0x89: {  	s3 =	sld [smem:$0x3FFE];
	_ =	sdelay $0x1  }
0x8a: {  	s1 =	srdreg.scid  }
0x8b: {  	s0 =	sand.u32 $0x1, s1  }
0x8c: {  	s14 =	sshll.u32 s0, $0xA;
	s2 =	sadd.s32 s3, s2  }
0x8d: {  	s2 =	sadd.s32 s2, s14  }
0x8e: {  	[smem:$0x3FBA] =	sst s2  }
0x8f: {  	_ = 	snop  }
0x90: {  	s2 =	sld [smem:$0x3FD0];
	_ =	sdelay $0x2  }
0x91: {  	s15 =	simm.s32 $0xA;
	s4 =	simm.s32 $0x10  }
0x92: {  	[smem:s4], [sflag:s15] =	dma.local [hbm:s2], $0x1  }
0x93: {  	_ =	swait.eq [sflag:s15], $0x1  }
0x94: {  	[sflag:s15] =	ssyncset.done $0x0  }
0x95: {  	[sflag:s15] =	ssyncadd.s32 $0xFFFFFFFF  }
0x96: {  	s16 =	sld [smem:$0x11];
	(tm) =	ssettm $0x1  }
0x97: {  	s17 =	sld [smem:$0x3FFB];
	_ =	sdelay $0x3  }
0x98: {  	_ =	strace s17  }
0x99: {  	s3 =	sld [smem:$0x3FFC];
	_ =	sdelay $0x3  }
0x9a: {  	_ =	strace s3  }
0x9b: {  	s3 =	sld [smem:$0x3FFD];
	_ =	sdelay $0x3  }
0x9c: {  	_ =	strace s3  }
0x9d: {  	_ =	strace $0x8FFFFFFF  }
0x9e: {  	s18 =	sld [smem:$0x3FDB];
	_ =	sdelay $0x1  }
0x9f: {  	s19 =	simm.s32 $_scs_section_size  }
0xa0: {  	s5 =	simm.s32 $_size__tile_overlayer_lowered;
	s6 =	simm.s32 $_tile_overlayer_lowered  }
0xa1: {  	s22 =	simm.s32 $0x1BFF;
	s21 =	sshll.u32 s6, $0x1;
	s3 =	sadd.s32 s19, s18  }
0xa2: {  	s7 =	simm.s32 $0x0;
	s20 =	sshll.u32 s5, $0x1;
	s5 =	sadd.s32 s21, s3  }
0xa3: {  	[timem:s7], [sflag:s22] =	dma.local [hbm:s5], s20  }
0xa4: {  	_ =	swait.ge [sflag:s22], s20  }
0xa5: {  	s4 =	ssub.s32 $0x0, s20;
	[sflag:s22] =	ssyncset.done $0x0  }
0xa6: {  	[sflag:s22] =	ssyncadd.s32 s4;
	_ =	sdelay $0x1  }
0xa7: {  	s23 =	simm.s32 $0x1B8B  }
0xa8: {  	_ =	swait.ge [sflag:s23], $0x1  }
0xa9: {  	[sflag:s23] =	ssyncset.done $0x0  }
0xaa: {  	s25 =	simm.s32 $0x1B8E;
	s24 =	sld [smem:$0x3FFE];
	[sflag:s23] =	ssyncadd.s32 $0xFFFFFFFF  }
0xab: {  	s26 =	simm.s32 $execute0_lowered;
	[smem:$0x3FD2] =	sst s25  }
0xac: {  	s5 =	sshll.u32 s26, $0x1;
	_ =	strace $0x80000049;
	[dreg:$0x1] =	wrdreg $0xFFFFFFFF  }
0xad: {  	s28 =	simm.s32 $_size_execute0_lowered;
	s3 =	sadd.s32 s3, s5;
	[dreg:$0x0] =	wrdreg $0x0  }
0xae: {  	s5 =	sshll.u32 s28, $0x1;
	[dreg:$0x2] =	wrdreg s3  }
0xaf: {  	[dreg:$0x3] =	wrdreg s5  }
0xb0: {  	[dreg:$0x4] =	wrdreg $0xC0  }
0xb1: {  	_ =	task [dreg:s7], $0x5FFFF  }
0xb2: {  	[dreg:$0x1] =	wrdreg $0xFFFFFFFF  }
0xb3: {  	[dreg:$0x0] =	wrdreg $0x60  }
0xb4: {  	[dreg:$0x2] =	wrdreg s24  }
0xb5: {  	[dreg:$0x3] =	wrdreg s16  }
0xb6: {  	[dreg:$0x4] =	wrdreg $0x0  }
0xb7: {  	[dreg:$0x5] =	wrdreg $0x9  }
0xb8: {  	_ =	task.clear_ibuf [dreg:s7], $0x6FFFF;
	_ =	strace $0x90000049  }
0xb9: {  	s29 =	simm.s32 $0x9;
	_ =	strace $0x8000004B  }
0xba: {  	_ =	swait.ge [sflag:s29], $0x1  }
0xbb: {  	[sflag:s29] =	ssyncadd.s32 $0xFFFFFFFF  }
0xbc: {  	_ =	strace $0x9000004B  }
0xbd: {  	_ =	sfence  }
0xbe: {  	s30 =	sld [smem:$0x0];
	_ =	sdelay $0x2  }
0xbf: {  	s31 =	sshll.u32 s1, $0xD;
	s1 =	sshrl.u32 s1, $0x2  }
0xc0: {  	s3 =	sand.u32 $0x4000, s31;
	s1 =	sadd.s32 s1, s30  }
0xc1: {  	s0 =	sor.u32 s3, s0;
	s1 =	sshll.u32 s1, $0x11  }
0xc2: {  	s0 =	sor.u32 s1, s0  }
0xc3: {  	s0 =	sadd.s32 $0x8F2B, s0  }
0xc4: {  	[sflag:s0] =	ssyncadd.remote.s32 $0x1  }
0xc5: {  	_ =	sfence.sel $0xFFFF  }
0xc6: {  	[dreg:$0x0] =	wrdreg $0xFFFFFFFF;
	(pc) =	sbr.abs _section_cstart, $3  }
0xc7: {  	[dreg:$0x1] =	wrdreg $0xFFFFFFFF  }
0xc8: {  	_ =	task.clear_ibuf [dreg:s7], $0x2FFFF;
	_ =	strace $0x9FFFFFFF  }
0xc9: {  	(tm) =	ssettm $0x7FFFFFFF  }
tec
execute0_lowered:
.L_overlay_start_1:
0x0: {  	(tag) =	ssettag $0x1  }
0x1: {  	s2 =	srdreg.scid;
	s1 =	rddreg [dreg:$0x0]  }
0x2: {  	s0 =	simm.s32 $0x0;
	s19 =	stileid.u32;
	s28 =	simm.s32 $0x14000  }
0x3: {  	s29 =	simm.s32 $0x1;
	s2 =	sand.u32 $0x1, s2;
	[smem:$0x7FF] =	sst s0  }
0x4: {  	s5 =	sadd.s32 $0xCF200, s1;
	s7 =	sadd.s32 $0x20F200, s1;
	s16 =	smul.u32 $0x14000, s19  }
0x5: {  	s30 =	sadd.s32 $0x2000, s1;
	s3 =	ssub.s32 $0x2, s2;
	s4 =	smul.u32 $0x28000, s2  }
0x6: {  	s31 =	sadd.s32 $0xBB800, s1;
	s13 =	smul.u32 $0x140000, s2;
	s6 =	sshrl.u32 s3, $0x1  }
0x7: {  	s8 =	sadd.s32 $0x4000, s16;
	s6 =	ssub.s32 s3, s6;
	s2 =	sadd.s32 s5, s4  }
0x8: {  	s14 =	sadd.s32 $0x280000, s13;
	s15 =	sadd.s32 $0x500000, s13;
	s12 =	sadd.s32 $0x780000, s13  }
0x9: {  	s10 =	sadd.s32 s13, s16;
	s24 =	sadd.s32 s13, s8;
	s21 =	sshrl.u32 s14, $0x3  }
0xa: {  	s22 =	sshrl.u32 s15, $0x3;
	s9 =	sshrl.u32 s12, $0x3;
	s23 =	sshrl.u32 s10, $0x3  }
0xb: {  	s10 =	sshrl.u32 s24, $0x3;
	s26 =	sadd.s32 s16, s14;
	s3 =	sadd.s32 s5, s21  }
0xc: {  	s4 =	sadd.s32 s5, s22;
	s5 =	sadd.s32 s5, s9;
	s9 =	sadd.s32 s7, s23  }
0xd: {  	s6 =	smax.u32 s6, $0x1;
	s10 =	sadd.s32 s7, s10;
	[dreg:$0x4] =	wrdreg s9  }
0xe: {  	s9 =	sadd.s32 $0x8000, s16;
	[dreg:$0x5] =	wrdreg s10;
	s10 =	sadd.s32 $0xC000, s16  }
0xf: {  	s11 =	sadd.s32 s13, s9;
	s18 =	sadd.s32 s13, s10;
	s21 =	sadd.s32 s9, s14  }
0x10: {  	s23 =	sadd.s32 s10, s14;
	s17 =	sshrl.u32 s11, $0x3;
	s11 =	sadd.s32 $0x10000, s16  }
0x11: {  	s25 =	sshrl.u32 s18, $0x3;
	s18 =	sadd.s32 s8, s14;
	s22 =	sshrl.u32 s21, $0x3  }
0x12: {  	s24 =	sshrl.u32 s23, $0x3;
	s17 =	sadd.s32 s7, s17;
	s13 =	sadd.s32 s13, s11  }
0x13: {  	s20 =	sshrl.u32 s18, $0x3;
	s14 =	sadd.s32 s11, s14;
	[dreg:$0x6] =	wrdreg s17  }
0x14: {  	s17 =	sadd.s32 s7, s25;
	s13 =	sshrl.u32 s13, $0x3;
	s25 =	sshrl.u32 s14, $0x3  }
0x15: {  	[dreg:$0x7] =	wrdreg s17;
	s13 =	sadd.s32 s7, s13;
	s17 =	sshrl.u32 s26, $0x3  }
0x16: {  	s26 =	sadd.s32 s16, s15;
	[dreg:$0x8] =	wrdreg s13;
	s13 =	sadd.s32 s7, s17  }
0x17: {  	s14 =	sshrl.u32 s26, $0x3;
	s17 =	sadd.s32 s8, s15;
	s26 =	sadd.s32 s16, s12  }
0x18: {  	s16 =	sadd.s32 s8, s12;
	[dreg:$0x9] =	wrdreg s13;
	s13 =	sadd.s32 s7, s20  }
0x19: {  	s18 =	sshrl.u32 s17, $0x3;
	s20 =	sadd.s32 s9, s15;
	s17 =	sshrl.u32 s16, $0x3  }
0x1a: {  	[dreg:$0xa] =	wrdreg s13;
	s13 =	sadd.s32 s7, s22;
	s21 =	sshrl.u32 s20, $0x3  }
0x1b: {  	s22 =	sadd.s32 s10, s15;
	[dreg:$0xb] =	wrdreg s13;
	s13 =	sadd.s32 s7, s24  }
0x1c: {  	s24 =	sadd.s32 s11, s15;
	s15 =	sshrl.u32 s26, $0x3;
	s26 =	rddreg [dreg:$0x2]  }
0x1d: {  	s23 =	sshrl.u32 s22, $0x3;
	[dreg:$0xc] =	wrdreg s13;
	s13 =	sadd.s32 s7, s25  }
0x1e: {  	s25 =	sshrl.u32 s24, $0x3;
	[dreg:$0xd] =	wrdreg s13;
	s13 =	sadd.s32 s7, s14  }
0x1f: {  	[dreg:$0xe] =	wrdreg s13;
	s13 =	sadd.s32 s7, s18;
	s18 =	sadd.s32 s9, s12  }
0x20: {  	[dreg:$0xf] =	wrdreg s13;
	s13 =	sadd.s32 s7, s21;
	s20 =	sshrl.u32 s18, $0x3  }
0x21: {  	s21 =	sadd.s32 s10, s12;
	s12 =	sadd.s32 s11, s12;
	[dreg:$0x10] =	wrdreg s13  }
0x22: {  	s13 =	sadd.s32 s7, s23;
	s22 =	sshrl.u32 s21, $0x3;
	s23 =	smul.u32 $0x4E2, s19  }
0x23: {  	s12 =	sshrl.u32 s12, $0x3;
	[dreg:$0x11] =	wrdreg s13;
	s13 =	sadd.s32 s7, s25  }
0x24: {  	s25 =	smul.u32 $0x50000, s19;
	[dreg:$0x12] =	wrdreg s13;
	s13 =	sadd.s32 s7, s15  }
0x25: {  	s19 =	sshrl.u32 s23, $0x4;
	[dreg:$0x13] =	wrdreg s13;
	s13 =	sadd.s32 s7, s17  }
0x26: {  	s16 =	sshrl.u32 s25, $0x2;
	s17 =	sadd.s32 $0x4E2, s23;
	s25 =	sadd.s32 s8, s26  }
0x27: {  	s8 =	sadd.s32 s11, s26;
	[dreg:$0x14] =	wrdreg s13;
	s13 =	sadd.s32 s7, s20  }
0x28: {  	s18 =	sshrl.u32 s17, $0x4;
	s24 =	sadd.s32 s16, s26;
	s20 =	sand.u32 $0x7FF0, s23  }
0x29: {  	[dreg:$0x15] =	wrdreg s13;
	s13 =	sadd.s32 s7, s22;
	s7 =	sadd.s32 s7, s12  }
0x2a: {  	p0 =	sle.u32 s18, s19;
	s21 =	sadd.s32 s20, s31;
	s1 =	sadd.s32 s20, s30  }
0x2b: {  	s22 =	sshll.u32 s19, $0x7;
	s15 =	sadd.s32 $0x4000, s24;
	s16 =	sadd.s32 $0x8000, s24  }
0x2c: {  	s17 =	sadd.s32 $0xC000, s24;
	s20 =	simm.s32 $0x2;
	[dreg:$0x16] =	wrdreg s13  }
0x2d: {  	[dreg:$0x17] =	wrdreg s7;
	s7 =	sadd.s32 s10, s26;
	s23 =	sadd.s32 $0x27100, s22  }
0x2e: {  	s13 =	sadd.s32 $0x4E200, s22;
	_ =	strace $0x8000004A;
	[dreg:$0x18] =	wrdreg s6  }
.Ltmp0:
0x2f: {  	s11 =	sadd.s32 $0x75300, s22;
	[dreg:$0x19] =	wrdreg s21;
	(pc) =	sbr.rel .LBB2_1-.Ltmp0, $4  }
0x30: {  	s22 =	simm.s32 $0x1C080;
	s6 =	sadd.s32 s9, s26;
	[dreg:$0x1b] =	wrdreg s1  }
0x31: {  	s9 =	ssub.s32 s18, s19;
	[dreg:$0x1a] =	wrdreg s23;
	s18 =	sadd.s32 $0x10000, s24  }
0x32: {  	s19 =	simm.s32 $0x18000;
	s21 =	simm.s32 $0x1C000;
	[dreg:$0x1c] =	wrdreg s13  }
0x33: {  	s23 =	simm.s32 $0x80;
	s1 =	simm.s32 $0x0;
	[dreg:$0x1d] =	wrdreg s11  }
.LBB2_22:
0x34: {  	s13 =	rddreg [dreg:$0x1c]  }
.LBB2_25:
0x35: {  	s10 =	sadd.s32 s30, s14;
	[sflag:s20] =	ssyncadd.s32 @p1 $0xFFFFC000  }
0x36: {  	[tilespmem:s21], [sflag:$0x2] =	stream.linear.gather [hbm4b:s10+s0], $0x80, $0x38;
	[tilespmem:$0x1C100] =	vst v63  }
0x37: {  	_ =	swait.ge [sflag:s20], $0x80  }
0x38: {  	[sflag:s20] =	ssyncset.done $0x0  }
0x39: {  	s14 =	sadd.s32 s31, s14;
	[sflag:s20] =	ssyncadd.s32 $0xFFFFFF80  }
0x3a: {  	[tilespmem:s22], [sflag:$0x2] =	stream.linear.gather [hbm4b:s14+s0], $0x80, $0x38;
	[tilespmem:$0x1C100] =	vst v63  }
0x3b: {  	_ =	swait.ge [sflag:s20], $0x80  }
0x3c: {  	[sflag:s20] =	ssyncset.done $0x0  }
0x3d: {  	[sflag:s20] =	ssyncadd.s32 $0xFFFFFF80  }
0x3e: {  	[tilespmem:s28], [sflag:$0x1] =	stream.indirect.gather [hbm4b:s5+s23], $0x80, s21, s23, $0xb8;
	[tilespmem:$0x1C100] =	vst v63  }
0x3f: {  	_ =	swait.ge [sflag:s29], $0x4000  }
0x40: {  	[sflag:s29] =	ssyncset.done $0x0  }
0x41: {  	[sflag:s29] =	ssyncadd.s32 $0xFFFFC000  }
0x42: {  	[spmem:s26] =	stream.indirect.scatter.add.f32 [tilespmem:s28], [sflag:$0x2], $0x80, s22, s23, $0xb8;
	[tilespmem:$0x1C100] =	vst v63  }
0x43: {  	_ =	swait.ge [sflag:s20], $0x4000  }
0x44: {  	[sflag:s20] =	ssyncset.done $0x0  }
0x45: {  	s11 =	rddreg [dreg:$0x1d];
	[sflag:s20] =	ssyncadd.s32 $0xFFFFC000  }
.LBB2_26:
0x46: {  	[bflag:$0x0] =	sbarrier.arrive $0xFFFF  }
0x47: {  	[tilespmem:s28], [sflag:$0x2] =	stream.linear.gather [spmem:s24], $0x4000, $0x38;
	[tilespmem:$0x1C100] =	vst v63  }
0x48: {  	_ =	swait.ge [sflag:s20], $0x4000  }
0x49: {  	[sflag:s20] =	ssyncset.done $0x0  }
0x4a: {  	s10 =	rddreg [dreg:$0x13];
	[sflag:s20] =	ssyncadd.s32 $0xFFFFC000  }
0x4b: {  	[hbm4b:s10+s0] =	stream.linear.scatter [tilespmem:s28], [sflag:$0x2], $0x4000, $0x38;
	[tilespmem:$0x1C100] =	vst v63  }
0x4c: {  	_ =	swait.ge [sflag:s20], $0x4000  }
0x4d: {  	[sflag:s20] =	ssyncset.done $0x0  }
0x4e: {  	[sflag:s20] =	ssyncadd.s32 $0xFFFFC000  }
0x4f: {  	[tilespmem:s28], [sflag:$0x2] =	stream.linear.gather [spmem:s25], $0x4000, $0x38;
	[tilespmem:$0x1C100] =	vst v63  }
0x50: {  	_ =	swait.ge [sflag:s20], $0x4000  }
0x51: {  	[sflag:s20] =	ssyncset.done $0x0  }
0x52: {  	s14 =	rddreg [dreg:$0x14];
	[sflag:s20] =	ssyncadd.s32 $0xFFFFC000  }
0x53: {  	[hbm4b:s14+s0] =	stream.linear.scatter [tilespmem:s28], [sflag:$0x2], $0x4000, $0x38;
	[tilespmem:$0x1C100] =	vst v63  }
0x54: {  	_ =	swait.ge [sflag:s20], $0x4000  }
0x55: {  	[sflag:s20] =	ssyncset.done $0x0  }
0x56: {  	[sflag:s20] =	ssyncadd.s32 $0xFFFFC000  }
0x57: {  	[tilespmem:s28], [sflag:$0x2] =	stream.linear.gather [spmem:s6], $0x4000, $0x38;
	[tilespmem:$0x1C100] =	vst v63  }
0x58: {  	_ =	swait.ge [sflag:s20], $0x4000  }
0x59: {  	[sflag:s20] =	ssyncset.done $0x0  }
0x5a: {  	s12 =	rddreg [dreg:$0x15];
	[sflag:s20] =	ssyncadd.s32 $0xFFFFC000  }
0x5b: {  	[hbm4b:s12+s0] =	stream.linear.scatter [tilespmem:s28], [sflag:$0x2], $0x4000, $0x38;
	[tilespmem:$0x1C100] =	vst v63  }
0x5c: {  	_ =	swait.ge [sflag:s20], $0x4000  }
0x5d: {  	[sflag:s20] =	ssyncset.done $0x0  }
0x5e: {  	[sflag:s20] =	ssyncadd.s32 $0xFFFFC000  }
0x5f: {  	[tilespmem:s28], [sflag:$0x2] =	stream.linear.gather [spmem:s7], $0x4000, $0x38;
	[tilespmem:$0x1C100] =	vst v63  }
0x60: {  	_ =	swait.ge [sflag:s20], $0x4000  }
0x61: {  	[sflag:s20] =	ssyncset.done $0x0  }
0x62: {  	s14 =	rddreg [dreg:$0x16];
	[sflag:s20] =	ssyncadd.s32 $0xFFFFC000  }
0x63: {  	[hbm4b:s14+s0] =	stream.linear.scatter [tilespmem:s28], [sflag:$0x2], $0x4000, $0x38;
	[tilespmem:$0x1C100] =	vst v63  }
0x64: {  	_ =	swait.ge [sflag:s20], $0x4000  }
0x65: {  	[sflag:s20] =	ssyncset.done $0x0  }
0x66: {  	[sflag:s20] =	ssyncadd.s32 $0xFFFFC000  }
0x67: {  	[tilespmem:s28], [sflag:$0x2] =	stream.linear.gather [spmem:s8], $0x4000, $0x38;
	[tilespmem:$0x1C100] =	vst v63  }
0x68: {  	_ =	swait.ge [sflag:s20], $0x4000  }
0x69: {  	[sflag:s20] =	ssyncset.done $0x0  }
0x6a: {  	s12 =	rddreg [dreg:$0x17];
	[sflag:s20] =	ssyncadd.s32 $0xFFFFC000  }
0x6b: {  	[hbm4b:s12+s0] =	stream.linear.scatter [tilespmem:s28], [sflag:$0x2], $0x4000, $0x38;
	[tilespmem:$0x1C100] =	vst v63  }
0x6c: {  	_ =	swait.ge [sflag:s20], $0x4000  }
0x6d: {  	s1 =	sadd.s32 $0x1, s1;
	s14 =	rddreg [dreg:$0x18]  }
0x6e: {  	p1 =	sne.s32 s1, s14  }
.Ltmp1:
0x6f: {  	_ = 	snop;
	(pc) =	sbr.rel @!p1 .LBB2_27-.Ltmp1, $3  }
0x70: {  	_ =	sdelay $0x1  }
0x71: {  	[sflag:s20] =	ssyncset.done $0x0  }
0x72: {  	[sflag:s20] =	ssyncadd.s32 $0xFFFFC000  }
.LBB2_1:
0x73: {  	s10 =	rddreg [dreg:$0x1]  }
0x74: {  	[tilespmem:s19], [sflag:$0x2] =	stream.linear.gather [hbm4b:s10+s0], $0x4000, $0x38;
	[tilespmem:$0x1C100] =	vst v63  }
0x75: {  	_ =	swait.ge [sflag:s20], $0x4000  }
0x76: {  	[sflag:s20] =	ssyncset.done $0x0  }
0x77: {  	[sflag:s20] =	ssyncadd.s32 $0xFFFFC000  }
0x78: {  	[spmem:s24] =	stream.linear.scatter [tilespmem:s19], [sflag:$0x2], $0x4000, $0x38;
	[tilespmem:$0x1C100] =	vst v63  }
0x79: {  	_ =	swait.ge [sflag:s20], $0x4000  }
0x7a: {  	[sflag:s20] =	ssyncset.done $0x0  }
0x7b: {  	[sflag:s20] =	ssyncadd.s32 $0xFFFFC000  }
0x7c: {  	[spmem:s15] =	stream.linear.scatter [tilespmem:s19], [sflag:$0x2], $0x4000, $0x38;
	[tilespmem:$0x1C100] =	vst v63  }
0x7d: {  	_ =	swait.ge [sflag:s20], $0x4000  }
0x7e: {  	[sflag:s20] =	ssyncset.done $0x0  }
0x7f: {  	[sflag:s20] =	ssyncadd.s32 $0xFFFFC000  }
0x80: {  	[spmem:s16] =	stream.linear.scatter [tilespmem:s19], [sflag:$0x2], $0x4000, $0x38;
	[tilespmem:$0x1C100] =	vst v63  }
0x81: {  	_ =	swait.ge [sflag:s20], $0x4000  }
0x82: {  	[sflag:s20] =	ssyncset.done $0x0  }
0x83: {  	[sflag:s20] =	ssyncadd.s32 $0xFFFFC000  }
0x84: {  	[spmem:s17] =	stream.linear.scatter [tilespmem:s19], [sflag:$0x2], $0x4000, $0x38;
	[tilespmem:$0x1C100] =	vst v63  }
0x85: {  	_ =	swait.ge [sflag:s20], $0x4000  }
0x86: {  	[sflag:s20] =	ssyncset.done $0x0  }
0x87: {  	[sflag:s20] =	ssyncadd.s32 $0xFFFFC000  }
0x88: {  	[spmem:s18] =	stream.linear.scatter [tilespmem:s19], [sflag:$0x2], $0x4000, $0x38;
	[tilespmem:$0x1C100] =	vst v63  }
.Ltmp2:
0x89: {  	_ =	swait.ge [sflag:s20], $0x4000;
	(pc) =	sbr.rel @p0 .LBB2_5-.Ltmp2, $3  }
0x8a: {  	[sflag:s20] =	ssyncset.done $0x0  }
0x8b: {  	[sflag:s20] =	ssyncadd.s32 $0xFFFFC000  }
0x8c: {  	[bflag:$0x0] =	sbarrier.arrive $0xFFFF;
	_ =	sdelay $0x1  }
0x8d: {  	s14 =	rddreg [dreg:$0x1b]  }
0x8e: {  	[tilespmem:s21], [sflag:$0x2] =	stream.linear.gather [hbm4b:s14+s0], $0x80, $0x38;
	[tilespmem:$0x1C100] =	vst v63  }
0x8f: {  	_ =	swait.ge [sflag:s20], $0x80  }
0x90: {  	[sflag:s20] =	ssyncset.done $0x0  }
0x91: {  	s13 =	rddreg [dreg:$0x19];
	[sflag:s20] =	ssyncadd.s32 $0xFFFFFF80  }
0x92: {  	[tilespmem:s22], [sflag:$0x2] =	stream.linear.gather [hbm4b:s13+s0], $0x80, $0x38;
	[tilespmem:$0x1C100] =	vst v63  }
0x93: {  	_ =	swait.ge [sflag:s20], $0x80  }
0x94: {  	[sflag:s20] =	ssyncset.done $0x0  }
0x95: {  	[sflag:s20] =	ssyncadd.s32 $0xFFFFFF80  }
0x96: {  	[tilespmem:s28], [sflag:$0x1] =	stream.indirect.gather [hbm4b:s2+s23], $0x80, s21, s23, $0xb8;
	[tilespmem:$0x1C100] =	vst v63  }
0x97: {  	p1 =	sne.s32 s9, $0x1;
	_ =	swait.ge [sflag:s29], $0x4000  }
.Ltmp3:
0x98: {  	[sflag:s29] =	ssyncset.done $0x0;
	(pc) =	sbr.rel @!p1 .LBB2_4-.Ltmp3, $4  }
0x99: {  	[sflag:s29] =	ssyncadd.s32 $0xFFFFC000  }
0x9a: {  	[spmem:s26] =	stream.indirect.scatter.add.f32 [tilespmem:s28], [sflag:$0x2], $0x80, s22, s23, $0xb8;
	[tilespmem:$0x1C100] =	vst v63  }
0x9b: {  	_ =	swait.ge [sflag:s20], $0x4000  }
0x9c: {  	s12 =	sadd.s32 $0xFFFFFFFF, s9;
	[sflag:s20] =	ssyncset.done $0x0  }
.LBB2_3:
0x9d: {  	[sflag:s20] =	ssyncadd.s32 $0xFFFFC000;
	s13 =	sadd.s32 $0x10, s13;
	s14 =	sadd.s32 $0x10, s14  }
0x9e: {  	[tilespmem:s21], [sflag:$0x2] =	stream.linear.gather [hbm4b:s14+s0], $0x80, $0x38;
	[tilespmem:$0x1C100] =	vst v63  }
0x9f: {  	p1 =	sne.s32 s12, $0x1;
	s12 =	sadd.s32 $0xFFFFFFFF, s12;
	_ =	swait.ge [sflag:s20], $0x80  }
0xa0: {  	[sflag:s20] =	ssyncset.done $0x0  }
0xa1: {  	[sflag:s20] =	ssyncadd.s32 $0xFFFFFF80  }
0xa2: {  	[tilespmem:s22], [sflag:$0x2] =	stream.linear.gather [hbm4b:s13+s0], $0x80, $0x38;
	[tilespmem:$0x1C100] =	vst v63  }
0xa3: {  	_ =	swait.ge [sflag:s20], $0x80  }
0xa4: {  	[sflag:s20] =	ssyncset.done $0x0  }
0xa5: {  	[sflag:s20] =	ssyncadd.s32 $0xFFFFFF80  }
0xa6: {  	[tilespmem:s28], [sflag:$0x1] =	stream.indirect.gather [hbm4b:s2+s23], $0x80, s21, s23, $0xb8;
	[tilespmem:$0x1C100] =	vst v63  }
0xa7: {  	_ =	swait.ge [sflag:s29], $0x4000  }
.Ltmp4:
0xa8: {  	[sflag:s29] =	ssyncset.done $0x0;
	(pc) =	sbr.rel @p1 .LBB2_3-.Ltmp4, $4  }
0xa9: {  	[sflag:s29] =	ssyncadd.s32 $0xFFFFC000  }
0xaa: {  	[spmem:s26] =	stream.indirect.scatter.add.f32 [tilespmem:s28], [sflag:$0x2], $0x80, s22, s23, $0xb8;
	[tilespmem:$0x1C100] =	vst v63  }
0xab: {  	_ =	swait.ge [sflag:s20], $0x4000  }
0xac: {  	[sflag:s20] =	ssyncset.done $0x0  }
.LBB2_4:
0xad: {  	s13 =	rddreg [dreg:$0x1c]  }
0xae: {  	[sflag:s20] =	ssyncadd.s32 $0xFFFFC000;
	s11 =	rddreg [dreg:$0x1d]  }
.LBB2_5:
0xaf: {  	[bflag:$0x0] =	sbarrier.arrive $0xFFFF  }
0xb0: {  	[tilespmem:s28], [sflag:$0x2] =	stream.linear.gather [spmem:s24], $0x4000, $0x38;
	[tilespmem:$0x1C100] =	vst v63  }
0xb1: {  	_ =	swait.ge [sflag:s20], $0x4000  }
0xb2: {  	[sflag:s20] =	ssyncset.done $0x0  }
0xb3: {  	s10 =	rddreg [dreg:$0x4];
	[sflag:s20] =	ssyncadd.s32 $0xFFFFC000  }
0xb4: {  	[hbm4b:s10+s0] =	stream.linear.scatter [tilespmem:s28], [sflag:$0x2], $0x4000, $0x38;
	[tilespmem:$0x1C100] =	vst v63  }
0xb5: {  	_ =	swait.ge [sflag:s20], $0x4000  }
0xb6: {  	[sflag:s20] =	ssyncset.done $0x0  }
0xb7: {  	[sflag:s20] =	ssyncadd.s32 $0xFFFFC000  }
0xb8: {  	[tilespmem:s28], [sflag:$0x2] =	stream.linear.gather [spmem:s25], $0x4000, $0x38;
	[tilespmem:$0x1C100] =	vst v63  }
0xb9: {  	_ =	swait.ge [sflag:s20], $0x4000  }
0xba: {  	[sflag:s20] =	ssyncset.done $0x0  }
0xbb: {  	s12 =	rddreg [dreg:$0x5];
	[sflag:s20] =	ssyncadd.s32 $0xFFFFC000  }
0xbc: {  	[hbm4b:s12+s0] =	stream.linear.scatter [tilespmem:s28], [sflag:$0x2], $0x4000, $0x38;
	[tilespmem:$0x1C100] =	vst v63  }
0xbd: {  	_ =	swait.ge [sflag:s20], $0x4000  }
0xbe: {  	[sflag:s20] =	ssyncset.done $0x0  }
0xbf: {  	[sflag:s20] =	ssyncadd.s32 $0xFFFFC000  }
0xc0: {  	[tilespmem:s28], [sflag:$0x2] =	stream.linear.gather [spmem:s6], $0x4000, $0x38;
	[tilespmem:$0x1C100] =	vst v63  }
0xc1: {  	_ =	swait.ge [sflag:s20], $0x4000  }
0xc2: {  	[sflag:s20] =	ssyncset.done $0x0  }
0xc3: {  	s14 =	rddreg [dreg:$0x6];
	[sflag:s20] =	ssyncadd.s32 $0xFFFFC000  }
0xc4: {  	[hbm4b:s14+s0] =	stream.linear.scatter [tilespmem:s28], [sflag:$0x2], $0x4000, $0x38;
	[tilespmem:$0x1C100] =	vst v63  }
0xc5: {  	_ =	swait.ge [sflag:s20], $0x4000  }
0xc6: {  	[sflag:s20] =	ssyncset.done $0x0  }
0xc7: {  	[sflag:s20] =	ssyncadd.s32 $0xFFFFC000  }
0xc8: {  	[tilespmem:s28], [sflag:$0x2] =	stream.linear.gather [spmem:s7], $0x4000, $0x38;
	[tilespmem:$0x1C100] =	vst v63  }
0xc9: {  	_ =	swait.ge [sflag:s20], $0x4000  }
0xca: {  	[sflag:s20] =	ssyncset.done $0x0  }
0xcb: {  	s12 =	rddreg [dreg:$0x7];
	[sflag:s20] =	ssyncadd.s32 $0xFFFFC000  }
0xcc: {  	[hbm4b:s12+s0] =	stream.linear.scatter [tilespmem:s28], [sflag:$0x2], $0x4000, $0x38;
	[tilespmem:$0x1C100] =	vst v63  }
0xcd: {  	_ =	swait.ge [sflag:s20], $0x4000  }
0xce: {  	[sflag:s20] =	ssyncset.done $0x0  }
0xcf: {  	[sflag:s20] =	ssyncadd.s32 $0xFFFFC000  }
0xd0: {  	[tilespmem:s28], [sflag:$0x2] =	stream.linear.gather [spmem:s8], $0x4000, $0x38;
	[tilespmem:$0x1C100] =	vst v63  }
0xd1: {  	_ =	swait.ge [sflag:s20], $0x4000  }
0xd2: {  	[sflag:s20] =	ssyncset.done $0x0  }
0xd3: {  	s14 =	rddreg [dreg:$0x8];
	[sflag:s20] =	ssyncadd.s32 $0xFFFFC000  }
0xd4: {  	[hbm4b:s14+s0] =	stream.linear.scatter [tilespmem:s28], [sflag:$0x2], $0x4000, $0x38;
	[tilespmem:$0x1C100] =	vst v63  }
0xd5: {  	_ =	swait.ge [sflag:s20], $0x4000  }
0xd6: {  	[sflag:s20] =	ssyncset.done $0x0  }
0xd7: {  	[sflag:s20] =	ssyncadd.s32 $0xFFFFC000  }
0xd8: {  	[spmem:s24] =	stream.linear.scatter [tilespmem:s19], [sflag:$0x2], $0x4000, $0x38;
	[tilespmem:$0x1C100] =	vst v63  }
0xd9: {  	_ =	swait.ge [sflag:s20], $0x4000  }
0xda: {  	[sflag:s20] =	ssyncset.done $0x0  }
0xdb: {  	[sflag:s20] =	ssyncadd.s32 $0xFFFFC000  }
0xdc: {  	[spmem:s15] =	stream.linear.scatter [tilespmem:s19], [sflag:$0x2], $0x4000, $0x38;
	[tilespmem:$0x1C100] =	vst v63  }
0xdd: {  	_ =	swait.ge [sflag:s20], $0x4000  }
0xde: {  	[sflag:s20] =	ssyncset.done $0x0  }
0xdf: {  	[sflag:s20] =	ssyncadd.s32 $0xFFFFC000  }
0xe0: {  	[spmem:s16] =	stream.linear.scatter [tilespmem:s19], [sflag:$0x2], $0x4000, $0x38;
	[tilespmem:$0x1C100] =	vst v63  }
0xe1: {  	_ =	swait.ge [sflag:s20], $0x4000  }
0xe2: {  	[sflag:s20] =	ssyncset.done $0x0  }
0xe3: {  	[sflag:s20] =	ssyncadd.s32 $0xFFFFC000  }
0xe4: {  	[spmem:s17] =	stream.linear.scatter [tilespmem:s19], [sflag:$0x2], $0x4000, $0x38;
	[tilespmem:$0x1C100] =	vst v63  }
0xe5: {  	_ =	swait.ge [sflag:s20], $0x4000  }
0xe6: {  	[sflag:s20] =	ssyncset.done $0x0  }
0xe7: {  	[sflag:s20] =	ssyncadd.s32 $0xFFFFC000  }
0xe8: {  	[spmem:s18] =	stream.linear.scatter [tilespmem:s19], [sflag:$0x2], $0x4000, $0x38;
	[tilespmem:$0x1C100] =	vst v63  }
.Ltmp5:
0xe9: {  	_ =	swait.ge [sflag:s20], $0x4000;
	(pc) =	sbr.rel @p0 .LBB2_12-.Ltmp5, $3  }
0xea: {  	[sflag:s20] =	ssyncset.done $0x0  }
0xeb: {  	[sflag:s20] =	ssyncadd.s32 $0xFFFFC000  }
0xec: {  	[bflag:$0x0] =	sbarrier.arrive $0xFFFF;
	_ =	sdelay $0x1  }
0xed: {  	p2 =	sne.s32 s9, $0x1  }
.Ltmp6:
0xee: {  	_ = 	snop;
	(pc) =	sbr.rel @!p2 .LBB2_11-.Ltmp6, $3  }
0xef: {  	_ =	sdelay $0x1  }
0xf0: {  	s10 =	rddreg [dreg:$0x1a]  }
0xf1: {  	s12 =	sadd.s32 $0xFFFFFFFF, s9;
	p1 =	por $0x0, $0x0;
	s14 =	sshrl.u32 s10, $0x3  }
0xf2: {  	s13 =	sadd.s32 s30, s14  }
0xf3: {  	[tilespmem:s21], [sflag:$0x2] =	stream.linear.gather [hbm4b:s13+s0], $0x80, $0x38;
	[tilespmem:$0x1C100] =	vst v63  }
0xf4: {  	_ =	swait.ge [sflag:s20], $0x80  }
0xf5: {  	[sflag:s20] =	ssyncset.done $0x0  }
0xf6: {  	s14 =	sadd.s32 s31, s14;
	[sflag:s20] =	ssyncadd.s32 $0xFFFFFF80  }
0xf7: {  	[tilespmem:s22], [sflag:$0x2] =	stream.linear.gather [hbm4b:s14+s0], $0x80, $0x38;
	[tilespmem:$0x1C100] =	vst v63  }
0xf8: {  	_ =	swait.ge [sflag:s20], $0x80  }
0xf9: {  	[sflag:s20] =	ssyncset.done $0x0  }
0xfa: {  	[sflag:s20] =	ssyncadd.s32 $0xFFFFFF80  }
0xfb: {  	[tilespmem:s28], [sflag:$0x1] =	stream.indirect.gather [hbm4b:s3+s23], $0x80, s21, s23, $0xb8;
	[tilespmem:$0x1C100] =	vst v63  }
0xfc: {  	p2 =	sne.s32 s12, $0x1;
	_ =	swait.ge [sflag:s29], $0x4000  }
.Ltmp7:
0xfd: {  	[sflag:s29] =	ssyncset.done $0x0;
	(pc) =	sbr.rel @!p2 .LBB2_8-.Ltmp7, $4  }
0xfe: {  	[sflag:s29] =	ssyncadd.s32 $0xFFFFC000  }
0xff: {  	[spmem:s26] =	stream.indirect.scatter.add.f32 [tilespmem:s28], [sflag:$0x2], $0x80, s22, s23, $0xb8;
	[tilespmem:$0x1C100] =	vst v63  }
0x100: {  	s12 =	sadd.s32 $0xFFFFFFFF, s12;
	s13 =	sadd.s32 $0x80, s10;
	_ =	swait.ge [sflag:s20], $0x4000  }
0x101: {  	p1 =	por $0x1, $0x1;
	s14 =	sshrl.u32 s13, $0x3;
	[sflag:s20] =	ssyncset.done $0x0  }
.LBB2_9:
0x102: {  	p2 =	sne.s32 s12, $0x1;
	s10 =	sadd.s32 s30, s14;
	[sflag:s20] =	ssyncadd.s32 $0xFFFFC000  }
0x103: {  	[tilespmem:s21], [sflag:$0x2] =	stream.linear.gather [hbm4b:s10+s0], $0x80, $0x38;
	[tilespmem:$0x1C100] =	vst v63  }
0x104: {  	s12 =	sadd.s32 $0xFFFFFFFF, s12;
	_ =	swait.ge [sflag:s20], $0x80  }
0x105: {  	[sflag:s20] =	ssyncset.done $0x0  }
0x106: {  	s10 =	sadd.s32 s31, s14;
	[sflag:s20] =	ssyncadd.s32 $0xFFFFFF80  }
0x107: {  	[tilespmem:s22], [sflag:$0x2] =	stream.linear.gather [hbm4b:s10+s0], $0x80, $0x38;
	[tilespmem:$0x1C100] =	vst v63  }
0x108: {  	_ =	swait.ge [sflag:s20], $0x80  }
0x109: {  	[sflag:s20] =	ssyncset.done $0x0  }
0x10a: {  	[sflag:s20] =	ssyncadd.s32 $0xFFFFFF80  }
0x10b: {  	[tilespmem:s28], [sflag:$0x1] =	stream.indirect.gather [hbm4b:s3+s23], $0x80, s21, s23, $0xb8;
	[tilespmem:$0x1C100] =	vst v63  }
0x10c: {  	_ =	swait.ge [sflag:s29], $0x4000  }
.Ltmp8:
0x10d: {  	[sflag:s29] =	ssyncset.done $0x0;
	(pc) =	sbr.rel @p2 .LBB2_9-.Ltmp8, $4  }
0x10e: {  	[sflag:s29] =	ssyncadd.s32 $0xFFFFC000  }
0x10f: {  	[spmem:s26] =	stream.indirect.scatter.add.f32 [tilespmem:s28], [sflag:$0x2], $0x80, s22, s23, $0xb8;
	[tilespmem:$0x1C100] =	vst v63  }
0x110: {  	s13 =	sadd.s32 $0x80, s13;
	_ =	swait.ge [sflag:s20], $0x4000  }
0x111: {  	s14 =	sshrl.u32 s13, $0x3;
	[sflag:s20] =	ssyncset.done $0x0  }
0x112: {  	s13 =	rddreg [dreg:$0x1c]  }
.LBB2_11:
0x113: {  	s10 =	sadd.s32 s30, s14;
	[sflag:s20] =	ssyncadd.s32 @p1 $0xFFFFC000  }
0x114: {  	[tilespmem:s21], [sflag:$0x2] =	stream.linear.gather [hbm4b:s10+s0], $0x80, $0x38;
	[tilespmem:$0x1C100] =	vst v63  }
0x115: {  	_ =	swait.ge [sflag:s20], $0x80  }
0x116: {  	[sflag:s20] =	ssyncset.done $0x0  }
0x117: {  	s14 =	sadd.s32 s31, s14;
	[sflag:s20] =	ssyncadd.s32 $0xFFFFFF80  }
0x118: {  	[tilespmem:s22], [sflag:$0x2] =	stream.linear.gather [hbm4b:s14+s0], $0x80, $0x38;
	[tilespmem:$0x1C100] =	vst v63  }
0x119: {  	_ =	swait.ge [sflag:s20], $0x80  }
0x11a: {  	[sflag:s20] =	ssyncset.done $0x0  }
0x11b: {  	[sflag:s20] =	ssyncadd.s32 $0xFFFFFF80  }
0x11c: {  	[tilespmem:s28], [sflag:$0x1] =	stream.indirect.gather [hbm4b:s3+s23], $0x80, s21, s23, $0xb8;
	[tilespmem:$0x1C100] =	vst v63  }
0x11d: {  	_ =	swait.ge [sflag:s29], $0x4000  }
0x11e: {  	[sflag:s29] =	ssyncset.done $0x0  }
0x11f: {  	[sflag:s29] =	ssyncadd.s32 $0xFFFFC000  }
0x120: {  	[spmem:s26] =	stream.indirect.scatter.add.f32 [tilespmem:s28], [sflag:$0x2], $0x80, s22, s23, $0xb8;
	[tilespmem:$0x1C100] =	vst v63  }
0x121: {  	_ =	swait.ge [sflag:s20], $0x4000  }
0x122: {  	[sflag:s20] =	ssyncset.done $0x0  }
0x123: {  	s11 =	rddreg [dreg:$0x1d];
	[sflag:s20] =	ssyncadd.s32 $0xFFFFC000  }
.LBB2_12:
0x124: {  	[bflag:$0x0] =	sbarrier.arrive $0xFFFF  }
0x125: {  	[tilespmem:s28], [sflag:$0x2] =	stream.linear.gather [spmem:s24], $0x4000, $0x38;
	[tilespmem:$0x1C100] =	vst v63  }
0x126: {  	_ =	swait.ge [sflag:s20], $0x4000  }
0x127: {  	[sflag:s20] =	ssyncset.done $0x0  }
0x128: {  	s10 =	rddreg [dreg:$0x9];
	[sflag:s20] =	ssyncadd.s32 $0xFFFFC000  }
0x129: {  	[hbm4b:s10+s0] =	stream.linear.scatter [tilespmem:s28], [sflag:$0x2], $0x4000, $0x38;
	[tilespmem:$0x1C100] =	vst v63  }
0x12a: {  	_ =	swait.ge [sflag:s20], $0x4000  }
0x12b: {  	[sflag:s20] =	ssyncset.done $0x0  }
0x12c: {  	[sflag:s20] =	ssyncadd.s32 $0xFFFFC000  }
0x12d: {  	[tilespmem:s28], [sflag:$0x2] =	stream.linear.gather [spmem:s25], $0x4000, $0x38;
	[tilespmem:$0x1C100] =	vst v63  }
0x12e: {  	_ =	swait.ge [sflag:s20], $0x4000  }
0x12f: {  	[sflag:s20] =	ssyncset.done $0x0  }
0x130: {  	s12 =	rddreg [dreg:$0xa];
	[sflag:s20] =	ssyncadd.s32 $0xFFFFC000  }
0x131: {  	[hbm4b:s12+s0] =	stream.linear.scatter [tilespmem:s28], [sflag:$0x2], $0x4000, $0x38;
	[tilespmem:$0x1C100] =	vst v63  }
0x132: {  	_ =	swait.ge [sflag:s20], $0x4000  }
0x133: {  	[sflag:s20] =	ssyncset.done $0x0  }
0x134: {  	[sflag:s20] =	ssyncadd.s32 $0xFFFFC000  }
0x135: {  	[tilespmem:s28], [sflag:$0x2] =	stream.linear.gather [spmem:s6], $0x4000, $0x38;
	[tilespmem:$0x1C100] =	vst v63  }
0x136: {  	_ =	swait.ge [sflag:s20], $0x4000  }
0x137: {  	[sflag:s20] =	ssyncset.done $0x0  }
0x138: {  	s14 =	rddreg [dreg:$0xb];
	[sflag:s20] =	ssyncadd.s32 $0xFFFFC000  }
0x139: {  	[hbm4b:s14+s0] =	stream.linear.scatter [tilespmem:s28], [sflag:$0x2], $0x4000, $0x38;
	[tilespmem:$0x1C100] =	vst v63  }
0x13a: {  	_ =	swait.ge [sflag:s20], $0x4000  }
0x13b: {  	[sflag:s20] =	ssyncset.done $0x0  }
0x13c: {  	[sflag:s20] =	ssyncadd.s32 $0xFFFFC000  }
0x13d: {  	[tilespmem:s28], [sflag:$0x2] =	stream.linear.gather [spmem:s7], $0x4000, $0x38;
	[tilespmem:$0x1C100] =	vst v63  }
0x13e: {  	_ =	swait.ge [sflag:s20], $0x4000  }
0x13f: {  	[sflag:s20] =	ssyncset.done $0x0  }
0x140: {  	s12 =	rddreg [dreg:$0xc];
	[sflag:s20] =	ssyncadd.s32 $0xFFFFC000  }
0x141: {  	[hbm4b:s12+s0] =	stream.linear.scatter [tilespmem:s28], [sflag:$0x2], $0x4000, $0x38;
	[tilespmem:$0x1C100] =	vst v63  }
0x142: {  	_ =	swait.ge [sflag:s20], $0x4000  }
0x143: {  	[sflag:s20] =	ssyncset.done $0x0  }
0x144: {  	[sflag:s20] =	ssyncadd.s32 $0xFFFFC000  }
0x145: {  	[tilespmem:s28], [sflag:$0x2] =	stream.linear.gather [spmem:s8], $0x4000, $0x38;
	[tilespmem:$0x1C100] =	vst v63  }
0x146: {  	_ =	swait.ge [sflag:s20], $0x4000  }
0x147: {  	[sflag:s20] =	ssyncset.done $0x0  }
0x148: {  	s14 =	rddreg [dreg:$0xd];
	[sflag:s20] =	ssyncadd.s32 $0xFFFFC000  }
0x149: {  	[hbm4b:s14+s0] =	stream.linear.scatter [tilespmem:s28], [sflag:$0x2], $0x4000, $0x38;
	[tilespmem:$0x1C100] =	vst v63  }
0x14a: {  	_ =	swait.ge [sflag:s20], $0x4000  }
0x14b: {  	[sflag:s20] =	ssyncset.done $0x0  }
0x14c: {  	[sflag:s20] =	ssyncadd.s32 $0xFFFFC000  }
0x14d: {  	[spmem:s24] =	stream.linear.scatter [tilespmem:s19], [sflag:$0x2], $0x4000, $0x38;
	[tilespmem:$0x1C100] =	vst v63  }
0x14e: {  	_ =	swait.ge [sflag:s20], $0x4000  }
0x14f: {  	[sflag:s20] =	ssyncset.done $0x0  }
0x150: {  	[sflag:s20] =	ssyncadd.s32 $0xFFFFC000  }
0x151: {  	[spmem:s15] =	stream.linear.scatter [tilespmem:s19], [sflag:$0x2], $0x4000, $0x38;
	[tilespmem:$0x1C100] =	vst v63  }
0x152: {  	_ =	swait.ge [sflag:s20], $0x4000  }
0x153: {  	[sflag:s20] =	ssyncset.done $0x0  }
0x154: {  	[sflag:s20] =	ssyncadd.s32 $0xFFFFC000  }
0x155: {  	[spmem:s16] =	stream.linear.scatter [tilespmem:s19], [sflag:$0x2], $0x4000, $0x38;
	[tilespmem:$0x1C100] =	vst v63  }
0x156: {  	_ =	swait.ge [sflag:s20], $0x4000  }
0x157: {  	[sflag:s20] =	ssyncset.done $0x0  }
0x158: {  	[sflag:s20] =	ssyncadd.s32 $0xFFFFC000  }
0x159: {  	[spmem:s17] =	stream.linear.scatter [tilespmem:s19], [sflag:$0x2], $0x4000, $0x38;
	[tilespmem:$0x1C100] =	vst v63  }
0x15a: {  	_ =	swait.ge [sflag:s20], $0x4000  }
0x15b: {  	[sflag:s20] =	ssyncset.done $0x0  }
0x15c: {  	[sflag:s20] =	ssyncadd.s32 $0xFFFFC000  }
0x15d: {  	[spmem:s18] =	stream.linear.scatter [tilespmem:s19], [sflag:$0x2], $0x4000, $0x38;
	[tilespmem:$0x1C100] =	vst v63  }
.Ltmp9:
0x15e: {  	_ =	swait.ge [sflag:s20], $0x4000;
	(pc) =	sbr.rel @p0 .LBB2_19-.Ltmp9, $3  }
0x15f: {  	[sflag:s20] =	ssyncset.done $0x0  }
0x160: {  	[sflag:s20] =	ssyncadd.s32 $0xFFFFC000  }
0x161: {  	[bflag:$0x0] =	sbarrier.arrive $0xFFFF;
	_ =	sdelay $0x1  }
0x162: {  	p2 =	sne.s32 s9, $0x1  }
.Ltmp10:
0x163: {  	_ = 	snop;
	(pc) =	sbr.rel @!p2 .LBB2_18-.Ltmp10, $2  }
0x164: {  	_ =	sdelay $0x2  }
0x165: {  	s12 =	sadd.s32 $0xFFFFFFFF, s9;
	s14 =	sshrl.u32 s13, $0x3;
	p1 =	por $0x0, $0x0  }
0x166: {  	s10 =	sadd.s32 s30, s14  }
0x167: {  	[tilespmem:s21], [sflag:$0x2] =	stream.linear.gather [hbm4b:s10+s0], $0x80, $0x38;
	[tilespmem:$0x1C100] =	vst v63  }
0x168: {  	_ =	swait.ge [sflag:s20], $0x80  }
0x169: {  	[sflag:s20] =	ssyncset.done $0x0  }
0x16a: {  	s14 =	sadd.s32 s31, s14;
	[sflag:s20] =	ssyncadd.s32 $0xFFFFFF80  }
0x16b: {  	[tilespmem:s22], [sflag:$0x2] =	stream.linear.gather [hbm4b:s14+s0], $0x80, $0x38;
	[tilespmem:$0x1C100] =	vst v63  }
0x16c: {  	_ =	swait.ge [sflag:s20], $0x80  }
0x16d: {  	[sflag:s20] =	ssyncset.done $0x0  }
0x16e: {  	[sflag:s20] =	ssyncadd.s32 $0xFFFFFF80  }
0x16f: {  	[tilespmem:s28], [sflag:$0x1] =	stream.indirect.gather [hbm4b:s4+s23], $0x80, s21, s23, $0xb8;
	[tilespmem:$0x1C100] =	vst v63  }
0x170: {  	p2 =	sne.s32 s12, $0x1;
	_ =	swait.ge [sflag:s29], $0x4000  }
.Ltmp11:
0x171: {  	[sflag:s29] =	ssyncset.done $0x0;
	(pc) =	sbr.rel @!p2 .LBB2_15-.Ltmp11, $4  }
0x172: {  	[sflag:s29] =	ssyncadd.s32 $0xFFFFC000  }
0x173: {  	[spmem:s26] =	stream.indirect.scatter.add.f32 [tilespmem:s28], [sflag:$0x2], $0x80, s22, s23, $0xb8;
	[tilespmem:$0x1C100] =	vst v63  }
0x174: {  	s12 =	sadd.s32 $0xFFFFFFFF, s12;
	s13 =	sadd.s32 $0x80, s13;
	_ =	swait.ge [sflag:s20], $0x4000  }
0x175: {  	p1 =	por $0x1, $0x1;
	s14 =	sshrl.u32 s13, $0x3;
	[sflag:s20] =	ssyncset.done $0x0  }
.LBB2_16:
0x176: {  	p2 =	sne.s32 s12, $0x1;
	s10 =	sadd.s32 s30, s14;
	[sflag:s20] =	ssyncadd.s32 $0xFFFFC000  }
0x177: {  	[tilespmem:s21], [sflag:$0x2] =	stream.linear.gather [hbm4b:s10+s0], $0x80, $0x38;
	[tilespmem:$0x1C100] =	vst v63  }
0x178: {  	s12 =	sadd.s32 $0xFFFFFFFF, s12;
	_ =	swait.ge [sflag:s20], $0x80  }
0x179: {  	[sflag:s20] =	ssyncset.done $0x0  }
0x17a: {  	s10 =	sadd.s32 s31, s14;
	[sflag:s20] =	ssyncadd.s32 $0xFFFFFF80  }
0x17b: {  	[tilespmem:s22], [sflag:$0x2] =	stream.linear.gather [hbm4b:s10+s0], $0x80, $0x38;
	[tilespmem:$0x1C100] =	vst v63  }
0x17c: {  	_ =	swait.ge [sflag:s20], $0x80  }
0x17d: {  	[sflag:s20] =	ssyncset.done $0x0  }
0x17e: {  	[sflag:s20] =	ssyncadd.s32 $0xFFFFFF80  }
0x17f: {  	[tilespmem:s28], [sflag:$0x1] =	stream.indirect.gather [hbm4b:s4+s23], $0x80, s21, s23, $0xb8;
	[tilespmem:$0x1C100] =	vst v63  }
0x180: {  	_ =	swait.ge [sflag:s29], $0x4000  }
.Ltmp12:
0x181: {  	[sflag:s29] =	ssyncset.done $0x0;
	(pc) =	sbr.rel @p2 .LBB2_16-.Ltmp12, $4  }
0x182: {  	[sflag:s29] =	ssyncadd.s32 $0xFFFFC000  }
0x183: {  	[spmem:s26] =	stream.indirect.scatter.add.f32 [tilespmem:s28], [sflag:$0x2], $0x80, s22, s23, $0xb8;
	[tilespmem:$0x1C100] =	vst v63  }
0x184: {  	s13 =	sadd.s32 $0x80, s13;
	_ =	swait.ge [sflag:s20], $0x4000  }
0x185: {  	s14 =	sshrl.u32 s13, $0x3;
	[sflag:s20] =	ssyncset.done $0x0  }
0x186: {  	s13 =	rddreg [dreg:$0x1c]  }
.LBB2_18:
0x187: {  	s10 =	sadd.s32 s30, s14;
	[sflag:s20] =	ssyncadd.s32 @p1 $0xFFFFC000  }
0x188: {  	[tilespmem:s21], [sflag:$0x2] =	stream.linear.gather [hbm4b:s10+s0], $0x80, $0x38;
	[tilespmem:$0x1C100] =	vst v63  }
0x189: {  	_ =	swait.ge [sflag:s20], $0x80  }
0x18a: {  	[sflag:s20] =	ssyncset.done $0x0  }
0x18b: {  	s14 =	sadd.s32 s31, s14;
	[sflag:s20] =	ssyncadd.s32 $0xFFFFFF80  }
0x18c: {  	[tilespmem:s22], [sflag:$0x2] =	stream.linear.gather [hbm4b:s14+s0], $0x80, $0x38;
	[tilespmem:$0x1C100] =	vst v63  }
0x18d: {  	_ =	swait.ge [sflag:s20], $0x80  }
0x18e: {  	[sflag:s20] =	ssyncset.done $0x0  }
0x18f: {  	[sflag:s20] =	ssyncadd.s32 $0xFFFFFF80  }
0x190: {  	[tilespmem:s28], [sflag:$0x1] =	stream.indirect.gather [hbm4b:s4+s23], $0x80, s21, s23, $0xb8;
	[tilespmem:$0x1C100] =	vst v63  }
0x191: {  	_ =	swait.ge [sflag:s29], $0x4000  }
0x192: {  	[sflag:s29] =	ssyncset.done $0x0  }
0x193: {  	[sflag:s29] =	ssyncadd.s32 $0xFFFFC000  }
0x194: {  	[spmem:s26] =	stream.indirect.scatter.add.f32 [tilespmem:s28], [sflag:$0x2], $0x80, s22, s23, $0xb8;
	[tilespmem:$0x1C100] =	vst v63  }
0x195: {  	_ =	swait.ge [sflag:s20], $0x4000  }
0x196: {  	[sflag:s20] =	ssyncset.done $0x0  }
0x197: {  	s11 =	rddreg [dreg:$0x1d];
	[sflag:s20] =	ssyncadd.s32 $0xFFFFC000  }
.LBB2_19:
0x198: {  	[bflag:$0x0] =	sbarrier.arrive $0xFFFF  }
0x199: {  	[tilespmem:s28], [sflag:$0x2] =	stream.linear.gather [spmem:s24], $0x4000, $0x38;
	[tilespmem:$0x1C100] =	vst v63  }
0x19a: {  	_ =	swait.ge [sflag:s20], $0x4000  }
0x19b: {  	[sflag:s20] =	ssyncset.done $0x0  }
0x19c: {  	s10 =	rddreg [dreg:$0xe];
	[sflag:s20] =	ssyncadd.s32 $0xFFFFC000  }
0x19d: {  	[hbm4b:s10+s0] =	stream.linear.scatter [tilespmem:s28], [sflag:$0x2], $0x4000, $0x38;
	[tilespmem:$0x1C100] =	vst v63  }
0x19e: {  	_ =	swait.ge [sflag:s20], $0x4000  }
0x19f: {  	[sflag:s20] =	ssyncset.done $0x0  }
0x1a0: {  	[sflag:s20] =	ssyncadd.s32 $0xFFFFC000  }
0x1a1: {  	[tilespmem:s28], [sflag:$0x2] =	stream.linear.gather [spmem:s25], $0x4000, $0x38;
	[tilespmem:$0x1C100] =	vst v63  }
0x1a2: {  	_ =	swait.ge [sflag:s20], $0x4000  }
0x1a3: {  	[sflag:s20] =	ssyncset.done $0x0  }
0x1a4: {  	s12 =	rddreg [dreg:$0xf];
	[sflag:s20] =	ssyncadd.s32 $0xFFFFC000  }
0x1a5: {  	[hbm4b:s12+s0] =	stream.linear.scatter [tilespmem:s28], [sflag:$0x2], $0x4000, $0x38;
	[tilespmem:$0x1C100] =	vst v63  }
0x1a6: {  	_ =	swait.ge [sflag:s20], $0x4000  }
0x1a7: {  	[sflag:s20] =	ssyncset.done $0x0  }
0x1a8: {  	[sflag:s20] =	ssyncadd.s32 $0xFFFFC000  }
0x1a9: {  	[tilespmem:s28], [sflag:$0x2] =	stream.linear.gather [spmem:s6], $0x4000, $0x38;
	[tilespmem:$0x1C100] =	vst v63  }
0x1aa: {  	_ =	swait.ge [sflag:s20], $0x4000  }
0x1ab: {  	[sflag:s20] =	ssyncset.done $0x0  }
0x1ac: {  	s14 =	rddreg [dreg:$0x10];
	[sflag:s20] =	ssyncadd.s32 $0xFFFFC000  }
0x1ad: {  	[hbm4b:s14+s0] =	stream.linear.scatter [tilespmem:s28], [sflag:$0x2], $0x4000, $0x38;
	[tilespmem:$0x1C100] =	vst v63  }
0x1ae: {  	_ =	swait.ge [sflag:s20], $0x4000  }
0x1af: {  	[sflag:s20] =	ssyncset.done $0x0  }
0x1b0: {  	[sflag:s20] =	ssyncadd.s32 $0xFFFFC000  }
0x1b1: {  	[tilespmem:s28], [sflag:$0x2] =	stream.linear.gather [spmem:s7], $0x4000, $0x38;
	[tilespmem:$0x1C100] =	vst v63  }
0x1b2: {  	_ =	swait.ge [sflag:s20], $0x4000  }
0x1b3: {  	[sflag:s20] =	ssyncset.done $0x0  }
0x1b4: {  	s12 =	rddreg [dreg:$0x11];
	[sflag:s20] =	ssyncadd.s32 $0xFFFFC000  }
0x1b5: {  	[hbm4b:s12+s0] =	stream.linear.scatter [tilespmem:s28], [sflag:$0x2], $0x4000, $0x38;
	[tilespmem:$0x1C100] =	vst v63  }
0x1b6: {  	_ =	swait.ge [sflag:s20], $0x4000  }
0x1b7: {  	[sflag:s20] =	ssyncset.done $0x0  }
0x1b8: {  	[sflag:s20] =	ssyncadd.s32 $0xFFFFC000  }
0x1b9: {  	[tilespmem:s28], [sflag:$0x2] =	stream.linear.gather [spmem:s8], $0x4000, $0x38;
	[tilespmem:$0x1C100] =	vst v63  }
0x1ba: {  	_ =	swait.ge [sflag:s20], $0x4000  }
0x1bb: {  	[sflag:s20] =	ssyncset.done $0x0  }
0x1bc: {  	s14 =	rddreg [dreg:$0x12];
	[sflag:s20] =	ssyncadd.s32 $0xFFFFC000  }
0x1bd: {  	[hbm4b:s14+s0] =	stream.linear.scatter [tilespmem:s28], [sflag:$0x2], $0x4000, $0x38;
	[tilespmem:$0x1C100] =	vst v63  }
0x1be: {  	_ =	swait.ge [sflag:s20], $0x4000  }
0x1bf: {  	[sflag:s20] =	ssyncset.done $0x0  }
0x1c0: {  	[sflag:s20] =	ssyncadd.s32 $0xFFFFC000  }
0x1c1: {  	[spmem:s24] =	stream.linear.scatter [tilespmem:s19], [sflag:$0x2], $0x4000, $0x38;
	[tilespmem:$0x1C100] =	vst v63  }
0x1c2: {  	_ =	swait.ge [sflag:s20], $0x4000  }
0x1c3: {  	[sflag:s20] =	ssyncset.done $0x0  }
0x1c4: {  	[sflag:s20] =	ssyncadd.s32 $0xFFFFC000  }
0x1c5: {  	[spmem:s15] =	stream.linear.scatter [tilespmem:s19], [sflag:$0x2], $0x4000, $0x38;
	[tilespmem:$0x1C100] =	vst v63  }
0x1c6: {  	_ =	swait.ge [sflag:s20], $0x4000  }
0x1c7: {  	[sflag:s20] =	ssyncset.done $0x0  }
0x1c8: {  	[sflag:s20] =	ssyncadd.s32 $0xFFFFC000  }
0x1c9: {  	[spmem:s16] =	stream.linear.scatter [tilespmem:s19], [sflag:$0x2], $0x4000, $0x38;
	[tilespmem:$0x1C100] =	vst v63  }
0x1ca: {  	_ =	swait.ge [sflag:s20], $0x4000  }
0x1cb: {  	[sflag:s20] =	ssyncset.done $0x0  }
0x1cc: {  	[sflag:s20] =	ssyncadd.s32 $0xFFFFC000  }
0x1cd: {  	[spmem:s17] =	stream.linear.scatter [tilespmem:s19], [sflag:$0x2], $0x4000, $0x38;
	[tilespmem:$0x1C100] =	vst v63  }
0x1ce: {  	_ =	swait.ge [sflag:s20], $0x4000  }
0x1cf: {  	[sflag:s20] =	ssyncset.done $0x0  }
0x1d0: {  	[sflag:s20] =	ssyncadd.s32 $0xFFFFC000  }
0x1d1: {  	[spmem:s18] =	stream.linear.scatter [tilespmem:s19], [sflag:$0x2], $0x4000, $0x38;
	[tilespmem:$0x1C100] =	vst v63  }
.Ltmp13:
0x1d2: {  	_ =	swait.ge [sflag:s20], $0x4000;
	(pc) =	sbr.rel @p0 .LBB2_26-.Ltmp13, $3  }
0x1d3: {  	[sflag:s20] =	ssyncset.done $0x0  }
0x1d4: {  	[sflag:s20] =	ssyncadd.s32 $0xFFFFC000  }
0x1d5: {  	[bflag:$0x0] =	sbarrier.arrive $0xFFFF;
	_ =	sdelay $0x1  }
0x1d6: {  	p2 =	sne.s32 s9, $0x1  }
.Ltmp14:
0x1d7: {  	_ = 	snop;
	(pc) =	sbr.rel @!p2 .LBB2_25-.Ltmp14, $2  }
0x1d8: {  	_ =	sdelay $0x2  }
0x1d9: {  	s12 =	sadd.s32 $0xFFFFFFFF, s9;
	s14 =	sshrl.u32 s11, $0x3;
	p1 =	por $0x0, $0x0  }
0x1da: {  	s10 =	sadd.s32 s30, s14  }
0x1db: {  	[tilespmem:s21], [sflag:$0x2] =	stream.linear.gather [hbm4b:s10+s0], $0x80, $0x38;
	[tilespmem:$0x1C100] =	vst v63  }
0x1dc: {  	_ =	swait.ge [sflag:s20], $0x80  }
0x1dd: {  	[sflag:s20] =	ssyncset.done $0x0  }
0x1de: {  	s14 =	sadd.s32 s31, s14;
	[sflag:s20] =	ssyncadd.s32 $0xFFFFFF80  }
0x1df: {  	[tilespmem:s22], [sflag:$0x2] =	stream.linear.gather [hbm4b:s14+s0], $0x80, $0x38;
	[tilespmem:$0x1C100] =	vst v63  }
0x1e0: {  	_ =	swait.ge [sflag:s20], $0x80  }
0x1e1: {  	[sflag:s20] =	ssyncset.done $0x0  }
0x1e2: {  	[sflag:s20] =	ssyncadd.s32 $0xFFFFFF80  }
0x1e3: {  	[tilespmem:s28], [sflag:$0x1] =	stream.indirect.gather [hbm4b:s5+s23], $0x80, s21, s23, $0xb8;
	[tilespmem:$0x1C100] =	vst v63  }
0x1e4: {  	p2 =	sne.s32 s12, $0x1;
	_ =	swait.ge [sflag:s29], $0x4000  }
.Ltmp15:
0x1e5: {  	[sflag:s29] =	ssyncset.done $0x0;
	(pc) =	sbr.rel @!p2 .LBB2_22-.Ltmp15, $4  }
0x1e6: {  	[sflag:s29] =	ssyncadd.s32 $0xFFFFC000  }
0x1e7: {  	[spmem:s26] =	stream.indirect.scatter.add.f32 [tilespmem:s28], [sflag:$0x2], $0x80, s22, s23, $0xb8;
	[tilespmem:$0x1C100] =	vst v63  }
0x1e8: {  	s12 =	sadd.s32 $0xFFFFFFFF, s12;
	s13 =	sadd.s32 $0x80, s11;
	_ =	swait.ge [sflag:s20], $0x4000  }
0x1e9: {  	p1 =	por $0x1, $0x1;
	s14 =	sshrl.u32 s13, $0x3;
	[sflag:s20] =	ssyncset.done $0x0  }
.LBB2_23:
0x1ea: {  	p2 =	sne.s32 s12, $0x1;
	s10 =	sadd.s32 s30, s14;
	[sflag:s20] =	ssyncadd.s32 $0xFFFFC000  }
0x1eb: {  	[tilespmem:s21], [sflag:$0x2] =	stream.linear.gather [hbm4b:s10+s0], $0x80, $0x38;
	[tilespmem:$0x1C100] =	vst v63  }
0x1ec: {  	s12 =	sadd.s32 $0xFFFFFFFF, s12;
	_ =	swait.ge [sflag:s20], $0x80  }
0x1ed: {  	[sflag:s20] =	ssyncset.done $0x0  }
0x1ee: {  	s10 =	sadd.s32 s31, s14;
	[sflag:s20] =	ssyncadd.s32 $0xFFFFFF80  }
0x1ef: {  	[tilespmem:s22], [sflag:$0x2] =	stream.linear.gather [hbm4b:s10+s0], $0x80, $0x38;
	[tilespmem:$0x1C100] =	vst v63  }
0x1f0: {  	_ =	swait.ge [sflag:s20], $0x80  }
0x1f1: {  	[sflag:s20] =	ssyncset.done $0x0  }
0x1f2: {  	[sflag:s20] =	ssyncadd.s32 $0xFFFFFF80  }
0x1f3: {  	[tilespmem:s28], [sflag:$0x1] =	stream.indirect.gather [hbm4b:s5+s23], $0x80, s21, s23, $0xb8;
	[tilespmem:$0x1C100] =	vst v63  }
0x1f4: {  	_ =	swait.ge [sflag:s29], $0x4000  }
.Ltmp16:
0x1f5: {  	[sflag:s29] =	ssyncset.done $0x0;
	(pc) =	sbr.rel @p2 .LBB2_23-.Ltmp16, $4  }
0x1f6: {  	[sflag:s29] =	ssyncadd.s32 $0xFFFFC000  }
0x1f7: {  	[spmem:s26] =	stream.indirect.scatter.add.f32 [tilespmem:s28], [sflag:$0x2], $0x80, s22, s23, $0xb8;
	[tilespmem:$0x1C100] =	vst v63  }
0x1f8: {  	s13 =	sadd.s32 $0x80, s13;
	_ =	swait.ge [sflag:s20], $0x4000  }
0x1f9: {  	s14 =	sshrl.u32 s13, $0x3;
	[sflag:s20] =	ssyncset.done $0x0  }
.Ltmp17:
0x1fa: {  	(pc) =	sbr.rel .LBB2_25-.Ltmp17, $2  }
0x1fb: {  	_ =	sdelay $0x2  }
0x1fc: {  	s13 =	rddreg [dreg:$0x1c]  }
.LBB2_8:
.Ltmp18:
0x1fd: {  	(pc) =	sbr.rel .LBB2_11-.Ltmp18, $2  }
0x1fe: {  	_ =	sdelay $0x2  }
0x1ff: {  	s13 =	rddreg [dreg:$0x1c]  }
.LBB2_15:
.Ltmp19:
0x200: {  	(pc) =	sbr.rel .LBB2_18-.Ltmp19, $2  }
0x201: {  	_ =	sdelay $0x2  }
0x202: {  	s13 =	rddreg [dreg:$0x1c]  }
.LBB2_27:
0x203: {  	_ =	sfence.sel $0x180000  }
0x204: {  	[bflag:$0x0] =	sbarrier.arrive $0xFFFF  }
0x205: {  	_ =	strace $0x9000004A  }
0x206: {  	s0 =	stileid.u32;
	[bflag:$0x2] =	sbarrier.arrive $0xFFFF  }
0x207: {  	p0 =	sne.s32 s0, $0x0;
	s0 =	rddreg [dreg:$0x3]  }
0x208: {  	s0 =	sadd.s32 @!p0 $0x100000, s0  }
0x209: {  	[sflag:s0] =	ssyncadd.tile.s32 @!p0 $0x1;
	_ =	shalt  }
.Lfunc_end2:
_tile_overlayer_lowered:
.L_overlay_start_2:
0x20a: {  	(tag) =	ssettag $0x2  }
0x20b: {  	s0 =	rddreg [dreg:$0x0];
	s2 =	stileid.u32  }
0x20c: {  	s1 =	rddreg [dreg:$0x1];
	p0 =	sne.s32 s2, $0x0  }
0x20d: {  	s3 =	rddreg [dreg:$0x2];
	[bflag:$0x3] =	sbarrier.arrive $0xFFFF;
	s2 =	simm.s32 @!p0 $0x1C02  }
0x20e: {  	[timem:s3], [sflag:s2] =	dma.local @!p0 [hbm:s0], s1  }
0x20f: {  	s0 =	simm.s32 @!p0 $0x2  }
0x210: {  	_ =	swait.ge @!p0 [sflag:s0], s1  }
0x211: {  	s1 =	ssub.s32 @!p0 $0x0, s1;
	[sflag:s0] =	ssyncset.done @!p0 $0x0  }
0x212: {  	[sflag:s0] =	ssyncadd.s32 @!p0 s1  }
0x213: {  	[bflag:$0x3] =	sbarrier.arrive $0xFFFF  }
0x214: {  	_ =	shalt  }

</sc_bundles>
